<compile_context>
chip_gen: v7x
topology: tpu7x:2x2x1
jax: 0.10.2.dev20260603
libtpu: 0.0.44.dev20260713+nightly
codegen_flags: <defaults>
</compile_context>

<pallas_src>
import functools

import jax
import jax.numpy as jnp
from jax import lax
from jax.experimental import pallas as pl
from jax.experimental.pallas import tpu as pltpu
from jax.experimental.pallas import tpu_sc as plsc

NC = 2
NS = 16
NW = NC * NS
DEGW = 16

_f32 = jnp.float32


def _sc_mesh():
    return plsc.VectorSubcoreMesh(
        core_axis_name="c", subcore_axis_name="s", num_cores=NC, num_subcores=NS
    )


def _make_deg_kernel(n_nodes: int, n_chunks: int, chunk: int):
    rpt = n_nodes // NS
    assert n_chunks >= 3

    @functools.partial(
        pl.kernel,
        out_type=jax.ShapeDtypeStruct((NC, n_nodes, DEGW), _f32),
        mesh=_sc_mesh(),
        compiler_params=pltpu.CompilerParams(use_tc_tiling_on_sc=False),
        scratch_types=[
            pltpu.VMEM((n_chunks, chunk), jnp.int32),
            pltpu.VMEM((chunk, DEGW), _f32),
            pltpu.VMEM_SHARED((n_nodes, DEGW), _f32),
            pltpu.SemaphoreType.DMA,
            pltpu.SemaphoreType.DMA,
        ],
    )
    def deg_kernel(dst_hbm, ones_hbm, zeros_hbm, out_hbm, dst_v, ones_v, acc,
                   ssem0, ssem1):
        c = lax.axis_index("c")
        s = lax.axis_index("s")
        w = c * NS + s
        pltpu.sync_copy(dst_hbm.at[w], dst_v)
        pltpu.sync_copy(ones_hbm, ones_v)
        pltpu.sync_copy(zeros_hbm, acc.at[pl.ds(s * rpt, rpt)])
        plsc.subcore_barrier()

        ssem = (ssem0, ssem1)
        pltpu.async_copy(ones_v, acc.at[dst_v.at[0]], ssem0, add=True)
        pltpu.async_copy(ones_v, acc.at[dst_v.at[1]], ssem1, add=True)

        def one(j, b):
            pltpu.make_async_copy(ones_v, acc.at[dst_v.at[j]], ssem[b]).wait()
            pltpu.async_copy(ones_v, acc.at[dst_v.at[j]], ssem[b], add=True)

        def body(i, carry):
            one(2 * i, 0)
            one(2 * i + 1, 1)
            return carry

        lax.fori_loop(1, n_chunks // 2, body, 0)
        if n_chunks % 2:
            one(n_chunks - 1, 0)
        pltpu.make_async_copy(ones_v, acc.at[dst_v.at[0]], ssem0).wait()
        pltpu.make_async_copy(ones_v, acc.at[dst_v.at[0]], ssem1).wait()
        plsc.subcore_barrier()
        pltpu.sync_copy(
            acc.at[pl.ds(s * rpt, rpt)], out_hbm.at[c, pl.ds(s * rpt, rpt)]
        )

    return deg_kernel


def _make_seg_sum_kernel(n_nodes: int, epw: int, d: int, chunk: int, nbuf: int):
    rpt = n_nodes // NS
    assert epw % chunk == 0 and chunk % 8 == 0 and epw % 8 == 0
    n_chunks = epw // chunk
    assert n_chunks >= 2 * nbuf
    rem = (n_chunks - nbuf) % nbuf
    params = None if d % 128 == 0 else pltpu.CompilerParams(use_tc_tiling_on_sc=False)

    scratch = (
        [pltpu.VMEM((chunk,), jnp.int32) for _ in range(2 * nbuf)]
        + [pltpu.VMEM((chunk, d), _f32) for _ in range(nbuf)]
        + [pltpu.VMEM_SHARED((n_nodes, d), _f32)]
        + [pltpu.SemaphoreType.DMA for _ in range(4 * nbuf)]
    )

    @functools.partial(
        pl.kernel,
        out_type=jax.ShapeDtypeStruct((NC, n_nodes, d), _f32),
        mesh=_sc_mesh(),
        compiler_params=params,
        scratch_types=scratch,
    )
    def seg_sum(table_hbm, src_hbm, dst_hbm, junk_hbm, zeros_hbm, out_hbm, *scr):
        sidx = scr[0:nbuf]
        didx = scr[nbuf:2 * nbuf]
        bufs = scr[2 * nbuf:3 * nbuf]
        acc = scr[3 * nbuf]
        gsem = scr[3 * nbuf + 1:4 * nbuf + 1]
        ssem = scr[4 * nbuf + 1:5 * nbuf + 1]
        isem = scr[5 * nbuf + 1:6 * nbuf + 1]
        dsem = scr[6 * nbuf + 1:7 * nbuf + 1]
        c = lax.axis_index("c")
        s = lax.axis_index("s")
        base = (c * NS + s) * epw

        def schunk(j):
            return src_hbm.at[pl.ds(base + j * chunk, chunk)]

        def dchunk(j):
            return dst_hbm.at[pl.ds(base + j * chunk, chunk)]

        pltpu.sync_copy(zeros_hbm, acc.at[pl.ds(s * rpt, rpt)])
        plsc.subcore_barrier()

        for q in range(nbuf):
            pltpu.async_copy(schunk(q), sidx[q], isem[q])
        for q in range(nbuf - 1):
            pltpu.async_copy(dchunk(q), didx[q], dsem[q])
        pltpu.sync_copy(junk_hbm, didx[nbuf - 1])
        pltpu.async_copy(bufs[nbuf - 1], acc.at[didx[nbuf - 1]], ssem[nbuf - 1], add=True)
        for q in range(nbuf - 1):
            pltpu.make_async_copy(schunk(q), sidx[q], isem[q]).wait()
            pltpu.async_copy(table_hbm.at[sidx[q]], bufs[q], gsem[q])

        def one(j, b, pre_src, pre_gather):
            pb = (b + nbuf - 1) % nbuf
            pltpu.make_async_copy(table_hbm.at[sidx[b]], bufs[b], gsem[b]).wait()
            if pre_src:
                pltpu.async_copy(schunk(j + nbuf), sidx[b], isem[b])
            pltpu.make_async_copy(bufs[pb], acc.at[didx[pb]], ssem[pb]).wait()
            if pre_gather:
                pltpu.async_copy(dchunk(j + nbuf - 1), didx[pb], dsem[pb])
                pltpu.make_async_copy(schunk(j + nbuf - 1), sidx[pb], isem[pb]).wait()
                pltpu.async_copy(table_hbm.at[sidx[pb]], bufs[pb], gsem[pb])
            pltpu.make_async_copy(dchunk(j), didx[b], dsem[b]).wait()
            pltpu.async_copy(bufs[b], acc.at[didx[b]], ssem[b], add=True)

        def steady(i, carry):
            for q in range(nbuf):
                one(i * nbuf + q, q, True, True)
            return carry

        nsteady = (n_chunks - nbuf - rem) // nbuf
        lax.fori_loop(0, nsteady, steady, 0)
        for r in range(rem):
            one(nsteady * nbuf + r, r, True, True)
        jt = n_chunks - nbuf
        one(jt, jt % nbuf, False, True)
        for q in range(1, nbuf):
            one(jt + q, (jt + q) % nbuf, False, False)
        pltpu.make_async_copy(
            bufs[(n_chunks - 1) % nbuf],
            acc.at[didx[(n_chunks - 1) % nbuf]],
            ssem[(n_chunks - 1) % nbuf],
        ).wait()

        plsc.subcore_barrier()
        pltpu.sync_copy(
            acc.at[pl.ds(s * rpt, rpt)], out_hbm.at[c, pl.ds(s * rpt, rpt)]
        )

    return seg_sum


def _tc_stage_a(x, w1, degp, bn: int):
    n, d_in = x.shape
    d_h = w1.shape[1]

    def body(x_ref, w1_ref, degp_ref, table_ref, dinv_ref):
        deg = (
            jnp.sum(degp_ref[0], axis=-1) + jnp.sum(degp_ref[1], axis=-1)
        ) * (1.0 / DEGW) + 1.0
        dinv = lax.rsqrt(deg)
        p = jnp.dot(x_ref[...], w1_ref[...], preferred_element_type=_f32)
        table_ref[...] = p * dinv[:, None]
        dinv_ref[...] = dinv[:, None]

    return pl.pallas_call(
        body,
        grid=(n // bn,),
        in_specs=[
            pl.BlockSpec((bn, d_in), lambda i: (i, 0)),
            pl.BlockSpec((d_in, d_h), lambda i: (0, 0)),
            pl.BlockSpec((NC, bn, DEGW), lambda i: (0, i, 0)),
        ],
        out_specs=[
            pl.BlockSpec((bn, d_h), lambda i: (i, 0)),
            pl.BlockSpec((bn, 1), lambda i: (i, 0)),
        ],
        out_shape=[
            jax.ShapeDtypeStruct((n, d_h), _f32),
            jax.ShapeDtypeStruct((n, 1), _f32),
        ],
    )(x, w1, degp)


def _tc_stage_b(aggp, table1, dinv, b1, w2p, bn: int):
    n, d_h = table1.shape
    d2 = w2p.shape[1]

    def body(aggp_ref, t1_ref, dinv_ref, b1_ref, w2_ref, out_ref):
        dv = dinv_ref[...]
        h = dv * (aggp_ref[0] + aggp_ref[1] + t1_ref[...]) + b1_ref[...]
        h = jnp.maximum(h, 0.0)
        q = jnp.dot(h, w2_ref[...], preferred_element_type=_f32)
        out_ref[...] = q * dv

    return pl.pallas_call(
        body,
        grid=(n // bn,),
        in_specs=[
            pl.BlockSpec((NC, bn, d_h), lambda i: (0, i, 0)),
            pl.BlockSpec((bn, d_h), lambda i: (i, 0)),
            pl.BlockSpec((bn, 1), lambda i: (i, 0)),
            pl.BlockSpec((1, d_h), lambda i: (0, 0)),
            pl.BlockSpec((d_h, d2), lambda i: (0, 0)),
        ],
        out_specs=pl.BlockSpec((bn, d2), lambda i: (i, 0)),
        out_shape=jax.ShapeDtypeStruct((n, d2), _f32),
    )(aggp, table1, dinv, b1, w2p)


def _tc_stage_c(aggp, table2, dinv, b2p, d_out: int, bn: int):
    n, d2 = table2.shape

    def body(aggp_ref, t2_ref, dinv_ref, b2_ref, out_ref):
        dv = dinv_ref[...]
        o = dv * (aggp_ref[0] + aggp_ref[1] + t2_ref[...]) + b2_ref[...]
        col = lax.broadcasted_iota(jnp.int32, o.shape, 1)
        valid = col < d_out
        neg = jnp.full_like(o, -jnp.inf)
        logits = jnp.where(valid, o, neg)
        m = jnp.max(logits, axis=-1, keepdims=True)
        lse = jnp.log(jnp.sum(jnp.exp(logits - m), axis=-1, keepdims=True)) + m
        out_ref[...] = (o - lse)[:, :d_out]

    return pl.pallas_call(
        body,
        grid=(n // bn,),
        in_specs=[
            pl.BlockSpec((NC, bn, d2), lambda i: (0, i, 0)),
            pl.BlockSpec((bn, d2), lambda i: (i, 0)),
            pl.BlockSpec((bn, 1), lambda i: (i, 0)),
            pl.BlockSpec((1, d2), lambda i: (0, 0)),
        ],
        out_specs=pl.BlockSpec((bn, d_out), lambda i: (i, 0)),
        out_shape=jax.ShapeDtypeStruct((n, d_out), _f32),
    )(aggp, table2, dinv, b2p)


def kernel(x, edge_index, W1, b1, W2, b2):
    n, d_in = x.shape
    e = edge_index.shape[1]
    d_h = W1.shape[1]
    d_out = W2.shape[1]
    d2 = 48
    npad = -(-n // (NS * 8)) * (NS * 8) + (NS * 8 if n % (NS * 8) == 0 else 0)

    assert e % NW == 0
    epw = e // NW
    ck, nb = 80, 4
    assert epw % ck == 0
    nck = epw // ck

    src_flat = edge_index[0]
    dst_flat = edge_index[1]
    dst_deg = edge_index[1].reshape(NW, nck, ck)

    rpt = npad // NS
    ones_deg = jnp.ones((ck, DEGW), _f32)
    zeros_deg = jnp.zeros((rpt, DEGW), _f32)
    zeros_h = jnp.zeros((rpt, d_h), _f32)
    zeros_2 = jnp.zeros((rpt, d2), _f32)
    w2p = jnp.pad(W2, ((0, 0), (0, d2 - d_out)))
    b1r = b1.reshape(1, d_h)
    b2p = jnp.pad(b2, (0, d2 - d_out)).reshape(1, d2)
    junk = (n + jnp.arange(ck, dtype=jnp.int32) % (npad - n)).astype(jnp.int32)

    degp = _make_deg_kernel(npad, nck, ck)(dst_deg, ones_deg, zeros_deg)
    table1, dinv = _tc_stage_a(x, W1, degp, bn=2000)
    aggp1 = _make_seg_sum_kernel(npad, epw, d_h, ck, nb)(
        table1, src_flat, dst_flat, junk, zeros_h)
    table2 = _tc_stage_b(aggp1, table1, dinv, b1r, w2p, bn=2000)
    aggp2 = _make_seg_sum_kernel(npad, epw, d2, ck, 6)(
        table2, src_flat, dst_flat, junk, zeros_2)
    return _tc_stage_c(aggp2, table2, dinv, b2p, d_out, bn=2000)

# --- scband reference (transcript-rebuilt; emitter-appended) ---
"""Pipeline reference for scband-gcn-reddit-65781719105727 (READ-ONLY COPY).

The authoritative reference and input builder live on the scoring server;
editing this copy changes nothing except your own understanding.
"""

import jax, jax.numpy as jnp
import numpy as np

N = 10000
E = 320000
D_IN = 128
D_H = 128
D_OUT = 42


def setup_inputs(seed: int = 0) -> dict:
    key = jax.random.key(seed)
    k1, k2, k3, k4, k5, k6 = jax.random.split(key, 6)
    x = jax.random.normal(k1, (N, D_IN), dtype=jnp.float32)
    edge_index = jax.random.randint(k2, (2, E), 0, N, dtype=jnp.int32)
    W1 = jax.random.normal(k3, (D_IN, D_H), dtype=jnp.float32) * (1.0 / np.sqrt(D_IN))
    b1 = jnp.zeros((D_H,), dtype=jnp.float32)
    W2 = jax.random.normal(k4, (D_H, D_OUT), dtype=jnp.float32) * (1.0 / np.sqrt(D_H))
    b2 = jnp.zeros((D_OUT,), dtype=jnp.float32)
    return {"x": x, "edge_index": edge_index, "W1": W1, "b1": b1, "W2": W2, "b2": b2}


def _gcn_conv(x, edge_index, W, b):
    # GCNConv: out = D^{-1/2} (A + I) D^{-1/2} (X W) + b
    n = x.shape[0]
    src = edge_index[0]
    dst = edge_index[1]
    loop = jnp.arange(n, dtype=src.dtype)
    src = jnp.concatenate([src, loop])
    dst = jnp.concatenate([dst, loop])
    deg = jnp.zeros((n,), dtype=x.dtype).at[dst].add(1.0)
    dinv = jax.lax.rsqrt(jnp.maximum(deg, 1.0))
    norm = dinv[src] * dinv[dst]
    h = x @ W
    msg = h[src] * norm[:, None]
    out = jnp.zeros((n, W.shape[1]), dtype=x.dtype).at[dst].add(msg)
    return out + b


def reference(x, edge_index, W1, b1, W2, b2):
    # layer 1
    h = _gcn_conv(x, edge_index, W1, b1)
    h = jax.nn.relu(h)
    # dropout is identity in eval/deterministic mode
    # layer 2
    out = _gcn_conv(h, edge_index, W2, b2)
    return jax.nn.log_softmax(out, axis=1)

if __name__ == "__main__":
    import jax
    _d = setup_inputs()
    print(jax.jit(kernel)(*tuple(_d.values())))

</pallas_src>

<mosaic_0001>
#map = affine_map<(d0, d1) -> (0, 0)>
#map1 = affine_map<(d0, d1) -> (0)>
#map2 = affine_map<(d0, d1) -> (0, 0, 0)>
module attributes {stable_mosaic.version = 14 : i64} {
  func.func @seg_sum(%arg0: i32, %arg1: i32, %arg2: memref<10000x48xf32, #tpu.memory_space<hbm>>, %arg3: memref<320000xi32, #tpu.memory_space<hbm>>, %arg4: memref<320000xi32, #tpu.memory_space<hbm>>, %arg5: memref<80xi32, #tpu.memory_space<hbm>>, %arg6: memref<632x48xf32, #tpu.memory_space<hbm>>, %arg7: memref<2x10112x48xf32, #tpu.memory_space<hbm>>, %arg8: memref<80xi32, #tpu.memory_space<vmem>>, %arg9: memref<80xi32, #tpu.memory_space<vmem>>, %arg10: memref<80xi32, #tpu.memory_space<vmem>>, %arg11: memref<80xi32, #tpu.memory_space<vmem>>, %arg12: memref<80xi32, #tpu.memory_space<vmem>>, %arg13: memref<80xi32, #tpu.memory_space<vmem>>, %arg14: memref<80xi32, #tpu.memory_space<vmem>>, %arg15: memref<80xi32, #tpu.memory_space<vmem>>, %arg16: memref<80xi32, #tpu.memory_space<vmem>>, %arg17: memref<80xi32, #tpu.memory_space<vmem>>, %arg18: memref<80xi32, #tpu.memory_space<vmem>>, %arg19: memref<80xi32, #tpu.memory_space<vmem>>, %arg20: memref<80x48xf32, #tpu.memory_space<vmem>>, %arg21: memref<80x48xf32, #tpu.memory_space<vmem>>, %arg22: memref<80x48xf32, #tpu.memory_space<vmem>>, %arg23: memref<80x48xf32, #tpu.memory_space<vmem>>, %arg24: memref<80x48xf32, #tpu.memory_space<vmem>>, %arg25: memref<80x48xf32, #tpu.memory_space<vmem>>, %arg26: memref<10112x48xf32, #tpu.memory_space<vmem_shared>>, %arg27: memref<!tpu.dma_semaphore, #tpu.memory_space<semaphore_mem>>, %arg28: memref<!tpu.dma_semaphore, #tpu.memory_space<semaphore_mem>>, %arg29: memref<!tpu.dma_semaphore, #tpu.memory_space<semaphore_mem>>, %arg30: memref<!tpu.dma_semaphore, #tpu.memory_space<semaphore_mem>>, %arg31: memref<!tpu.dma_semaphore, #tpu.memory_space<semaphore_mem>>, %arg32: memref<!tpu.dma_semaphore, #tpu.memory_space<semaphore_mem>>, %arg33: memref<!tpu.dma_semaphore, #tpu.memory_space<semaphore_mem>>, %arg34: memref<!tpu.dma_semaphore, #tpu.memory_space<semaphore_mem>>, %arg35: memref<!tpu.dma_semaphore, #tpu.memory_space<semaphore_mem>>, %arg36: memref<!tpu.dma_semaphore, #tpu.memory_space<semaphore_mem>>, %arg37: memref<!tpu.dma_semaphore, #tpu.memory_space<semaphore_mem>>, %arg38: memref<!tpu.dma_semaphore, #tpu.memory_space<semaphore_mem>>, %arg39: memref<!tpu.dma_semaphore, #tpu.memory_space<semaphore_mem>>, %arg40: memref<!tpu.dma_semaphore, #tpu.memory_space<semaphore_mem>>, %arg41: memref<!tpu.dma_semaphore, #tpu.memory_space<semaphore_mem>>, %arg42: memref<!tpu.dma_semaphore, #tpu.memory_space<semaphore_mem>>, %arg43: memref<!tpu.dma_semaphore, #tpu.memory_space<semaphore_mem>>, %arg44: memref<!tpu.dma_semaphore, #tpu.memory_space<semaphore_mem>>, %arg45: memref<!tpu.dma_semaphore, #tpu.memory_space<semaphore_mem>>, %arg46: memref<!tpu.dma_semaphore, #tpu.memory_space<semaphore_mem>>, %arg47: memref<!tpu.dma_semaphore, #tpu.memory_space<semaphore_mem>>, %arg48: memref<!tpu.dma_semaphore, #tpu.memory_space<semaphore_mem>>, %arg49: memref<!tpu.dma_semaphore, #tpu.memory_space<semaphore_mem>>, %arg50: memref<!tpu.dma_semaphore, #tpu.memory_space<semaphore_mem>>) attributes {dimension_semantics = [#tpu.dimension_semantics<core_parallel>, #tpu.dimension_semantics<subcore_parallel>], iteration_bounds = array<i64: 2, 16>, scalar_prefetch = 0 : i64, scratch_operands = 43 : i64, tpu.core_type = #tpu.core_type<sc_vector_subcore>, window_params = [{transform_indices = #map}, {transform_indices = #map1}, {transform_indices = #map1}, {transform_indices = #map1}, {transform_indices = #map}, {transform_indices = #map2}]} {
    %mul3A = arith.constant 16 : i32
    %mul3A_0 = arith.muli %arg0, %mul3A : i32
    %add3A = arith.addi %mul3A_0, %arg1 : i32
    %mul3A_1 = arith.constant 10000 : i32
    %mul3A_2 = arith.muli %add3A, %mul3A_1 : i32
    %mul3A_3 = arith.constant 632 : i32
    %mul3A_4 = arith.muli %arg1, %mul3A_3 : i32
    "tpu.region"() ({
      %run_scoped3A = tpu.sem_alloc : memref<!tpu.dma_semaphore, #tpu.memory_space<semaphore_mem>>
      %dma_start3A_327 = arith.constant 0 : i32
      %dma_start3A_328 = tpu.memref_slice %arg26[%mul3A_4, %dma_start3A_327] : memref<10112x48xf32, #tpu.memory_space<vmem_shared>> -> memref<632x48xf32, #tpu.memory_space<vmem_shared>>
      tpu.enqueue_dma source(%arg6 : memref<632x48xf32, #tpu.memory_space<hbm>>) target(%dma_start3A_328 : memref<632x48xf32, #tpu.memory_space<vmem_shared>>) target_semaphore(%run_scoped3A : memref<!tpu.dma_semaphore, #tpu.memory_space<semaphore_mem>>)
      %dma_wait3A_329 = arith.constant 0 : i32
      %dma_wait3A_330 = tpu.memref_slice %arg26[%mul3A_4, %dma_wait3A_329] : memref<10112x48xf32, #tpu.memory_space<vmem_shared>> -> memref<632x48xf32, #tpu.memory_space<vmem_shared>>
      tpu.wait_dma2 semaphore(%run_scoped3A : memref<!tpu.dma_semaphore, #tpu.memory_space<semaphore_mem>>) src(%arg6 : memref<632x48xf32, #tpu.memory_space<hbm>>) dst(%dma_wait3A_330 : memref<632x48xf32, #tpu.memory_space<vmem_shared>>)
      tpu.yield
    }) : () -> ()
    %barrier3A = arith.constant 0 : index
    tpu.barrier barrier_id(%barrier3A)
    %add3A_5 = arith.constant 0 : i32
    %add3A_6 = arith.addi %mul3A_2, %add3A_5 : i32
    %dma_start3A = tpu.memref_slice %arg3[%add3A_6] : memref<320000xi32, #tpu.memory_space<hbm>> -> memref<80xi32, #tpu.memory_space<hbm>>
    %dma_start3A_7 = tpu.memref_slice %arg3[%add3A_6] : memref<320000xi32, #tpu.memory_space<hbm>> -> memref<80xi32, #tpu.memory_space<hbm>>
    tpu.enqueue_dma source(%dma_start3A_7 : memref<80xi32, #tpu.memory_space<hbm>>) target(%arg8 : memref<80xi32, #tpu.memory_space<vmem>>) target_semaphore(%arg39 : memref<!tpu.dma_semaphore, #tpu.memory_space<semaphore_mem>>)
    %add3A_8 = arith.constant 80 : i32
    %add3A_9 = arith.addi %mul3A_2, %add3A_8 : i32
    %dma_start3A_10 = tpu.memref_slice %arg3[%add3A_9] : memref<320000xi32, #tpu.memory_space<hbm>> -> memref<80xi32, #tpu.memory_space<hbm>>
    %dma_start3A_11 = tpu.memref_slice %arg3[%add3A_9] : memref<320000xi32, #tpu.memory_space<hbm>> -> memref<80xi32, #tpu.memory_space<hbm>>
    tpu.enqueue_dma source(%dma_start3A_11 : memref<80xi32, #tpu.memory_space<hbm>>) target(%arg9 : memref<80xi32, #tpu.memory_space<vmem>>) target_semaphore(%arg40 : memref<!tpu.dma_semaphore, #tpu.memory_space<semaphore_mem>>)
    %add3A_12 = arith.constant 160 : i32
    %add3A_13 = arith.addi %mul3A_2, %add3A_12 : i32
    %dma_start3A_14 = tpu.memref_slice %arg3[%add3A_13] : memref<320000xi32, #tpu.memory_space<hbm>> -> memref<80xi32, #tpu.memory_space<hbm>>
    %dma_start3A_15 = tpu.memref_slice %arg3[%add3A_13] : memref<320000xi32, #tpu.memory_space<hbm>> -> memref<80xi32, #tpu.memory_space<hbm>>
    tpu.enqueue_dma source(%dma_start3A_15 : memref<80xi32, #tpu.memory_space<hbm>>) target(%arg10 : memref<80xi32, #tpu.memory_space<vmem>>) target_semaphore(%arg41 : memref<!tpu.dma_semaphore, #tpu.memory_space<semaphore_mem>>)
    %add3A_16 = arith.constant 240 : i32
    %add3A_17 = arith.addi %mul3A_2, %add3A_16 : i32
    %dma_start3A_18 = tpu.memref_slice %arg3[%add3A_17] : memref<320000xi32, #tpu.memory_space<hbm>> -> memref<80xi32, #tpu.memory_space<hbm>>
    %dma_start3A_19 = tpu.memref_slice %arg3[%add3A_17] : memref<320000xi32, #tpu.memory_space<hbm>> -> memref<80xi32, #tpu.memory_space<hbm>>
    tpu.enqueue_dma source(%dma_start3A_19 : memref<80xi32, #tpu.memory_space<hbm>>) target(%arg11 : memref<80xi32, #tpu.memory_space<vmem>>) target_semaphore(%arg42 : memref<!tpu.dma_semaphore, #tpu.memory_space<semaphore_mem>>)
    %add3A_20 = arith.constant 320 : i32
    %add3A_21 = arith.addi %mul3A_2, %add3A_20 : i32
    %dma_start3A_22 = tpu.memref_slice %arg3[%add3A_21] : memref<320000xi32, #tpu.memory_space<hbm>> -> memref<80xi32, #tpu.memory_space<hbm>>
    %dma_start3A_23 = tpu.memref_slice %arg3[%add3A_21] : memref<320000xi32, #tpu.memory_space<hbm>> -> memref<80xi32, #tpu.memory_space<hbm>>
    tpu.enqueue_dma source(%dma_start3A_23 : memref<80xi32, #tpu.memory_space<hbm>>) target(%arg12 : memref<80xi32, #tpu.memory_space<vmem>>) target_semaphore(%arg43 : memref<!tpu.dma_semaphore, #tpu.memory_space<semaphore_mem>>)
    %add3A_24 = arith.constant 400 : i32
    %add3A_25 = arith.addi %mul3A_2, %add3A_24 : i32
    %dma_start3A_26 = tpu.memref_slice %arg3[%add3A_25] : memref<320000xi32, #tpu.memory_space<hbm>> -> memref<80xi32, #tpu.memory_space<hbm>>
    %dma_start3A_27 = tpu.memref_slice %arg3[%add3A_25] : memref<320000xi32, #tpu.memory_space<hbm>> -> memref<80xi32, #tpu.memory_space<hbm>>
    tpu.enqueue_dma source(%dma_start3A_27 : memref<80xi32, #tpu.memory_space<hbm>>) target(%arg13 : memref<80xi32, #tpu.memory_space<vmem>>) target_semaphore(%arg44 : memref<!tpu.dma_semaphore, #tpu.memory_space<semaphore_mem>>)
    %add3A_28 = arith.constant 0 : i32
    %add3A_29 = arith.addi %mul3A_2, %add3A_28 : i32
    %dma_start3A_30 = tpu.memref_slice %arg4[%add3A_29] : memref<320000xi32, #tpu.memory_space<hbm>> -> memref<80xi32, #tpu.memory_space<hbm>>
    %dma_start3A_31 = tpu.memref_slice %arg4[%add3A_29] : memref<320000xi32, #tpu.memory_space<hbm>> -> memref<80xi32, #tpu.memory_space<hbm>>
    tpu.enqueue_dma source(%dma_start3A_31 : memref<80xi32, #tpu.memory_space<hbm>>) target(%arg14 : memref<80xi32, #tpu.memory_space<vmem>>) target_semaphore(%arg45 : memref<!tpu.dma_semaphore, #tpu.memory_space<semaphore_mem>>)
    %add3A_32 = arith.constant 80 : i32
    %add3A_33 = arith.addi %mul3A_2, %add3A_32 : i32
    %dma_start3A_34 = tpu.memref_slice %arg4[%add3A_33] : memref<320000xi32, #tpu.memory_space<hbm>> -> memref<80xi32, #tpu.memory_space<hbm>>
    %dma_start3A_35 = tpu.memref_slice %arg4[%add3A_33] : memref<320000xi32, #tpu.memory_space<hbm>> -> memref<80xi32, #tpu.memory_space<hbm>>
    tpu.enqueue_dma source(%dma_start3A_35 : memref<80xi32, #tpu.memory_space<hbm>>) target(%arg15 : memref<80xi32, #tpu.memory_space<vmem>>) target_semaphore(%arg46 : memref<!tpu.dma_semaphore, #tpu.memory_space<semaphore_mem>>)
    %add3A_36 = arith.constant 160 : i32
    %add3A_37 = arith.addi %mul3A_2, %add3A_36 : i32
    %dma_start3A_38 = tpu.memref_slice %arg4[%add3A_37] : memref<320000xi32, #tpu.memory_space<hbm>> -> memref<80xi32, #tpu.memory_space<hbm>>
    %dma_start3A_39 = tpu.memref_slice %arg4[%add3A_37] : memref<320000xi32, #tpu.memory_space<hbm>> -> memref<80xi32, #tpu.memory_space<hbm>>
    tpu.enqueue_dma source(%dma_start3A_39 : memref<80xi32, #tpu.memory_space<hbm>>) target(%arg16 : memref<80xi32, #tpu.memory_space<vmem>>) target_semaphore(%arg47 : memref<!tpu.dma_semaphore, #tpu.memory_space<semaphore_mem>>)
    %add3A_40 = arith.constant 240 : i32
    %add3A_41 = arith.addi %mul3A_2, %add3A_40 : i32
    %dma_start3A_42 = tpu.memref_slice %arg4[%add3A_41] : memref<320000xi32, #tpu.memory_space<hbm>> -> memref<80xi32, #tpu.memory_space<hbm>>
    %dma_start3A_43 = tpu.memref_slice %arg4[%add3A_41] : memref<320000xi32, #tpu.memory_space<hbm>> -> memref<80xi32, #tpu.memory_space<hbm>>
    tpu.enqueue_dma source(%dma_start3A_43 : memref<80xi32, #tpu.memory_space<hbm>>) target(%arg17 : memref<80xi32, #tpu.memory_space<vmem>>) target_semaphore(%arg48 : memref<!tpu.dma_semaphore, #tpu.memory_space<semaphore_mem>>)
    %add3A_44 = arith.constant 320 : i32
    %add3A_45 = arith.addi %mul3A_2, %add3A_44 : i32
    %dma_start3A_46 = tpu.memref_slice %arg4[%add3A_45] : memref<320000xi32, #tpu.memory_space<hbm>> -> memref<80xi32, #tpu.memory_space<hbm>>
    %dma_start3A_47 = tpu.memref_slice %arg4[%add3A_45] : memref<320000xi32, #tpu.memory_space<hbm>> -> memref<80xi32, #tpu.memory_space<hbm>>
    tpu.enqueue_dma source(%dma_start3A_47 : memref<80xi32, #tpu.memory_space<hbm>>) target(%arg18 : memref<80xi32, #tpu.memory_space<vmem>>) target_semaphore(%arg49 : memref<!tpu.dma_semaphore, #tpu.memory_space<semaphore_mem>>)
    "tpu.region"() ({
      %run_scoped3A = tpu.sem_alloc : memref<!tpu.dma_semaphore, #tpu.memory_space<semaphore_mem>>
      tpu.enqueue_dma source(%arg5 : memref<80xi32, #tpu.memory_space<hbm>>) target(%arg19 : memref<80xi32, #tpu.memory_space<vmem>>) target_semaphore(%run_scoped3A : memref<!tpu.dma_semaphore, #tpu.memory_space<semaphore_mem>>)
      tpu.wait_dma2 semaphore(%run_scoped3A : memref<!tpu.dma_semaphore, #tpu.memory_space<semaphore_mem>>) src(%arg5 : memref<80xi32, #tpu.memory_space<hbm>>) dst(%arg19 : memref<80xi32, #tpu.memory_space<vmem>>)
      tpu.yield
    }) : () -> ()
    %dma_start3A_48 = arith.constant 0 : i32
    %dma_start3A_49 = arith.constant 0 : i32
    %dma_start3A_50 = tpu.memref_slice %arg26[%dma_start3A_48, %dma_start3A_49] : memref<10112x48xf32, #tpu.memory_space<vmem_shared>> -> memref<10112x48xf32, #tpu.memory_space<vmem_shared>>
    tpu.enqueue_indirect_dma source(%arg25 : memref<80x48xf32, #tpu.memory_space<vmem>>) target(%dma_start3A_50 : memref<10112x48xf32, #tpu.memory_space<vmem_shared>>) offsets(%arg19 : memref<80xi32, #tpu.memory_space<vmem>>) semaphore(%arg38 : memref<!tpu.dma_semaphore, #tpu.memory_space<semaphore_mem>>) {add = true}
    %add3A_51 = arith.constant 0 : i32
    %add3A_52 = arith.addi %mul3A_2, %add3A_51 : i32
    %dma_wait3A = tpu.memref_slice %arg3[%add3A_52] : memref<320000xi32, #tpu.memory_space<hbm>> -> memref<80xi32, #tpu.memory_space<hbm>>
    %dma_wait3A_53 = tpu.memref_slice %arg3[%add3A_52] : memref<320000xi32, #tpu.memory_space<hbm>> -> memref<80xi32, #tpu.memory_space<hbm>>
    tpu.wait_dma2 semaphore(%arg39 : memref<!tpu.dma_semaphore, #tpu.memory_space<semaphore_mem>>) src(%dma_wait3A_53 : memref<80xi32, #tpu.memory_space<hbm>>) dst(%arg8 : memref<80xi32, #tpu.memory_space<vmem>>)
    %dma_start3A_54 = arith.constant 0 : i32
    %dma_start3A_55 = arith.constant 0 : i32
    %dma_start3A_56 = tpu.memref_slice %arg2[%dma_start3A_54, %dma_start3A_55] : memref<10000x48xf32, #tpu.memory_space<hbm>> -> memref<10000x48xf32, #tpu.memory_space<hbm>>
    tpu.enqueue_indirect_dma source(%dma_start3A_56 : memref<10000x48xf32, #tpu.memory_space<hbm>>) target(%arg20 : memref<80x48xf32, #tpu.memory_space<vmem>>) offsets(%arg8 : memref<80xi32, #tpu.memory_space<vmem>>) semaphore(%arg27 : memref<!tpu.dma_semaphore, #tpu.memory_space<semaphore_mem>>)
    %add3A_57 = arith.constant 80 : i32
    %add3A_58 = arith.addi %mul3A_2, %add3A_57 : i32
    %dma_wait3A_59 = tpu.memref_slice %arg3[%add3A_58] : memref<320000xi32, #tpu.memory_space<hbm>> -> memref<80xi32, #tpu.memory_space<hbm>>
    %dma_wait3A_60 = tpu.memref_slice %arg3[%add3A_58] : memref<320000xi32, #tpu.memory_space<hbm>> -> memref<80xi32, #tpu.memory_space<hbm>>
    tpu.wait_dma2 semaphore(%arg40 : memref<!tpu.dma_semaphore, #tpu.memory_space<semaphore_mem>>) src(%dma_wait3A_60 : memref<80xi32, #tpu.memory_space<hbm>>) dst(%arg9 : memref<80xi32, #tpu.memory_space<vmem>>)
    %dma_start3A_61 = arith.constant 0 : i32
    %dma_start3A_62 = arith.constant 0 : i32
    %dma_start3A_63 = tpu.memref_slice %arg2[%dma_start3A_61, %dma_start3A_62] : memref<10000x48xf32, #tpu.memory_space<hbm>> -> memref<10000x48xf32, #tpu.memory_space<hbm>>
    tpu.enqueue_indirect_dma source(%dma_start3A_63 : memref<10000x48xf32, #tpu.memory_space<hbm>>) target(%arg21 : memref<80x48xf32, #tpu.memory_space<vmem>>) offsets(%arg9 : memref<80xi32, #tpu.memory_space<vmem>>) semaphore(%arg28 : memref<!tpu.dma_semaphore, #tpu.memory_space<semaphore_mem>>)
    %add3A_64 = arith.constant 160 : i32
    %add3A_65 = arith.addi %mul3A_2, %add3A_64 : i32
    %dma_wait3A_66 = tpu.memref_slice %arg3[%add3A_65] : memref<320000xi32, #tpu.memory_space<hbm>> -> memref<80xi32, #tpu.memory_space<hbm>>
    %dma_wait3A_67 = tpu.memref_slice %arg3[%add3A_65] : memref<320000xi32, #tpu.memory_space<hbm>> -> memref<80xi32, #tpu.memory_space<hbm>>
    tpu.wait_dma2 semaphore(%arg41 : memref<!tpu.dma_semaphore, #tpu.memory_space<semaphore_mem>>) src(%dma_wait3A_67 : memref<80xi32, #tpu.memory_space<hbm>>) dst(%arg10 : memref<80xi32, #tpu.memory_space<vmem>>)
    %dma_start3A_68 = arith.constant 0 : i32
    %dma_start3A_69 = arith.constant 0 : i32
    %dma_start3A_70 = tpu.memref_slice %arg2[%dma_start3A_68, %dma_start3A_69] : memref<10000x48xf32, #tpu.memory_space<hbm>> -> memref<10000x48xf32, #tpu.memory_space<hbm>>
    tpu.enqueue_indirect_dma source(%dma_start3A_70 : memref<10000x48xf32, #tpu.memory_space<hbm>>) target(%arg22 : memref<80x48xf32, #tpu.memory_space<vmem>>) offsets(%arg10 : memref<80xi32, #tpu.memory_space<vmem>>) semaphore(%arg29 : memref<!tpu.dma_semaphore, #tpu.memory_space<semaphore_mem>>)
    %add3A_71 = arith.constant 240 : i32
    %add3A_72 = arith.addi %mul3A_2, %add3A_71 : i32
    %dma_wait3A_73 = tpu.memref_slice %arg3[%add3A_72] : memref<320000xi32, #tpu.memory_space<hbm>> -> memref<80xi32, #tpu.memory_space<hbm>>
    %dma_wait3A_74 = tpu.memref_slice %arg3[%add3A_72] : memref<320000xi32, #tpu.memory_space<hbm>> -> memref<80xi32, #tpu.memory_space<hbm>>
    tpu.wait_dma2 semaphore(%arg42 : memref<!tpu.dma_semaphore, #tpu.memory_space<semaphore_mem>>) src(%dma_wait3A_74 : memref<80xi32, #tpu.memory_space<hbm>>) dst(%arg11 : memref<80xi32, #tpu.memory_space<vmem>>)
    %dma_start3A_75 = arith.constant 0 : i32
    %dma_start3A_76 = arith.constant 0 : i32
    %dma_start3A_77 = tpu.memref_slice %arg2[%dma_start3A_75, %dma_start3A_76] : memref<10000x48xf32, #tpu.memory_space<hbm>> -> memref<10000x48xf32, #tpu.memory_space<hbm>>
    tpu.enqueue_indirect_dma source(%dma_start3A_77 : memref<10000x48xf32, #tpu.memory_space<hbm>>) target(%arg23 : memref<80x48xf32, #tpu.memory_space<vmem>>) offsets(%arg11 : memref<80xi32, #tpu.memory_space<vmem>>) semaphore(%arg30 : memref<!tpu.dma_semaphore, #tpu.memory_space<semaphore_mem>>)
    %add3A_78 = arith.constant 320 : i32
    %add3A_79 = arith.addi %mul3A_2, %add3A_78 : i32
    %dma_wait3A_80 = tpu.memref_slice %arg3[%add3A_79] : memref<320000xi32, #tpu.memory_space<hbm>> -> memref<80xi32, #tpu.memory_space<hbm>>
    %dma_wait3A_81 = tpu.memref_slice %arg3[%add3A_79] : memref<320000xi32, #tpu.memory_space<hbm>> -> memref<80xi32, #tpu.memory_space<hbm>>
    tpu.wait_dma2 semaphore(%arg43 : memref<!tpu.dma_semaphore, #tpu.memory_space<semaphore_mem>>) src(%dma_wait3A_81 : memref<80xi32, #tpu.memory_space<hbm>>) dst(%arg12 : memref<80xi32, #tpu.memory_space<vmem>>)
    %dma_start3A_82 = arith.constant 0 : i32
    %dma_start3A_83 = arith.constant 0 : i32
    %dma_start3A_84 = tpu.memref_slice %arg2[%dma_start3A_82, %dma_start3A_83] : memref<10000x48xf32, #tpu.memory_space<hbm>> -> memref<10000x48xf32, #tpu.memory_space<hbm>>
    tpu.enqueue_indirect_dma source(%dma_start3A_84 : memref<10000x48xf32, #tpu.memory_space<hbm>>) target(%arg24 : memref<80x48xf32, #tpu.memory_space<vmem>>) offsets(%arg12 : memref<80xi32, #tpu.memory_space<vmem>>) semaphore(%arg31 : memref<!tpu.dma_semaphore, #tpu.memory_space<semaphore_mem>>)
    %scan3A = arith.constant 0 : i32
    %scan3A_85 = arith.constant 0 : i32
    %scan3A_86 = arith.constant 19 : i32
    %scan3A_87 = arith.addi %scan3A_85, %scan3A_86 : i32
    %scan3A_88 = arith.constant 1 : i32
    scf.for %scan3A_327 = %scan3A_85 to %scan3A_87 step %scan3A_88  : i32 {
      %mul3A_328 = arith.constant 6 : i32
      %mul3A_329 = arith.muli %scan3A_327, %mul3A_328 : i32
      %add3A_330 = arith.constant 0 : i32
      %add3A_331 = arith.addi %mul3A_329, %add3A_330 : i32
      %dma_wait3A_332 = arith.constant 0 : i32
      %dma_wait3A_333 = arith.constant 0 : i32
      %dma_wait3A_334 = tpu.memref_slice %arg2[%dma_wait3A_332, %dma_wait3A_333] : memref<10000x48xf32, #tpu.memory_space<hbm>> -> memref<10000x48xf32, #tpu.memory_space<hbm>>
      tpu.wait_indirect_dma semaphore(%arg27 : memref<!tpu.dma_semaphore, #tpu.memory_space<semaphore_mem>>) src(%dma_wait3A_334 : memref<10000x48xf32, #tpu.memory_space<hbm>>) dst(%arg20 : memref<80x48xf32, #tpu.memory_space<vmem>>)
      %add3A_335 = arith.constant 6 : i32
      %add3A_336 = arith.addi %add3A_331, %add3A_335 : i32
      %mul3A_337 = arith.constant 80 : i32
      %mul3A_338 = arith.muli %add3A_336, %mul3A_337 : i32
      %add3A_339 = arith.addi %mul3A_2, %mul3A_338 : i32
      %dma_start3A_340 = tpu.memref_slice %arg3[%add3A_339] : memref<320000xi32, #tpu.memory_space<hbm>> -> memref<80xi32, #tpu.memory_space<hbm>>
      %dma_start3A_341 = tpu.memref_slice %arg3[%add3A_339] : memref<320000xi32, #tpu.memory_space<hbm>> -> memref<80xi32, #tpu.memory_space<hbm>>
      tpu.enqueue_dma source(%dma_start3A_341 : memref<80xi32, #tpu.memory_space<hbm>>) target(%arg8 : memref<80xi32, #tpu.memory_space<vmem>>) target_semaphore(%arg39 : memref<!tpu.dma_semaphore, #tpu.memory_space<semaphore_mem>>)
      %dma_wait3A_342 = arith.constant 0 : i32
      %dma_wait3A_343 = arith.constant 0 : i32
      %dma_wait3A_344 = tpu.memref_slice %arg26[%dma_wait3A_342, %dma_wait3A_343] : memref<10112x48xf32, #tpu.memory_space<vmem_shared>> -> memref<10112x48xf32, #tpu.memory_space<vmem_shared>>
      tpu.wait_indirect_dma semaphore(%arg38 : memref<!tpu.dma_semaphore, #tpu.memory_space<semaphore_mem>>) src(%arg25 : memref<80x48xf32, #tpu.memory_space<vmem>>) dst(%dma_wait3A_344 : memref<10112x48xf32, #tpu.memory_space<vmem_shared>>)
      %add3A_345 = arith.constant 6 : i32
      %add3A_346 = arith.addi %add3A_331, %add3A_345 : i32
      %sub3A = arith.constant 1 : i32
      %sub3A_347 = arith.subi %add3A_346, %sub3A : i32
      %mul3A_348 = arith.constant 80 : i32
      %mul3A_349 = arith.muli %sub3A_347, %mul3A_348 : i32
      %add3A_350 = arith.addi %mul3A_2, %mul3A_349 : i32
      %dma_start3A_351 = tpu.memref_slice %arg4[%add3A_350] : memref<320000xi32, #tpu.memory_space<hbm>> -> memref<80xi32, #tpu.memory_space<hbm>>
      %dma_start3A_352 = tpu.memref_slice %arg4[%add3A_350] : memref<320000xi32, #tpu.memory_space<hbm>> -> memref<80xi32, #tpu.memory_space<hbm>>
      tpu.enqueue_dma source(%dma_start3A_352 : memref<80xi32, #tpu.memory_space<hbm>>) target(%arg19 : memref<80xi32, #tpu.memory_space<vmem>>) target_semaphore(%arg50 : memref<!tpu.dma_semaphore, #tpu.memory_space<semaphore_mem>>)
      %add3A_353 = arith.constant 6 : i32
      %add3A_354 = arith.addi %add3A_331, %add3A_353 : i32
      %sub3A_355 = arith.constant 1 : i32
      %sub3A_356 = arith.subi %add3A_354, %sub3A_355 : i32
      %mul3A_357 = arith.constant 80 : i32
      %mul3A_358 = arith.muli %sub3A_356, %mul3A_357 : i32
      %add3A_359 = arith.addi %mul3A_2, %mul3A_358 : i32
      %dma_wait3A_360 = tpu.memref_slice %arg3[%add3A_359] : memref<320000xi32, #tpu.memory_space<hbm>> -> memref<80xi32, #tpu.memory_space<hbm>>
      %dma_wait3A_361 = tpu.memref_slice %arg3[%add3A_359] : memref<320000xi32, #tpu.memory_space<hbm>> -> memref<80xi32, #tpu.memory_space<hbm>>
      tpu.wait_dma2 semaphore(%arg44 : memref<!tpu.dma_semaphore, #tpu.memory_space<semaphore_mem>>) src(%dma_wait3A_361 : memref<80xi32, #tpu.memory_space<hbm>>) dst(%arg13 : memref<80xi32, #tpu.memory_space<vmem>>)
      %dma_start3A_362 = arith.constant 0 : i32
      %dma_start3A_363 = arith.constant 0 : i32
      %dma_start3A_364 = tpu.memref_slice %arg2[%dma_start3A_362, %dma_start3A_363] : memref<10000x48xf32, #tpu.memory_space<hbm>> -> memref<10000x48xf32, #tpu.memory_space<hbm>>
      tpu.enqueue_indirect_dma source(%dma_start3A_364 : memref<10000x48xf32, #tpu.memory_space<hbm>>) target(%arg25 : memref<80x48xf32, #tpu.memory_space<vmem>>) offsets(%arg13 : memref<80xi32, #tpu.memory_space<vmem>>) semaphore(%arg32 : memref<!tpu.dma_semaphore, #tpu.memory_space<semaphore_mem>>)
      %mul3A_365 = arith.constant 80 : i32
      %mul3A_366 = arith.muli %add3A_331, %mul3A_365 : i32
      %add3A_367 = arith.addi %mul3A_2, %mul3A_366 : i32
      %dma_wait3A_368 = tpu.memref_slice %arg4[%add3A_367] : memref<320000xi32, #tpu.memory_space<hbm>> -> memref<80xi32, #tpu.memory_space<hbm>>
      %dma_wait3A_369 = tpu.memref_slice %arg4[%add3A_367] : memref<320000xi32, #tpu.memory_space<hbm>> -> memref<80xi32, #tpu.memory_space<hbm>>
      tpu.wait_dma2 semaphore(%arg45 : memref<!tpu.dma_semaphore, #tpu.memory_space<semaphore_mem>>) src(%dma_wait3A_369 : memref<80xi32, #tpu.memory_space<hbm>>) dst(%arg14 : memref<80xi32, #tpu.memory_space<vmem>>)
      %dma_start3A_370 = arith.constant 0 : i32
      %dma_start3A_371 = arith.constant 0 : i32
      %dma_start3A_372 = tpu.memref_slice %arg26[%dma_start3A_370, %dma_start3A_371] : memref<10112x48xf32, #tpu.memory_space<vmem_shared>> -> memref<10112x48xf32, #tpu.memory_space<vmem_shared>>
      tpu.enqueue_indirect_dma source(%arg20 : memref<80x48xf32, #tpu.memory_space<vmem>>) target(%dma_start3A_372 : memref<10112x48xf32, #tpu.memory_space<vmem_shared>>) offsets(%arg14 : memref<80xi32, #tpu.memory_space<vmem>>) semaphore(%arg33 : memref<!tpu.dma_semaphore, #tpu.memory_space<semaphore_mem>>) {add = true}
      %mul3A_373 = arith.constant 6 : i32
      %mul3A_374 = arith.muli %scan3A_327, %mul3A_373 : i32
      %add3A_375 = arith.constant 1 : i32
      %add3A_376 = arith.addi %mul3A_374, %add3A_375 : i32
      %dma_wait3A_377 = arith.constant 0 : i32
      %dma_wait3A_378 = arith.constant 0 : i32
      %dma_wait3A_379 = tpu.memref_slice %arg2[%dma_wait3A_377, %dma_wait3A_378] : memref<10000x48xf32, #tpu.memory_space<hbm>> -> memref<10000x48xf32, #tpu.memory_space<hbm>>
      tpu.wait_indirect_dma semaphore(%arg28 : memref<!tpu.dma_semaphore, #tpu.memory_space<semaphore_mem>>) src(%dma_wait3A_379 : memref<10000x48xf32, #tpu.memory_space<hbm>>) dst(%arg21 : memref<80x48xf32, #tpu.memory_space<vmem>>)
      %add3A_380 = arith.constant 6 : i32
      %add3A_381 = arith.addi %add3A_376, %add3A_380 : i32
      %mul3A_382 = arith.constant 80 : i32
      %mul3A_383 = arith.muli %add3A_381, %mul3A_382 : i32
      %add3A_384 = arith.addi %mul3A_2, %mul3A_383 : i32
      %dma_start3A_385 = tpu.memref_slice %arg3[%add3A_384] : memref<320000xi32, #tpu.memory_space<hbm>> -> memref<80xi32, #tpu.memory_space<hbm>>
      %dma_start3A_386 = tpu.memref_slice %arg3[%add3A_384] : memref<320000xi32, #tpu.memory_space<hbm>> -> memref<80xi32, #tpu.memory_space<hbm>>
      tpu.enqueue_dma source(%dma_start3A_386 : memref<80xi32, #tpu.memory_space<hbm>>) target(%arg9 : memref<80xi32, #tpu.memory_space<vmem>>) target_semaphore(%arg40 : memref<!tpu.dma_semaphore, #tpu.memory_space<semaphore_mem>>)
      %dma_wait3A_387 = arith.constant 0 : i32
      %dma_wait3A_388 = arith.constant 0 : i32
      %dma_wait3A_389 = tpu.memref_slice %arg26[%dma_wait3A_387, %dma_wait3A_388] : memref<10112x48xf32, #tpu.memory_space<vmem_shared>> -> memref<10112x48xf32, #tpu.memory_space<vmem_shared>>
      tpu.wait_indirect_dma semaphore(%arg33 : memref<!tpu.dma_semaphore, #tpu.memory_space<semaphore_mem>>) src(%arg20 : memref<80x48xf32, #tpu.memory_space<vmem>>) dst(%dma_wait3A_389 : memref<10112x48xf32, #tpu.memory_space<vmem_shared>>)
      %add3A_390 = arith.constant 6 : i32
      %add3A_391 = arith.addi %add3A_376, %add3A_390 : i32
      %sub3A_392 = arith.constant 1 : i32
      %sub3A_393 = arith.subi %add3A_391, %sub3A_392 : i32
      %mul3A_394 = arith.constant 80 : i32
      %mul3A_395 = arith.muli %sub3A_393, %mul3A_394 : i32
      %add3A_396 = arith.addi %mul3A_2, %mul3A_395 : i32
      %dma_start3A_397 = tpu.memref_slice %arg4[%add3A_396] : memref<320000xi32, #tpu.memory_space<hbm>> -> memref<80xi32, #tpu.memory_space<hbm>>
      %dma_start3A_398 = tpu.memref_slice %arg4[%add3A_396] : memref<320000xi32, #tpu.memory_space<hbm>> -> memref<80xi32, #tpu.memory_space<hbm>>
      tpu.enqueue_dma source(%dma_start3A_398 : memref<80xi32, #tpu.memory_space<hbm>>) target(%arg14 : memref<80xi32, #tpu.memory_space<vmem>>) target_semaphore(%arg45 : memref<!tpu.dma_semaphore, #tpu.memory_space<semaphore_mem>>)
      %add3A_399 = arith.constant 6 : i32
      %add3A_400 = arith.addi %add3A_376, %add3A_399 : i32
      %sub3A_401 = arith.constant 1 : i32
      %sub3A_402 = arith.subi %add3A_400, %sub3A_401 : i32
      %mul3A_403 = arith.constant 80 : i32
      %mul3A_404 = arith.muli %sub3A_402, %mul3A_403 : i32
      %add3A_405 = arith.addi %mul3A_2, %mul3A_404 : i32
      %dma_wait3A_406 = tpu.memref_slice %arg3[%add3A_405] : memref<320000xi32, #tpu.memory_space<hbm>> -> memref<80xi32, #tpu.memory_space<hbm>>
      %dma_wait3A_407 = tpu.memref_slice %arg3[%add3A_405] : memref<320000xi32, #tpu.memory_space<hbm>> -> memref<80xi32, #tpu.memory_space<hbm>>
      tpu.wait_dma2 semaphore(%arg39 : memref<!tpu.dma_semaphore, #tpu.memory_space<semaphore_mem>>) src(%dma_wait3A_407 : memref<80xi32, #tpu.memory_space<hbm>>) dst(%arg8 : memref<80xi32, #tpu.memory_space<vmem>>)
      %dma_start3A_408 = arith.constant 0 : i32
      %dma_start3A_409 = arith.constant 0 : i32
      %dma_start3A_410 = tpu.memref_slice %arg2[%dma_start3A_408, %dma_start3A_409] : memref<10000x48xf32, #tpu.memory_space<hbm>> -> memref<10000x48xf32, #tpu.memory_space<hbm>>
      tpu.enqueue_indirect_dma source(%dma_start3A_410 : memref<10000x48xf32, #tpu.memory_space<hbm>>) target(%arg20 : memref<80x48xf32, #tpu.memory_space<vmem>>) offsets(%arg8 : memref<80xi32, #tpu.memory_space<vmem>>) semaphore(%arg27 : memref<!tpu.dma_semaphore, #tpu.memory_space<semaphore_mem>>)
      %mul3A_411 = arith.constant 80 : i32
      %mul3A_412 = arith.muli %add3A_376, %mul3A_411 : i32
      %add3A_413 = arith.addi %mul3A_2, %mul3A_412 : i32
      %dma_wait3A_414 = tpu.memref_slice %arg4[%add3A_413] : memref<320000xi32, #tpu.memory_space<hbm>> -> memref<80xi32, #tpu.memory_space<hbm>>
      %dma_wait3A_415 = tpu.memref_slice %arg4[%add3A_413] : memref<320000xi32, #tpu.memory_space<hbm>> -> memref<80xi32, #tpu.memory_space<hbm>>
      tpu.wait_dma2 semaphore(%arg46 : memref<!tpu.dma_semaphore, #tpu.memory_space<semaphore_mem>>) src(%dma_wait3A_415 : memref<80xi32, #tpu.memory_space<hbm>>) dst(%arg15 : memref<80xi32, #tpu.memory_space<vmem>>)
      %dma_start3A_416 = arith.constant 0 : i32
      %dma_start3A_417 = arith.constant 0 : i32
      %dma_start3A_418 = tpu.memref_slice %arg26[%dma_start3A_416, %dma_start3A_417] : memref<10112x48xf32, #tpu.memory_space<vmem_shared>> -> memref<10112x48xf32, #tpu.memory_space<vmem_shared>>
      tpu.enqueue_indirect_dma source(%arg21 : memref<80x48xf32, #tpu.memory_space<vmem>>) target(%dma_start3A_418 : memref<10112x48xf32, #tpu.memory_space<vmem_shared>>) offsets(%arg15 : memref<80xi32, #tpu.memory_space<vmem>>) semaphore(%arg34 : memref<!tpu.dma_semaphore, #tpu.memory_space<semaphore_mem>>) {add = true}
      %mul3A_419 = arith.constant 6 : i32
      %mul3A_420 = arith.muli %scan3A_327, %mul3A_419 : i32
      %add3A_421 = arith.constant 2 : i32
      %add3A_422 = arith.addi %mul3A_420, %add3A_421 : i32
      %dma_wait3A_423 = arith.constant 0 : i32
      %dma_wait3A_424 = arith.constant 0 : i32
      %dma_wait3A_425 = tpu.memref_slice %arg2[%dma_wait3A_423, %dma_wait3A_424] : memref<10000x48xf32, #tpu.memory_space<hbm>> -> memref<10000x48xf32, #tpu.memory_space<hbm>>
      tpu.wait_indirect_dma semaphore(%arg29 : memref<!tpu.dma_semaphore, #tpu.memory_space<semaphore_mem>>) src(%dma_wait3A_425 : memref<10000x48xf32, #tpu.memory_space<hbm>>) dst(%arg22 : memref<80x48xf32, #tpu.memory_space<vmem>>)
      %add3A_426 = arith.constant 6 : i32
      %add3A_427 = arith.addi %add3A_422, %add3A_426 : i32
      %mul3A_428 = arith.constant 80 : i32
      %mul3A_429 = arith.muli %add3A_427, %mul3A_428 : i32
      %add3A_430 = arith.addi %mul3A_2, %mul3A_429 : i32
      %dma_start3A_431 = tpu.memref_slice %arg3[%add3A_430] : memref<320000xi32, #tpu.memory_space<hbm>> -> memref<80xi32, #tpu.memory_space<hbm>>
      %dma_start3A_432 = tpu.memref_slice %arg3[%add3A_430] : memref<320000xi32, #tpu.memory_space<hbm>> -> memref<80xi32, #tpu.memory_space<hbm>>
      tpu.enqueue_dma source(%dma_start3A_432 : memref<80xi32, #tpu.memory_space<hbm>>) target(%arg10 : memref<80xi32, #tpu.memory_space<vmem>>) target_semaphore(%arg41 : memref<!tpu.dma_semaphore, #tpu.memory_space<semaphore_mem>>)
      %dma_wait3A_433 = arith.constant 0 : i32
      %dma_wait3A_434 = arith.constant 0 : i32
      %dma_wait3A_435 = tpu.memref_slice %arg26[%dma_wait3A_433, %dma_wait3A_434] : memref<10112x48xf32, #tpu.memory_space<vmem_shared>> -> memref<10112x48xf32, #tpu.memory_space<vmem_shared>>
      tpu.wait_indirect_dma semaphore(%arg34 : memref<!tpu.dma_semaphore, #tpu.memory_space<semaphore_mem>>) src(%arg21 : memref<80x48xf32, #tpu.memory_space<vmem>>) dst(%dma_wait3A_435 : memref<10112x48xf32, #tpu.memory_space<vmem_shared>>)
      %add3A_436 = arith.constant 6 : i32
      %add3A_437 = arith.addi %add3A_422, %add3A_436 : i32
      %sub3A_438 = arith.constant 1 : i32
      %sub3A_439 = arith.subi %add3A_437, %sub3A_438 : i32
      %mul3A_440 = arith.constant 80 : i32
      %mul3A_441 = arith.muli %sub3A_439, %mul3A_440 : i32
      %add3A_442 = arith.addi %mul3A_2, %mul3A_441 : i32
      %dma_start3A_443 = tpu.memref_slice %arg4[%add3A_442] : memref<320000xi32, #tpu.memory_space<hbm>> -> memref<80xi32, #tpu.memory_space<hbm>>
      %dma_start3A_444 = tpu.memref_slice %arg4[%add3A_442] : memref<320000xi32, #tpu.memory_space<hbm>> -> memref<80xi32, #tpu.memory_space<hbm>>
      tpu.enqueue_dma source(%dma_start3A_444 : memref<80xi32, #tpu.memory_space<hbm>>) target(%arg15 : memref<80xi32, #tpu.memory_space<vmem>>) target_semaphore(%arg46 : memref<!tpu.dma_semaphore, #tpu.memory_space<semaphore_mem>>)
      %add3A_445 = arith.constant 6 : i32
      %add3A_446 = arith.addi %add3A_422, %add3A_445 : i32
      %sub3A_447 = arith.constant 1 : i32
      %sub3A_448 = arith.subi %add3A_446, %sub3A_447 : i32
      %mul3A_449 = arith.constant 80 : i32
      %mul3A_450 = arith.muli %sub3A_448, %mul3A_449 : i32
      %add3A_451 = arith.addi %mul3A_2, %mul3A_450 : i32
      %dma_wait3A_452 = tpu.memref_slice %arg3[%add3A_451] : memref<320000xi32, #tpu.memory_space<hbm>> -> memref<80xi32, #tpu.memory_space<hbm>>
      %dma_wait3A_453 = tpu.memref_slice %arg3[%add3A_451] : memref<320000xi32, #tpu.memory_space<hbm>> -> memref<80xi32, #tpu.memory_space<hbm>>
      tpu.wait_dma2 semaphore(%arg40 : memref<!tpu.dma_semaphore, #tpu.memory_space<semaphore_mem>>) src(%dma_wait3A_453 : memref<80xi32, #tpu.memory_space<hbm>>) dst(%arg9 : memref<80xi32, #tpu.memory_space<vmem>>)
      %dma_start3A_454 = arith.constant 0 : i32
      %dma_start3A_455 = arith.constant 0 : i32
      %dma_start3A_456 = tpu.memref_slice %arg2[%dma_start3A_454, %dma_start3A_455] : memref<10000x48xf32, #tpu.memory_space<hbm>> -> memref<10000x48xf32, #tpu.memory_space<hbm>>
      tpu.enqueue_indirect_dma source(%dma_start3A_456 : memref<10000x48xf32, #tpu.memory_space<hbm>>) target(%arg21 : memref<80x48xf32, #tpu.memory_space<vmem>>) offsets(%arg9 : memref<80xi32, #tpu.memory_space<vmem>>) semaphore(%arg28 : memref<!tpu.dma_semaphore, #tpu.memory_space<semaphore_mem>>)
      %mul3A_457 = arith.constant 80 : i32
      %mul3A_458 = arith.muli %add3A_422, %mul3A_457 : i32
      %add3A_459 = arith.addi %mul3A_2, %mul3A_458 : i32
      %dma_wait3A_460 = tpu.memref_slice %arg4[%add3A_459] : memref<320000xi32, #tpu.memory_space<hbm>> -> memref<80xi32, #tpu.memory_space<hbm>>
      %dma_wait3A_461 = tpu.memref_slice %arg4[%add3A_459] : memref<320000xi32, #tpu.memory_space<hbm>> -> memref<80xi32, #tpu.memory_space<hbm>>
      tpu.wait_dma2 semaphore(%arg47 : memref<!tpu.dma_semaphore, #tpu.memory_space<semaphore_mem>>) src(%dma_wait3A_461 : memref<80xi32, #tpu.memory_space<hbm>>) dst(%arg16 : memref<80xi32, #tpu.memory_space<vmem>>)
      %dma_start3A_462 = arith.constant 0 : i32
      %dma_start3A_463 = arith.constant 0 : i32
      %dma_start3A_464 = tpu.memref_slice %arg26[%dma_start3A_462, %dma_start3A_463] : memref<10112x48xf32, #tpu.memory_space<vmem_shared>> -> memref<10112x48xf32, #tpu.memory_space<vmem_shared>>
      tpu.enqueue_indirect_dma source(%arg22 : memref<80x48xf32, #tpu.memory_space<vmem>>) target(%dma_start3A_464 : memref<10112x48xf32, #tpu.memory_space<vmem_shared>>) offsets(%arg16 : memref<80xi32, #tpu.memory_space<vmem>>) semaphore(%arg35 : memref<!tpu.dma_semaphore, #tpu.memory_space<semaphore_mem>>) {add = true}
      %mul3A_465 = arith.constant 6 : i32
      %mul3A_466 = arith.muli %scan3A_327, %mul3A_465 : i32
      %add3A_467 = arith.constant 3 : i32
      %add3A_468 = arith.addi %mul3A_466, %add3A_467 : i32
      %dma_wait3A_469 = arith.constant 0 : i32
      %dma_wait3A_470 = arith.constant 0 : i32
      %dma_wait3A_471 = tpu.memref_slice %arg2[%dma_wait3A_469, %dma_wait3A_470] : memref<10000x48xf32, #tpu.memory_space<hbm>> -> memref<10000x48xf32, #tpu.memory_space<hbm>>
      tpu.wait_indirect_dma semaphore(%arg30 : memref<!tpu.dma_semaphore, #tpu.memory_space<semaphore_mem>>) src(%dma_wait3A_471 : memref<10000x48xf32, #tpu.memory_space<hbm>>) dst(%arg23 : memref<80x48xf32, #tpu.memory_space<vmem>>)
      %add3A_472 = arith.constant 6 : i32
      %add3A_473 = arith.addi %add3A_468, %add3A_472 : i32
      %mul3A_474 = arith.constant 80 : i32
      %mul3A_475 = arith.muli %add3A_473, %mul3A_474 : i32
      %add3A_476 = arith.addi %mul3A_2, %mul3A_475 : i32
      %dma_start3A_477 = tpu.memref_slice %arg3[%add3A_476] : memref<320000xi32, #tpu.memory_space<hbm>> -> memref<80xi32, #tpu.memory_space<hbm>>
      %dma_start3A_478 = tpu.memref_slice %arg3[%add3A_476] : memref<320000xi32, #tpu.memory_space<hbm>> -> memref<80xi32, #tpu.memory_space<hbm>>
      tpu.enqueue_dma source(%dma_start3A_478 : memref<80xi32, #tpu.memory_space<hbm>>) target(%arg11 : memref<80xi32, #tpu.memory_space<vmem>>) target_semaphore(%arg42 : memref<!tpu.dma_semaphore, #tpu.memory_space<semaphore_mem>>)
      %dma_wait3A_479 = arith.constant 0 : i32
      %dma_wait3A_480 = arith.constant 0 : i32
      %dma_wait3A_481 = tpu.memref_slice %arg26[%dma_wait3A_479, %dma_wait3A_480] : memref<10112x48xf32, #tpu.memory_space<vmem_shared>> -> memref<10112x48xf32, #tpu.memory_space<vmem_shared>>
      tpu.wait_indirect_dma semaphore(%arg35 : memref<!tpu.dma_semaphore, #tpu.memory_space<semaphore_mem>>) src(%arg22 : memref<80x48xf32, #tpu.memory_space<vmem>>) dst(%dma_wait3A_481 : memref<10112x48xf32, #tpu.memory_space<vmem_shared>>)
      %add3A_482 = arith.constant 6 : i32
      %add3A_483 = arith.addi %add3A_468, %add3A_482 : i32
      %sub3A_484 = arith.constant 1 : i32
      %sub3A_485 = arith.subi %add3A_483, %sub3A_484 : i32
      %mul3A_486 = arith.constant 80 : i32
      %mul3A_487 = arith.muli %sub3A_485, %mul3A_486 : i32
      %add3A_488 = arith.addi %mul3A_2, %mul3A_487 : i32
      %dma_start3A_489 = tpu.memref_slice %arg4[%add3A_488] : memref<320000xi32, #tpu.memory_space<hbm>> -> memref<80xi32, #tpu.memory_space<hbm>>
      %dma_start3A_490 = tpu.memref_slice %arg4[%add3A_488] : memref<320000xi32, #tpu.memory_space<hbm>> -> memref<80xi32, #tpu.memory_space<hbm>>
      tpu.enqueue_dma source(%dma_start3A_490 : memref<80xi32, #tpu.memory_space<hbm>>) target(%arg16 : memref<80xi32, #tpu.memory_space<vmem>>) target_semaphore(%arg47 : memref<!tpu.dma_semaphore, #tpu.memory_space<semaphore_mem>>)
      %add3A_491 = arith.constant 6 : i32
      %add3A_492 = arith.addi %add3A_468, %add3A_491 : i32
      %sub3A_493 = arith.constant 1 : i32
      %sub3A_494 = arith.subi %add3A_492, %sub3A_493 : i32
      %mul3A_495 = arith.constant 80 : i32
      %mul3A_496 = arith.muli %sub3A_494, %mul3A_495 : i32
      %add3A_497 = arith.addi %mul3A_2, %mul3A_496 : i32
      %dma_wait3A_498 = tpu.memref_slice %arg3[%add3A_497] : memref<320000xi32, #tpu.memory_space<hbm>> -> memref<80xi32, #tpu.memory_space<hbm>>
      %dma_wait3A_499 = tpu.memref_slice %arg3[%add3A_497] : memref<320000xi32, #tpu.memory_space<hbm>> -> memref<80xi32, #tpu.memory_space<hbm>>
      tpu.wait_dma2 semaphore(%arg41 : memref<!tpu.dma_semaphore, #tpu.memory_space<semaphore_mem>>) src(%dma_wait3A_499 : memref<80xi32, #tpu.memory_space<hbm>>) dst(%arg10 : memref<80xi32, #tpu.memory_space<vmem>>)
      %dma_start3A_500 = arith.constant 0 : i32
      %dma_start3A_501 = arith.constant 0 : i32
      %dma_start3A_502 = tpu.memref_slice %arg2[%dma_start3A_500, %dma_start3A_501] : memref<10000x48xf32, #tpu.memory_space<hbm>> -> memref<10000x48xf32, #tpu.memory_space<hbm>>
      tpu.enqueue_indirect_dma source(%dma_start3A_502 : memref<10000x48xf32, #tpu.memory_space<hbm>>) target(%arg22 : memref<80x48xf32, #tpu.memory_space<vmem>>) offsets(%arg10 : memref<80xi32, #tpu.memory_space<vmem>>) semaphore(%arg29 : memref<!tpu.dma_semaphore, #tpu.memory_space<semaphore_mem>>)
      %mul3A_503 = arith.constant 80 : i32
      %mul3A_504 = arith.muli %add3A_468, %mul3A_503 : i32
      %add3A_505 = arith.addi %mul3A_2, %mul3A_504 : i32
      %dma_wait3A_506 = tpu.memref_slice %arg4[%add3A_505] : memref<320000xi32, #tpu.memory_space<hbm>> -> memref<80xi32, #tpu.memory_space<hbm>>
      %dma_wait3A_507 = tpu.memref_slice %arg4[%add3A_505] : memref<320000xi32, #tpu.memory_space<hbm>> -> memref<80xi32, #tpu.memory_space<hbm>>
      tpu.wait_dma2 semaphore(%arg48 : memref<!tpu.dma_semaphore, #tpu.memory_space<semaphore_mem>>) src(%dma_wait3A_507 : memref<80xi32, #tpu.memory_space<hbm>>) dst(%arg17 : memref<80xi32, #tpu.memory_space<vmem>>)
      %dma_start3A_508 = arith.constant 0 : i32
      %dma_start3A_509 = arith.constant 0 : i32
      %dma_start3A_510 = tpu.memref_slice %arg26[%dma_start3A_508, %dma_start3A_509] : memref<10112x48xf32, #tpu.memory_space<vmem_shared>> -> memref<10112x48xf32, #tpu.memory_space<vmem_shared>>
      tpu.enqueue_indirect_dma source(%arg23 : memref<80x48xf32, #tpu.memory_space<vmem>>) target(%dma_start3A_510 : memref<10112x48xf32, #tpu.memory_space<vmem_shared>>) offsets(%arg17 : memref<80xi32, #tpu.memory_space<vmem>>) semaphore(%arg36 : memref<!tpu.dma_semaphore, #tpu.memory_space<semaphore_mem>>) {add = true}
      %mul3A_511 = arith.constant 6 : i32
      %mul3A_512 = arith.muli %scan3A_327, %mul3A_511 : i32
      %add3A_513 = arith.constant 4 : i32
      %add3A_514 = arith.addi %mul3A_512, %add3A_513 : i32
      %dma_wait3A_515 = arith.constant 0 : i32
      %dma_wait3A_516 = arith.constant 0 : i32
      %dma_wait3A_517 = tpu.memref_slice %arg2[%dma_wait3A_515, %dma_wait3A_516] : memref<10000x48xf32, #tpu.memory_space<hbm>> -> memref<10000x48xf32, #tpu.memory_space<hbm>>
      tpu.wait_indirect_dma semaphore(%arg31 : memref<!tpu.dma_semaphore, #tpu.memory_space<semaphore_mem>>) src(%dma_wait3A_517 : memref<10000x48xf32, #tpu.memory_space<hbm>>) dst(%arg24 : memref<80x48xf32, #tpu.memory_space<vmem>>)
      %add3A_518 = arith.constant 6 : i32
      %add3A_519 = arith.addi %add3A_514, %add3A_518 : i32
      %mul3A_520 = arith.constant 80 : i32
      %mul3A_521 = arith.muli %add3A_519, %mul3A_520 : i32
      %add3A_522 = arith.addi %mul3A_2, %mul3A_521 : i32
      %dma_start3A_523 = tpu.memref_slice %arg3[%add3A_522] : memref<320000xi32, #tpu.memory_space<hbm>> -> memref<80xi32, #tpu.memory_space<hbm>>
      %dma_start3A_524 = tpu.memref_slice %arg3[%add3A_522] : memref<320000xi32, #tpu.memory_space<hbm>> -> memref<80xi32, #tpu.memory_space<hbm>>
      tpu.enqueue_dma source(%dma_start3A_524 : memref<80xi32, #tpu.memory_space<hbm>>) target(%arg12 : memref<80xi32, #tpu.memory_space<vmem>>) target_semaphore(%arg43 : memref<!tpu.dma_semaphore, #tpu.memory_space<semaphore_mem>>)
      %dma_wait3A_525 = arith.constant 0 : i32
      %dma_wait3A_526 = arith.constant 0 : i32
      %dma_wait3A_527 = tpu.memref_slice %arg26[%dma_wait3A_525, %dma_wait3A_526] : memref<10112x48xf32, #tpu.memory_space<vmem_shared>> -> memref<10112x48xf32, #tpu.memory_space<vmem_shared>>
      tpu.wait_indirect_dma semaphore(%arg36 : memref<!tpu.dma_semaphore, #tpu.memory_space<semaphore_mem>>) src(%arg23 : memref<80x48xf32, #tpu.memory_space<vmem>>) dst(%dma_wait3A_527 : memref<10112x48xf32, #tpu.memory_space<vmem_shared>>)
      %add3A_528 = arith.constant 6 : i32
      %add3A_529 = arith.addi %add3A_514, %add3A_528 : i32
      %sub3A_530 = arith.constant 1 : i32
      %sub3A_531 = arith.subi %add3A_529, %sub3A_530 : i32
      %mul3A_532 = arith.constant 80 : i32
      %mul3A_533 = arith.muli %sub3A_531, %mul3A_532 : i32
      %add3A_534 = arith.addi %mul3A_2, %mul3A_533 : i32
      %dma_start3A_535 = tpu.memref_slice %arg4[%add3A_534] : memref<320000xi32, #tpu.memory_space<hbm>> -> memref<80xi32, #tpu.memory_space<hbm>>
      %dma_start3A_536 = tpu.memref_slice %arg4[%add3A_534] : memref<320000xi32, #tpu.memory_space<hbm>> -> memref<80xi32, #tpu.memory_space<hbm>>
      tpu.enqueue_dma source(%dma_start3A_536 : memref<80xi32, #tpu.memory_space<hbm>>) target(%arg17 : memref<80xi32, #tpu.memory_space<vmem>>) target_semaphore(%arg48 : memref<!tpu.dma_semaphore, #tpu.memory_space<semaphore_mem>>)
      %add3A_537 = arith.constant 6 : i32
      %add3A_538 = arith.addi %add3A_514, %add3A_537 : i32
      %sub3A_539 = arith.constant 1 : i32
      %sub3A_540 = arith.subi %add3A_538, %sub3A_539 : i32
      %mul3A_541 = arith.constant 80 : i32
      %mul3A_542 = arith.muli %sub3A_540, %mul3A_541 : i32
      %add3A_543 = arith.addi %mul3A_2, %mul3A_542 : i32
      %dma_wait3A_544 = tpu.memref_slice %arg3[%add3A_543] : memref<320000xi32, #tpu.memory_space<hbm>> -> memref<80xi32, #tpu.memory_space<hbm>>
      %dma_wait3A_545 = tpu.memref_slice %arg3[%add3A_543] : memref<320000xi32, #tpu.memory_space<hbm>> -> memref<80xi32, #tpu.memory_space<hbm>>
      tpu.wait_dma2 semaphore(%arg42 : memref<!tpu.dma_semaphore, #tpu.memory_space<semaphore_mem>>) src(%dma_wait3A_545 : memref<80xi32, #tpu.memory_space<hbm>>) dst(%arg11 : memref<80xi32, #tpu.memory_space<vmem>>)
      %dma_start3A_546 = arith.constant 0 : i32
      %dma_start3A_547 = arith.constant 0 : i32
      %dma_start3A_548 = tpu.memref_slice %arg2[%dma_start3A_546, %dma_start3A_547] : memref<10000x48xf32, #tpu.memory_space<hbm>> -> memref<10000x48xf32, #tpu.memory_space<hbm>>
      tpu.enqueue_indirect_dma source(%dma_start3A_548 : memref<10000x48xf32, #tpu.memory_space<hbm>>) target(%arg23 : memref<80x48xf32, #tpu.memory_space<vmem>>) offsets(%arg11 : memref<80xi32, #tpu.memory_space<vmem>>) semaphore(%arg30 : memref<!tpu.dma_semaphore, #tpu.memory_space<semaphore_mem>>)
      %mul3A_549 = arith.constant 80 : i32
      %mul3A_550 = arith.muli %add3A_514, %mul3A_549 : i32
      %add3A_551 = arith.addi %mul3A_2, %mul3A_550 : i32
      %dma_wait3A_552 = tpu.memref_slice %arg4[%add3A_551] : memref<320000xi32, #tpu.memory_space<hbm>> -> memref<80xi32, #tpu.memory_space<hbm>>
      %dma_wait3A_553 = tpu.memref_slice %arg4[%add3A_551] : memref<320000xi32, #tpu.memory_space<hbm>> -> memref<80xi32, #tpu.memory_space<hbm>>
      tpu.wait_dma2 semaphore(%arg49 : memref<!tpu.dma_semaphore, #tpu.memory_space<semaphore_mem>>) src(%dma_wait3A_553 : memref<80xi32, #tpu.memory_space<hbm>>) dst(%arg18 : memref<80xi32, #tpu.memory_space<vmem>>)
      %dma_start3A_554 = arith.constant 0 : i32
      %dma_start3A_555 = arith.constant 0 : i32
      %dma_start3A_556 = tpu.memref_slice %arg26[%dma_start3A_554, %dma_start3A_555] : memref<10112x48xf32, #tpu.memory_space<vmem_shared>> -> memref<10112x48xf32, #tpu.memory_space<vmem_shared>>
      tpu.enqueue_indirect_dma source(%arg24 : memref<80x48xf32, #tpu.memory_space<vmem>>) target(%dma_start3A_556 : memref<10112x48xf32, #tpu.memory_space<vmem_shared>>) offsets(%arg18 : memref<80xi32, #tpu.memory_space<vmem>>) semaphore(%arg37 : memref<!tpu.dma_semaphore, #tpu.memory_space<semaphore_mem>>) {add = true}
      %mul3A_557 = arith.constant 6 : i32
      %mul3A_558 = arith.muli %scan3A_327, %mul3A_557 : i32
      %add3A_559 = arith.constant 5 : i32
      %add3A_560 = arith.addi %mul3A_558, %add3A_559 : i32
      %dma_wait3A_561 = arith.constant 0 : i32
      %dma_wait3A_562 = arith.constant 0 : i32
      %dma_wait3A_563 = tpu.memref_slice %arg2[%dma_wait3A_561, %dma_wait3A_562] : memref<10000x48xf32, #tpu.memory_space<hbm>> -> memref<10000x48xf32, #tpu.memory_space<hbm>>
      tpu.wait_indirect_dma semaphore(%arg32 : memref<!tpu.dma_semaphore, #tpu.memory_space<semaphore_mem>>) src(%dma_wait3A_563 : memref<10000x48xf32, #tpu.memory_space<hbm>>) dst(%arg25 : memref<80x48xf32, #tpu.memory_space<vmem>>)
      %add3A_564 = arith.constant 6 : i32
      %add3A_565 = arith.addi %add3A_560, %add3A_564 : i32
      %mul3A_566 = arith.constant 80 : i32
      %mul3A_567 = arith.muli %add3A_565, %mul3A_566 : i32
      %add3A_568 = arith.addi %mul3A_2, %mul3A_567 : i32
      %dma_start3A_569 = tpu.memref_slice %arg3[%add3A_568] : memref<320000xi32, #tpu.memory_space<hbm>> -> memref<80xi32, #tpu.memory_space<hbm>>
      %dma_start3A_570 = tpu.memref_slice %arg3[%add3A_568] : memref<320000xi32, #tpu.memory_space<hbm>> -> memref<80xi32, #tpu.memory_space<hbm>>
      tpu.enqueue_dma source(%dma_start3A_570 : memref<80xi32, #tpu.memory_space<hbm>>) target(%arg13 : memref<80xi32, #tpu.memory_space<vmem>>) target_semaphore(%arg44 : memref<!tpu.dma_semaphore, #tpu.memory_space<semaphore_mem>>)
      %dma_wait3A_571 = arith.constant 0 : i32
      %dma_wait3A_572 = arith.constant 0 : i32
      %dma_wait3A_573 = tpu.memref_slice %arg26[%dma_wait3A_571, %dma_wait3A_572] : memref<10112x48xf32, #tpu.memory_space<vmem_shared>> -> memref<10112x48xf32, #tpu.memory_space<vmem_shared>>
      tpu.wait_indirect_dma semaphore(%arg37 : memref<!tpu.dma_semaphore, #tpu.memory_space<semaphore_mem>>) src(%arg24 : memref<80x48xf32, #tpu.memory_space<vmem>>) dst(%dma_wait3A_573 : memref<10112x48xf32, #tpu.memory_space<vmem_shared>>)
      %add3A_574 = arith.constant 6 : i32
      %add3A_575 = arith.addi %add3A_560, %add3A_574 : i32
      %sub3A_576 = arith.constant 1 : i32
      %sub3A_577 = arith.subi %add3A_575, %sub3A_576 : i32
      %mul3A_578 = arith.constant 80 : i32
      %mul3A_579 = arith.muli %sub3A_577, %mul3A_578 : i32
      %add3A_580 = arith.addi %mul3A_2, %mul3A_579 : i32
      %dma_start3A_581 = tpu.memref_slice %arg4[%add3A_580] : memref<320000xi32, #tpu.memory_space<hbm>> -> memref<80xi32, #tpu.memory_space<hbm>>
      %dma_start3A_582 = tpu.memref_slice %arg4[%add3A_580] : memref<320000xi32, #tpu.memory_space<hbm>> -> memref<80xi32, #tpu.memory_space<hbm>>
      tpu.enqueue_dma source(%dma_start3A_582 : memref<80xi32, #tpu.memory_space<hbm>>) target(%arg18 : memref<80xi32, #tpu.memory_space<vmem>>) target_semaphore(%arg49 : memref<!tpu.dma_semaphore, #tpu.memory_space<semaphore_mem>>)
      %add3A_583 = arith.constant 6 : i32
      %add3A_584 = arith.addi %add3A_560, %add3A_583 : i32
      %sub3A_585 = arith.constant 1 : i32
      %sub3A_586 = arith.subi %add3A_584, %sub3A_585 : i32
      %mul3A_587 = arith.constant 80 : i32
      %mul3A_588 = arith.muli %sub3A_586, %mul3A_587 : i32
      %add3A_589 = arith.addi %mul3A_2, %mul3A_588 : i32
      %dma_wait3A_590 = tpu.memref_slice %arg3[%add3A_589] : memref<320000xi32, #tpu.memory_space<hbm>> -> memref<80xi32, #tpu.memory_space<hbm>>
      %dma_wait3A_591 = tpu.memref_slice %arg3[%add3A_589] : memref<320000xi32, #tpu.memory_space<hbm>> -> memref<80xi32, #tpu.memory_space<hbm>>
      tpu.wait_dma2 semaphore(%arg43 : memref<!tpu.dma_semaphore, #tpu.memory_space<semaphore_mem>>) src(%dma_wait3A_591 : memref<80xi32, #tpu.memory_space<hbm>>) dst(%arg12 : memref<80xi32, #tpu.memory_space<vmem>>)
      %dma_start3A_592 = arith.constant 0 : i32
      %dma_start3A_593 = arith.constant 0 : i32
      %dma_start3A_594 = tpu.memref_slice %arg2[%dma_start3A_592, %dma_start3A_593] : memref<10000x48xf32, #tpu.memory_space<hbm>> -> memref<10000x48xf32, #tpu.memory_space<hbm>>
      tpu.enqueue_indirect_dma source(%dma_start3A_594 : memref<10000x48xf32, #tpu.memory_space<hbm>>) target(%arg24 : memref<80x48xf32, #tpu.memory_space<vmem>>) offsets(%arg12 : memref<80xi32, #tpu.memory_space<vmem>>) semaphore(%arg31 : memref<!tpu.dma_semaphore, #tpu.memory_space<semaphore_mem>>)
      %mul3A_595 = arith.constant 80 : i32
      %mul3A_596 = arith.muli %add3A_560, %mul3A_595 : i32
      %add3A_597 = arith.addi %mul3A_2, %mul3A_596 : i32
      %dma_wait3A_598 = tpu.memref_slice %arg4[%add3A_597] : memref<320000xi32, #tpu.memory_space<hbm>> -> memref<80xi32, #tpu.memory_space<hbm>>
      %dma_wait3A_599 = tpu.memref_slice %arg4[%add3A_597] : memref<320000xi32, #tpu.memory_space<hbm>> -> memref<80xi32, #tpu.memory_space<hbm>>
      tpu.wait_dma2 semaphore(%arg50 : memref<!tpu.dma_semaphore, #tpu.memory_space<semaphore_mem>>) src(%dma_wait3A_599 : memref<80xi32, #tpu.memory_space<hbm>>) dst(%arg19 : memref<80xi32, #tpu.memory_space<vmem>>)
      %dma_start3A_600 = arith.constant 0 : i32
      %dma_start3A_601 = arith.constant 0 : i32
      %dma_start3A_602 = tpu.memref_slice %arg26[%dma_start3A_600, %dma_start3A_601] : memref<10112x48xf32, #tpu.memory_space<vmem_shared>> -> memref<10112x48xf32, #tpu.memory_space<vmem_shared>>
      tpu.enqueue_indirect_dma source(%arg25 : memref<80x48xf32, #tpu.memory_space<vmem>>) target(%dma_start3A_602 : memref<10112x48xf32, #tpu.memory_space<vmem_shared>>) offsets(%arg19 : memref<80xi32, #tpu.memory_space<vmem>>) semaphore(%arg38 : memref<!tpu.dma_semaphore, #tpu.memory_space<semaphore_mem>>) {add = true}
    }
    %scan3A_89 = arith.constant 19 : i32
    %dma_wait3A_90 = arith.constant 0 : i32
    %dma_wait3A_91 = arith.constant 0 : i32
    %dma_wait3A_92 = tpu.memref_slice %arg2[%dma_wait3A_90, %dma_wait3A_91] : memref<10000x48xf32, #tpu.memory_space<hbm>> -> memref<10000x48xf32, #tpu.memory_space<hbm>>
    tpu.wait_indirect_dma semaphore(%arg27 : memref<!tpu.dma_semaphore, #tpu.memory_space<semaphore_mem>>) src(%dma_wait3A_92 : memref<10000x48xf32, #tpu.memory_space<hbm>>) dst(%arg20 : memref<80x48xf32, #tpu.memory_space<vmem>>)
    %add3A_93 = arith.constant 9600 : i32
    %add3A_94 = arith.addi %mul3A_2, %add3A_93 : i32
    %dma_start3A_95 = tpu.memref_slice %arg3[%add3A_94] : memref<320000xi32, #tpu.memory_space<hbm>> -> memref<80xi32, #tpu.memory_space<hbm>>
    %dma_start3A_96 = tpu.memref_slice %arg3[%add3A_94] : memref<320000xi32, #tpu.memory_space<hbm>> -> memref<80xi32, #tpu.memory_space<hbm>>
    tpu.enqueue_dma source(%dma_start3A_96 : memref<80xi32, #tpu.memory_space<hbm>>) target(%arg8 : memref<80xi32, #tpu.memory_space<vmem>>) target_semaphore(%arg39 : memref<!tpu.dma_semaphore, #tpu.memory_space<semaphore_mem>>)
    %dma_wait3A_97 = arith.constant 0 : i32
    %dma_wait3A_98 = arith.constant 0 : i32
    %dma_wait3A_99 = tpu.memref_slice %arg26[%dma_wait3A_97, %dma_wait3A_98] : memref<10112x48xf32, #tpu.memory_space<vmem_shared>> -> memref<10112x48xf32, #tpu.memory_space<vmem_shared>>
    tpu.wait_indirect_dma semaphore(%arg38 : memref<!tpu.dma_semaphore, #tpu.memory_space<semaphore_mem>>) src(%arg25 : memref<80x48xf32, #tpu.memory_space<vmem>>) dst(%dma_wait3A_99 : memref<10112x48xf32, #tpu.memory_space<vmem_shared>>)
    %add3A_100 = arith.constant 9520 : i32
    %add3A_101 = arith.addi %mul3A_2, %add3A_100 : i32
    %dma_start3A_102 = tpu.memref_slice %arg4[%add3A_101] : memref<320000xi32, #tpu.memory_space<hbm>> -> memref<80xi32, #tpu.memory_space<hbm>>
    %dma_start3A_103 = tpu.memref_slice %arg4[%add3A_101] : memref<320000xi32, #tpu.memory_space<hbm>> -> memref<80xi32, #tpu.memory_space<hbm>>
    tpu.enqueue_dma source(%dma_start3A_103 : memref<80xi32, #tpu.memory_space<hbm>>) target(%arg19 : memref<80xi32, #tpu.memory_space<vmem>>) target_semaphore(%arg50 : memref<!tpu.dma_semaphore, #tpu.memory_space<semaphore_mem>>)
    %add3A_104 = arith.constant 9520 : i32
    %add3A_105 = arith.addi %mul3A_2, %add3A_104 : i32
    %dma_wait3A_106 = tpu.memref_slice %arg3[%add3A_105] : memref<320000xi32, #tpu.memory_space<hbm>> -> memref<80xi32, #tpu.memory_space<hbm>>
    %dma_wait3A_107 = tpu.memref_slice %arg3[%add3A_105] : memref<320000xi32, #tpu.memory_space<hbm>> -> memref<80xi32, #tpu.memory_space<hbm>>
    tpu.wait_dma2 semaphore(%arg44 : memref<!tpu.dma_semaphore, #tpu.memory_space<semaphore_mem>>) src(%dma_wait3A_107 : memref<80xi32, #tpu.memory_space<hbm>>) dst(%arg13 : memref<80xi32, #tpu.memory_space<vmem>>)
    %dma_start3A_108 = arith.constant 0 : i32
    %dma_start3A_109 = arith.constant 0 : i32
    %dma_start3A_110 = tpu.memref_slice %arg2[%dma_start3A_108, %dma_start3A_109] : memref<10000x48xf32, #tpu.memory_space<hbm>> -> memref<10000x48xf32, #tpu.memory_space<hbm>>
    tpu.enqueue_indirect_dma source(%dma_start3A_110 : memref<10000x48xf32, #tpu.memory_space<hbm>>) target(%arg25 : memref<80x48xf32, #tpu.memory_space<vmem>>) offsets(%arg13 : memref<80xi32, #tpu.memory_space<vmem>>) semaphore(%arg32 : memref<!tpu.dma_semaphore, #tpu.memory_space<semaphore_mem>>)
    %add3A_111 = arith.constant 9120 : i32
    %add3A_112 = arith.addi %mul3A_2, %add3A_111 : i32
    %dma_wait3A_113 = tpu.memref_slice %arg4[%add3A_112] : memref<320000xi32, #tpu.memory_space<hbm>> -> memref<80xi32, #tpu.memory_space<hbm>>
    %dma_wait3A_114 = tpu.memref_slice %arg4[%add3A_112] : memref<320000xi32, #tpu.memory_space<hbm>> -> memref<80xi32, #tpu.memory_space<hbm>>
    tpu.wait_dma2 semaphore(%arg45 : memref<!tpu.dma_semaphore, #tpu.memory_space<semaphore_mem>>) src(%dma_wait3A_114 : memref<80xi32, #tpu.memory_space<hbm>>) dst(%arg14 : memref<80xi32, #tpu.memory_space<vmem>>)
    %dma_start3A_115 = arith.constant 0 : i32
    %dma_start3A_116 = arith.constant 0 : i32
    %dma_start3A_117 = tpu.memref_slice %arg26[%dma_start3A_115, %dma_start3A_116] : memref<10112x48xf32, #tpu.memory_space<vmem_shared>> -> memref<10112x48xf32, #tpu.memory_space<vmem_shared>>
    tpu.enqueue_indirect_dma source(%arg20 : memref<80x48xf32, #tpu.memory_space<vmem>>) target(%dma_start3A_117 : memref<10112x48xf32, #tpu.memory_space<vmem_shared>>) offsets(%arg14 : memref<80xi32, #tpu.memory_space<vmem>>) semaphore(%arg33 : memref<!tpu.dma_semaphore, #tpu.memory_space<semaphore_mem>>) {add = true}
    %dma_wait3A_118 = arith.constant 0 : i32
    %dma_wait3A_119 = arith.constant 0 : i32
    %dma_wait3A_120 = tpu.memref_slice %arg2[%dma_wait3A_118, %dma_wait3A_119] : memref<10000x48xf32, #tpu.memory_space<hbm>> -> memref<10000x48xf32, #tpu.memory_space<hbm>>
    tpu.wait_indirect_dma semaphore(%arg28 : memref<!tpu.dma_semaphore, #tpu.memory_space<semaphore_mem>>) src(%dma_wait3A_120 : memref<10000x48xf32, #tpu.memory_space<hbm>>) dst(%arg21 : memref<80x48xf32, #tpu.memory_space<vmem>>)
    %add3A_121 = arith.constant 9680 : i32
    %add3A_122 = arith.addi %mul3A_2, %add3A_121 : i32
    %dma_start3A_123 = tpu.memref_slice %arg3[%add3A_122] : memref<320000xi32, #tpu.memory_space<hbm>> -> memref<80xi32, #tpu.memory_space<hbm>>
    %dma_start3A_124 = tpu.memref_slice %arg3[%add3A_122] : memref<320000xi32, #tpu.memory_space<hbm>> -> memref<80xi32, #tpu.memory_space<hbm>>
    tpu.enqueue_dma source(%dma_start3A_124 : memref<80xi32, #tpu.memory_space<hbm>>) target(%arg9 : memref<80xi32, #tpu.memory_space<vmem>>) target_semaphore(%arg40 : memref<!tpu.dma_semaphore, #tpu.memory_space<semaphore_mem>>)
    %dma_wait3A_125 = arith.constant 0 : i32
    %dma_wait3A_126 = arith.constant 0 : i32
    %dma_wait3A_127 = tpu.memref_slice %arg26[%dma_wait3A_125, %dma_wait3A_126] : memref<10112x48xf32, #tpu.memory_space<vmem_shared>> -> memref<10112x48xf32, #tpu.memory_space<vmem_shared>>
    tpu.wait_indirect_dma semaphore(%arg33 : memref<!tpu.dma_semaphore, #tpu.memory_space<semaphore_mem>>) src(%arg20 : memref<80x48xf32, #tpu.memory_space<vmem>>) dst(%dma_wait3A_127 : memref<10112x48xf32, #tpu.memory_space<vmem_shared>>)
    %add3A_128 = arith.constant 9600 : i32
    %add3A_129 = arith.addi %mul3A_2, %add3A_128 : i32
    %dma_start3A_130 = tpu.memref_slice %arg4[%add3A_129] : memref<320000xi32, #tpu.memory_space<hbm>> -> memref<80xi32, #tpu.memory_space<hbm>>
    %dma_start3A_131 = tpu.memref_slice %arg4[%add3A_129] : memref<320000xi32, #tpu.memory_space<hbm>> -> memref<80xi32, #tpu.memory_space<hbm>>
    tpu.enqueue_dma source(%dma_start3A_131 : memref<80xi32, #tpu.memory_space<hbm>>) target(%arg14 : memref<80xi32, #tpu.memory_space<vmem>>) target_semaphore(%arg45 : memref<!tpu.dma_semaphore, #tpu.memory_space<semaphore_mem>>)
    %add3A_132 = arith.constant 9600 : i32
    %add3A_133 = arith.addi %mul3A_2, %add3A_132 : i32
    %dma_wait3A_134 = tpu.memref_slice %arg3[%add3A_133] : memref<320000xi32, #tpu.memory_space<hbm>> -> memref<80xi32, #tpu.memory_space<hbm>>
    %dma_wait3A_135 = tpu.memref_slice %arg3[%add3A_133] : memref<320000xi32, #tpu.memory_space<hbm>> -> memref<80xi32, #tpu.memory_space<hbm>>
    tpu.wait_dma2 semaphore(%arg39 : memref<!tpu.dma_semaphore, #tpu.memory_space<semaphore_mem>>) src(%dma_wait3A_135 : memref<80xi32, #tpu.memory_space<hbm>>) dst(%arg8 : memref<80xi32, #tpu.memory_space<vmem>>)
    %dma_start3A_136 = arith.constant 0 : i32
    %dma_start3A_137 = arith.constant 0 : i32
    %dma_start3A_138 = tpu.memref_slice %arg2[%dma_start3A_136, %dma_start3A_137] : memref<10000x48xf32, #tpu.memory_space<hbm>> -> memref<10000x48xf32, #tpu.memory_space<hbm>>
    tpu.enqueue_indirect_dma source(%dma_start3A_138 : memref<10000x48xf32, #tpu.memory_space<hbm>>) target(%arg20 : memref<80x48xf32, #tpu.memory_space<vmem>>) offsets(%arg8 : memref<80xi32, #tpu.memory_space<vmem>>) semaphore(%arg27 : memref<!tpu.dma_semaphore, #tpu.memory_space<semaphore_mem>>)
    %add3A_139 = arith.constant 9200 : i32
    %add3A_140 = arith.addi %mul3A_2, %add3A_139 : i32
    %dma_wait3A_141 = tpu.memref_slice %arg4[%add3A_140] : memref<320000xi32, #tpu.memory_space<hbm>> -> memref<80xi32, #tpu.memory_space<hbm>>
    %dma_wait3A_142 = tpu.memref_slice %arg4[%add3A_140] : memref<320000xi32, #tpu.memory_space<hbm>> -> memref<80xi32, #tpu.memory_space<hbm>>
    tpu.wait_dma2 semaphore(%arg46 : memref<!tpu.dma_semaphore, #tpu.memory_space<semaphore_mem>>) src(%dma_wait3A_142 : memref<80xi32, #tpu.memory_space<hbm>>) dst(%arg15 : memref<80xi32, #tpu.memory_space<vmem>>)
    %dma_start3A_143 = arith.constant 0 : i32
    %dma_start3A_144 = arith.constant 0 : i32
    %dma_start3A_145 = tpu.memref_slice %arg26[%dma_start3A_143, %dma_start3A_144] : memref<10112x48xf32, #tpu.memory_space<vmem_shared>> -> memref<10112x48xf32, #tpu.memory_space<vmem_shared>>
    tpu.enqueue_indirect_dma source(%arg21 : memref<80x48xf32, #tpu.memory_space<vmem>>) target(%dma_start3A_145 : memref<10112x48xf32, #tpu.memory_space<vmem_shared>>) offsets(%arg15 : memref<80xi32, #tpu.memory_space<vmem>>) semaphore(%arg34 : memref<!tpu.dma_semaphore, #tpu.memory_space<semaphore_mem>>) {add = true}
    %dma_wait3A_146 = arith.constant 0 : i32
    %dma_wait3A_147 = arith.constant 0 : i32
    %dma_wait3A_148 = tpu.memref_slice %arg2[%dma_wait3A_146, %dma_wait3A_147] : memref<10000x48xf32, #tpu.memory_space<hbm>> -> memref<10000x48xf32, #tpu.memory_space<hbm>>
    tpu.wait_indirect_dma semaphore(%arg29 : memref<!tpu.dma_semaphore, #tpu.memory_space<semaphore_mem>>) src(%dma_wait3A_148 : memref<10000x48xf32, #tpu.memory_space<hbm>>) dst(%arg22 : memref<80x48xf32, #tpu.memory_space<vmem>>)
    %add3A_149 = arith.constant 9760 : i32
    %add3A_150 = arith.addi %mul3A_2, %add3A_149 : i32
    %dma_start3A_151 = tpu.memref_slice %arg3[%add3A_150] : memref<320000xi32, #tpu.memory_space<hbm>> -> memref<80xi32, #tpu.memory_space<hbm>>
    %dma_start3A_152 = tpu.memref_slice %arg3[%add3A_150] : memref<320000xi32, #tpu.memory_space<hbm>> -> memref<80xi32, #tpu.memory_space<hbm>>
    tpu.enqueue_dma source(%dma_start3A_152 : memref<80xi32, #tpu.memory_space<hbm>>) target(%arg10 : memref<80xi32, #tpu.memory_space<vmem>>) target_semaphore(%arg41 : memref<!tpu.dma_semaphore, #tpu.memory_space<semaphore_mem>>)
    %dma_wait3A_153 = arith.constant 0 : i32
    %dma_wait3A_154 = arith.constant 0 : i32
    %dma_wait3A_155 = tpu.memref_slice %arg26[%dma_wait3A_153, %dma_wait3A_154] : memref<10112x48xf32, #tpu.memory_space<vmem_shared>> -> memref<10112x48xf32, #tpu.memory_space<vmem_shared>>
    tpu.wait_indirect_dma semaphore(%arg34 : memref<!tpu.dma_semaphore, #tpu.memory_space<semaphore_mem>>) src(%arg21 : memref<80x48xf32, #tpu.memory_space<vmem>>) dst(%dma_wait3A_155 : memref<10112x48xf32, #tpu.memory_space<vmem_shared>>)
    %add3A_156 = arith.constant 9680 : i32
    %add3A_157 = arith.addi %mul3A_2, %add3A_156 : i32
    %dma_start3A_158 = tpu.memref_slice %arg4[%add3A_157] : memref<320000xi32, #tpu.memory_space<hbm>> -> memref<80xi32, #tpu.memory_space<hbm>>
    %dma_start3A_159 = tpu.memref_slice %arg4[%add3A_157] : memref<320000xi32, #tpu.memory_space<hbm>> -> memref<80xi32, #tpu.memory_space<hbm>>
    tpu.enqueue_dma source(%dma_start3A_159 : memref<80xi32, #tpu.memory_space<hbm>>) target(%arg15 : memref<80xi32, #tpu.memory_space<vmem>>) target_semaphore(%arg46 : memref<!tpu.dma_semaphore, #tpu.memory_space<semaphore_mem>>)
    %add3A_160 = arith.constant 9680 : i32
    %add3A_161 = arith.addi %mul3A_2, %add3A_160 : i32
    %dma_wait3A_162 = tpu.memref_slice %arg3[%add3A_161] : memref<320000xi32, #tpu.memory_space<hbm>> -> memref<80xi32, #tpu.memory_space<hbm>>
    %dma_wait3A_163 = tpu.memref_slice %arg3[%add3A_161] : memref<320000xi32, #tpu.memory_space<hbm>> -> memref<80xi32, #tpu.memory_space<hbm>>
    tpu.wait_dma2 semaphore(%arg40 : memref<!tpu.dma_semaphore, #tpu.memory_space<semaphore_mem>>) src(%dma_wait3A_163 : memref<80xi32, #tpu.memory_space<hbm>>) dst(%arg9 : memref<80xi32, #tpu.memory_space<vmem>>)
    %dma_start3A_164 = arith.constant 0 : i32
    %dma_start3A_165 = arith.constant 0 : i32
    %dma_start3A_166 = tpu.memref_slice %arg2[%dma_start3A_164, %dma_start3A_165] : memref<10000x48xf32, #tpu.memory_space<hbm>> -> memref<10000x48xf32, #tpu.memory_space<hbm>>
    tpu.enqueue_indirect_dma source(%dma_start3A_166 : memref<10000x48xf32, #tpu.memory_space<hbm>>) target(%arg21 : memref<80x48xf32, #tpu.memory_space<vmem>>) offsets(%arg9 : memref<80xi32, #tpu.memory_space<vmem>>) semaphore(%arg28 : memref<!tpu.dma_semaphore, #tpu.memory_space<semaphore_mem>>)
    %add3A_167 = arith.constant 9280 : i32
    %add3A_168 = arith.addi %mul3A_2, %add3A_167 : i32
    %dma_wait3A_169 = tpu.memref_slice %arg4[%add3A_168] : memref<320000xi32, #tpu.memory_space<hbm>> -> memref<80xi32, #tpu.memory_space<hbm>>
    %dma_wait3A_170 = tpu.memref_slice %arg4[%add3A_168] : memref<320000xi32, #tpu.memory_space<hbm>> -> memref<80xi32, #tpu.memory_space<hbm>>
    tpu.wait_dma2 semaphore(%arg47 : memref<!tpu.dma_semaphore, #tpu.memory_space<semaphore_mem>>) src(%dma_wait3A_170 : memref<80xi32, #tpu.memory_space<hbm>>) dst(%arg16 : memref<80xi32, #tpu.memory_space<vmem>>)
    %dma_start3A_171 = arith.constant 0 : i32
    %dma_start3A_172 = arith.constant 0 : i32
    %dma_start3A_173 = tpu.memref_slice %arg26[%dma_start3A_171, %dma_start3A_172] : memref<10112x48xf32, #tpu.memory_space<vmem_shared>> -> memref<10112x48xf32, #tpu.memory_space<vmem_shared>>
    tpu.enqueue_indirect_dma source(%arg22 : memref<80x48xf32, #tpu.memory_space<vmem>>) target(%dma_start3A_173 : memref<10112x48xf32, #tpu.memory_space<vmem_shared>>) offsets(%arg16 : memref<80xi32, #tpu.memory_space<vmem>>) semaphore(%arg35 : memref<!tpu.dma_semaphore, #tpu.memory_space<semaphore_mem>>) {add = true}
    %dma_wait3A_174 = arith.constant 0 : i32
    %dma_wait3A_175 = arith.constant 0 : i32
    %dma_wait3A_176 = tpu.memref_slice %arg2[%dma_wait3A_174, %dma_wait3A_175] : memref<10000x48xf32, #tpu.memory_space<hbm>> -> memref<10000x48xf32, #tpu.memory_space<hbm>>
    tpu.wait_indirect_dma semaphore(%arg30 : memref<!tpu.dma_semaphore, #tpu.memory_space<semaphore_mem>>) src(%dma_wait3A_176 : memref<10000x48xf32, #tpu.memory_space<hbm>>) dst(%arg23 : memref<80x48xf32, #tpu.memory_space<vmem>>)
    %add3A_177 = arith.constant 9840 : i32
    %add3A_178 = arith.addi %mul3A_2, %add3A_177 : i32
    %dma_start3A_179 = tpu.memref_slice %arg3[%add3A_178] : memref<320000xi32, #tpu.memory_space<hbm>> -> memref<80xi32, #tpu.memory_space<hbm>>
    %dma_start3A_180 = tpu.memref_slice %arg3[%add3A_178] : memref<320000xi32, #tpu.memory_space<hbm>> -> memref<80xi32, #tpu.memory_space<hbm>>
    tpu.enqueue_dma source(%dma_start3A_180 : memref<80xi32, #tpu.memory_space<hbm>>) target(%arg11 : memref<80xi32, #tpu.memory_space<vmem>>) target_semaphore(%arg42 : memref<!tpu.dma_semaphore, #tpu.memory_space<semaphore_mem>>)
    %dma_wait3A_181 = arith.constant 0 : i32
    %dma_wait3A_182 = arith.constant 0 : i32
    %dma_wait3A_183 = tpu.memref_slice %arg26[%dma_wait3A_181, %dma_wait3A_182] : memref<10112x48xf32, #tpu.memory_space<vmem_shared>> -> memref<10112x48xf32, #tpu.memory_space<vmem_shared>>
    tpu.wait_indirect_dma semaphore(%arg35 : memref<!tpu.dma_semaphore, #tpu.memory_space<semaphore_mem>>) src(%arg22 : memref<80x48xf32, #tpu.memory_space<vmem>>) dst(%dma_wait3A_183 : memref<10112x48xf32, #tpu.memory_space<vmem_shared>>)
    %add3A_184 = arith.constant 9760 : i32
    %add3A_185 = arith.addi %mul3A_2, %add3A_184 : i32
    %dma_start3A_186 = tpu.memref_slice %arg4[%add3A_185] : memref<320000xi32, #tpu.memory_space<hbm>> -> memref<80xi32, #tpu.memory_space<hbm>>
    %dma_start3A_187 = tpu.memref_slice %arg4[%add3A_185] : memref<320000xi32, #tpu.memory_space<hbm>> -> memref<80xi32, #tpu.memory_space<hbm>>
    tpu.enqueue_dma source(%dma_start3A_187 : memref<80xi32, #tpu.memory_space<hbm>>) target(%arg16 : memref<80xi32, #tpu.memory_space<vmem>>) target_semaphore(%arg47 : memref<!tpu.dma_semaphore, #tpu.memory_space<semaphore_mem>>)
    %add3A_188 = arith.constant 9760 : i32
    %add3A_189 = arith.addi %mul3A_2, %add3A_188 : i32
    %dma_wait3A_190 = tpu.memref_slice %arg3[%add3A_189] : memref<320000xi32, #tpu.memory_space<hbm>> -> memref<80xi32, #tpu.memory_space<hbm>>
    %dma_wait3A_191 = tpu.memref_slice %arg3[%add3A_189] : memref<320000xi32, #tpu.memory_space<hbm>> -> memref<80xi32, #tpu.memory_space<hbm>>
    tpu.wait_dma2 semaphore(%arg41 : memref<!tpu.dma_semaphore, #tpu.memory_space<semaphore_mem>>) src(%dma_wait3A_191 : memref<80xi32, #tpu.memory_space<hbm>>) dst(%arg10 : memref<80xi32, #tpu.memory_space<vmem>>)
    %dma_start3A_192 = arith.constant 0 : i32
    %dma_start3A_193 = arith.constant 0 : i32
    %dma_start3A_194 = tpu.memref_slice %arg2[%dma_start3A_192, %dma_start3A_193] : memref<10000x48xf32, #tpu.memory_space<hbm>> -> memref<10000x48xf32, #tpu.memory_space<hbm>>
    tpu.enqueue_indirect_dma source(%dma_start3A_194 : memref<10000x48xf32, #tpu.memory_space<hbm>>) target(%arg22 : memref<80x48xf32, #tpu.memory_space<vmem>>) offsets(%arg10 : memref<80xi32, #tpu.memory_space<vmem>>) semaphore(%arg29 : memref<!tpu.dma_semaphore, #tpu.memory_space<semaphore_mem>>)
    %add3A_195 = arith.constant 9360 : i32
    %add3A_196 = arith.addi %mul3A_2, %add3A_195 : i32
    %dma_wait3A_197 = tpu.memref_slice %arg4[%add3A_196] : memref<320000xi32, #tpu.memory_space<hbm>> -> memref<80xi32, #tpu.memory_space<hbm>>
    %dma_wait3A_198 = tpu.memref_slice %arg4[%add3A_196] : memref<320000xi32, #tpu.memory_space<hbm>> -> memref<80xi32, #tpu.memory_space<hbm>>
    tpu.wait_dma2 semaphore(%arg48 : memref<!tpu.dma_semaphore, #tpu.memory_space<semaphore_mem>>) src(%dma_wait3A_198 : memref<80xi32, #tpu.memory_space<hbm>>) dst(%arg17 : memref<80xi32, #tpu.memory_space<vmem>>)
    %dma_start3A_199 = arith.constant 0 : i32
    %dma_start3A_200 = arith.constant 0 : i32
    %dma_start3A_201 = tpu.memref_slice %arg26[%dma_start3A_199, %dma_start3A_200] : memref<10112x48xf32, #tpu.memory_space<vmem_shared>> -> memref<10112x48xf32, #tpu.memory_space<vmem_shared>>
    tpu.enqueue_indirect_dma source(%arg23 : memref<80x48xf32, #tpu.memory_space<vmem>>) target(%dma_start3A_201 : memref<10112x48xf32, #tpu.memory_space<vmem_shared>>) offsets(%arg17 : memref<80xi32, #tpu.memory_space<vmem>>) semaphore(%arg36 : memref<!tpu.dma_semaphore, #tpu.memory_space<semaphore_mem>>) {add = true}
    %dma_wait3A_202 = arith.constant 0 : i32
    %dma_wait3A_203 = arith.constant 0 : i32
    %dma_wait3A_204 = tpu.memref_slice %arg2[%dma_wait3A_202, %dma_wait3A_203] : memref<10000x48xf32, #tpu.memory_space<hbm>> -> memref<10000x48xf32, #tpu.memory_space<hbm>>
    tpu.wait_indirect_dma semaphore(%arg31 : memref<!tpu.dma_semaphore, #tpu.memory_space<semaphore_mem>>) src(%dma_wait3A_204 : memref<10000x48xf32, #tpu.memory_space<hbm>>) dst(%arg24 : memref<80x48xf32, #tpu.memory_space<vmem>>)
    %add3A_205 = arith.constant 9920 : i32
    %add3A_206 = arith.addi %mul3A_2, %add3A_205 : i32
    %dma_start3A_207 = tpu.memref_slice %arg3[%add3A_206] : memref<320000xi32, #tpu.memory_space<hbm>> -> memref<80xi32, #tpu.memory_space<hbm>>
    %dma_start3A_208 = tpu.memref_slice %arg3[%add3A_206] : memref<320000xi32, #tpu.memory_space<hbm>> -> memref<80xi32, #tpu.memory_space<hbm>>
    tpu.enqueue_dma source(%dma_start3A_208 : memref<80xi32, #tpu.memory_space<hbm>>) target(%arg12 : memref<80xi32, #tpu.memory_space<vmem>>) target_semaphore(%arg43 : memref<!tpu.dma_semaphore, #tpu.memory_space<semaphore_mem>>)
    %dma_wait3A_209 = arith.constant 0 : i32
    %dma_wait3A_210 = arith.constant 0 : i32
    %dma_wait3A_211 = tpu.memref_slice %arg26[%dma_wait3A_209, %dma_wait3A_210] : memref<10112x48xf32, #tpu.memory_space<vmem_shared>> -> memref<10112x48xf32, #tpu.memory_space<vmem_shared>>
    tpu.wait_indirect_dma semaphore(%arg36 : memref<!tpu.dma_semaphore, #tpu.memory_space<semaphore_mem>>) src(%arg23 : memref<80x48xf32, #tpu.memory_space<vmem>>) dst(%dma_wait3A_211 : memref<10112x48xf32, #tpu.memory_space<vmem_shared>>)
    %add3A_212 = arith.constant 9840 : i32
    %add3A_213 = arith.addi %mul3A_2, %add3A_212 : i32
    %dma_start3A_214 = tpu.memref_slice %arg4[%add3A_213] : memref<320000xi32, #tpu.memory_space<hbm>> -> memref<80xi32, #tpu.memory_space<hbm>>
    %dma_start3A_215 = tpu.memref_slice %arg4[%add3A_213] : memref<320000xi32, #tpu.memory_space<hbm>> -> memref<80xi32, #tpu.memory_space<hbm>>
    tpu.enqueue_dma source(%dma_start3A_215 : memref<80xi32, #tpu.memory_space<hbm>>) target(%arg17 : memref<80xi32, #tpu.memory_space<vmem>>) target_semaphore(%arg48 : memref<!tpu.dma_semaphore, #tpu.memory_space<semaphore_mem>>)
    %add3A_216 = arith.constant 9840 : i32
    %add3A_217 = arith.addi %mul3A_2, %add3A_216 : i32
    %dma_wait3A_218 = tpu.memref_slice %arg3[%add3A_217] : memref<320000xi32, #tpu.memory_space<hbm>> -> memref<80xi32, #tpu.memory_space<hbm>>
    %dma_wait3A_219 = tpu.memref_slice %arg3[%add3A_217] : memref<320000xi32, #tpu.memory_space<hbm>> -> memref<80xi32, #tpu.memory_space<hbm>>
    tpu.wait_dma2 semaphore(%arg42 : memref<!tpu.dma_semaphore, #tpu.memory_space<semaphore_mem>>) src(%dma_wait3A_219 : memref<80xi32, #tpu.memory_space<hbm>>) dst(%arg11 : memref<80xi32, #tpu.memory_space<vmem>>)
    %dma_start3A_220 = arith.constant 0 : i32
    %dma_start3A_221 = arith.constant 0 : i32
    %dma_start3A_222 = tpu.memref_slice %arg2[%dma_start3A_220, %dma_start3A_221] : memref<10000x48xf32, #tpu.memory_space<hbm>> -> memref<10000x48xf32, #tpu.memory_space<hbm>>
    tpu.enqueue_indirect_dma source(%dma_start3A_222 : memref<10000x48xf32, #tpu.memory_space<hbm>>) target(%arg23 : memref<80x48xf32, #tpu.memory_space<vmem>>) offsets(%arg11 : memref<80xi32, #tpu.memory_space<vmem>>) semaphore(%arg30 : memref<!tpu.dma_semaphore, #tpu.memory_space<semaphore_mem>>)
    %add3A_223 = arith.constant 9440 : i32
    %add3A_224 = arith.addi %mul3A_2, %add3A_223 : i32
    %dma_wait3A_225 = tpu.memref_slice %arg4[%add3A_224] : memref<320000xi32, #tpu.memory_space<hbm>> -> memref<80xi32, #tpu.memory_space<hbm>>
    %dma_wait3A_226 = tpu.memref_slice %arg4[%add3A_224] : memref<320000xi32, #tpu.memory_space<hbm>> -> memref<80xi32, #tpu.memory_space<hbm>>
    tpu.wait_dma2 semaphore(%arg49 : memref<!tpu.dma_semaphore, #tpu.memory_space<semaphore_mem>>) src(%dma_wait3A_226 : memref<80xi32, #tpu.memory_space<hbm>>) dst(%arg18 : memref<80xi32, #tpu.memory_space<vmem>>)
    %dma_start3A_227 = arith.constant 0 : i32
    %dma_start3A_228 = arith.constant 0 : i32
    %dma_start3A_229 = tpu.memref_slice %arg26[%dma_start3A_227, %dma_start3A_228] : memref<10112x48xf32, #tpu.memory_space<vmem_shared>> -> memref<10112x48xf32, #tpu.memory_space<vmem_shared>>
    tpu.enqueue_indirect_dma source(%arg24 : memref<80x48xf32, #tpu.memory_space<vmem>>) target(%dma_start3A_229 : memref<10112x48xf32, #tpu.memory_space<vmem_shared>>) offsets(%arg18 : memref<80xi32, #tpu.memory_space<vmem>>) semaphore(%arg37 : memref<!tpu.dma_semaphore, #tpu.memory_space<semaphore_mem>>) {add = true}
    %dma_wait3A_230 = arith.constant 0 : i32
    %dma_wait3A_231 = arith.constant 0 : i32
    %dma_wait3A_232 = tpu.memref_slice %arg2[%dma_wait3A_230, %dma_wait3A_231] : memref<10000x48xf32, #tpu.memory_space<hbm>> -> memref<10000x48xf32, #tpu.memory_space<hbm>>
    tpu.wait_indirect_dma semaphore(%arg32 : memref<!tpu.dma_semaphore, #tpu.memory_space<semaphore_mem>>) src(%dma_wait3A_232 : memref<10000x48xf32, #tpu.memory_space<hbm>>) dst(%arg25 : memref<80x48xf32, #tpu.memory_space<vmem>>)
    %dma_wait3A_233 = arith.constant 0 : i32
    %dma_wait3A_234 = arith.constant 0 : i32
    %dma_wait3A_235 = tpu.memref_slice %arg26[%dma_wait3A_233, %dma_wait3A_234] : memref<10112x48xf32, #tpu.memory_space<vmem_shared>> -> memref<10112x48xf32, #tpu.memory_space<vmem_shared>>
    tpu.wait_indirect_dma semaphore(%arg37 : memref<!tpu.dma_semaphore, #tpu.memory_space<semaphore_mem>>) src(%arg24 : memref<80x48xf32, #tpu.memory_space<vmem>>) dst(%dma_wait3A_235 : memref<10112x48xf32, #tpu.memory_space<vmem_shared>>)
    %add3A_236 = arith.constant 9920 : i32
    %add3A_237 = arith.addi %mul3A_2, %add3A_236 : i32
    %dma_start3A_238 = tpu.memref_slice %arg4[%add3A_237] : memref<320000xi32, #tpu.memory_space<hbm>> -> memref<80xi32, #tpu.memory_space<hbm>>
    %dma_start3A_239 = tpu.memref_slice %arg4[%add3A_237] : memref<320000xi32, #tpu.memory_space<hbm>> -> memref<80xi32, #tpu.memory_space<hbm>>
    tpu.enqueue_dma source(%dma_start3A_239 : memref<80xi32, #tpu.memory_space<hbm>>) target(%arg18 : memref<80xi32, #tpu.memory_space<vmem>>) target_semaphore(%arg49 : memref<!tpu.dma_semaphore, #tpu.memory_space<semaphore_mem>>)
    %add3A_240 = arith.constant 9920 : i32
    %add3A_241 = arith.addi %mul3A_2, %add3A_240 : i32
    %dma_wait3A_242 = tpu.memref_slice %arg3[%add3A_241] : memref<320000xi32, #tpu.memory_space<hbm>> -> memref<80xi32, #tpu.memory_space<hbm>>
    %dma_wait3A_243 = tpu.memref_slice %arg3[%add3A_241] : memref<320000xi32, #tpu.memory_space<hbm>> -> memref<80xi32, #tpu.memory_space<hbm>>
    tpu.wait_dma2 semaphore(%arg43 : memref<!tpu.dma_semaphore, #tpu.memory_space<semaphore_mem>>) src(%dma_wait3A_243 : memref<80xi32, #tpu.memory_space<hbm>>) dst(%arg12 : memref<80xi32, #tpu.memory_space<vmem>>)
    %dma_start3A_244 = arith.constant 0 : i32
    %dma_start3A_245 = arith.constant 0 : i32
    %dma_start3A_246 = tpu.memref_slice %arg2[%dma_start3A_244, %dma_start3A_245] : memref<10000x48xf32, #tpu.memory_space<hbm>> -> memref<10000x48xf32, #tpu.memory_space<hbm>>
    tpu.enqueue_indirect_dma source(%dma_start3A_246 : memref<10000x48xf32, #tpu.memory_space<hbm>>) target(%arg24 : memref<80x48xf32, #tpu.memory_space<vmem>>) offsets(%arg12 : memref<80xi32, #tpu.memory_space<vmem>>) semaphore(%arg31 : memref<!tpu.dma_semaphore, #tpu.memory_space<semaphore_mem>>)
    %add3A_247 = arith.constant 9520 : i32
    %add3A_248 = arith.addi %mul3A_2, %add3A_247 : i32
    %dma_wait3A_249 = tpu.memref_slice %arg4[%add3A_248] : memref<320000xi32, #tpu.memory_space<hbm>> -> memref<80xi32, #tpu.memory_space<hbm>>
    %dma_wait3A_250 = tpu.memref_slice %arg4[%add3A_248] : memref<320000xi32, #tpu.memory_space<hbm>> -> memref<80xi32, #tpu.memory_space<hbm>>
    tpu.wait_dma2 semaphore(%arg50 : memref<!tpu.dma_semaphore, #tpu.memory_space<semaphore_mem>>) src(%dma_wait3A_250 : memref<80xi32, #tpu.memory_space<hbm>>) dst(%arg19 : memref<80xi32, #tpu.memory_space<vmem>>)
    %dma_start3A_251 = arith.constant 0 : i32
    %dma_start3A_252 = arith.constant 0 : i32
    %dma_start3A_253 = tpu.memref_slice %arg26[%dma_start3A_251, %dma_start3A_252] : memref<10112x48xf32, #tpu.memory_space<vmem_shared>> -> memref<10112x48xf32, #tpu.memory_space<vmem_shared>>
    tpu.enqueue_indirect_dma source(%arg25 : memref<80x48xf32, #tpu.memory_space<vmem>>) target(%dma_start3A_253 : memref<10112x48xf32, #tpu.memory_space<vmem_shared>>) offsets(%arg19 : memref<80xi32, #tpu.memory_space<vmem>>) semaphore(%arg38 : memref<!tpu.dma_semaphore, #tpu.memory_space<semaphore_mem>>) {add = true}
    %dma_wait3A_254 = arith.constant 0 : i32
    %dma_wait3A_255 = arith.constant 0 : i32
    %dma_wait3A_256 = tpu.memref_slice %arg2[%dma_wait3A_254, %dma_wait3A_255] : memref<10000x48xf32, #tpu.memory_space<hbm>> -> memref<10000x48xf32, #tpu.memory_space<hbm>>
    tpu.wait_indirect_dma semaphore(%arg27 : memref<!tpu.dma_semaphore, #tpu.memory_space<semaphore_mem>>) src(%dma_wait3A_256 : memref<10000x48xf32, #tpu.memory_space<hbm>>) dst(%arg20 : memref<80x48xf32, #tpu.memory_space<vmem>>)
    %dma_wait3A_257 = arith.constant 0 : i32
    %dma_wait3A_258 = arith.constant 0 : i32
    %dma_wait3A_259 = tpu.memref_slice %arg26[%dma_wait3A_257, %dma_wait3A_258] : memref<10112x48xf32, #tpu.memory_space<vmem_shared>> -> memref<10112x48xf32, #tpu.memory_space<vmem_shared>>
    tpu.wait_indirect_dma semaphore(%arg38 : memref<!tpu.dma_semaphore, #tpu.memory_space<semaphore_mem>>) src(%arg25 : memref<80x48xf32, #tpu.memory_space<vmem>>) dst(%dma_wait3A_259 : memref<10112x48xf32, #tpu.memory_space<vmem_shared>>)
    %add3A_260 = arith.constant 9600 : i32
    %add3A_261 = arith.addi %mul3A_2, %add3A_260 : i32
    %dma_wait3A_262 = tpu.memref_slice %arg4[%add3A_261] : memref<320000xi32, #tpu.memory_space<hbm>> -> memref<80xi32, #tpu.memory_space<hbm>>
    %dma_wait3A_263 = tpu.memref_slice %arg4[%add3A_261] : memref<320000xi32, #tpu.memory_space<hbm>> -> memref<80xi32, #tpu.memory_space<hbm>>
    tpu.wait_dma2 semaphore(%arg45 : memref<!tpu.dma_semaphore, #tpu.memory_space<semaphore_mem>>) src(%dma_wait3A_263 : memref<80xi32, #tpu.memory_space<hbm>>) dst(%arg14 : memref<80xi32, #tpu.memory_space<vmem>>)
    %dma_start3A_264 = arith.constant 0 : i32
    %dma_start3A_265 = arith.constant 0 : i32
    %dma_start3A_266 = tpu.memref_slice %arg26[%dma_start3A_264, %dma_start3A_265] : memref<10112x48xf32, #tpu.memory_space<vmem_shared>> -> memref<10112x48xf32, #tpu.memory_space<vmem_shared>>
    tpu.enqueue_indirect_dma source(%arg20 : memref<80x48xf32, #tpu.memory_space<vmem>>) target(%dma_start3A_266 : memref<10112x48xf32, #tpu.memory_space<vmem_shared>>) offsets(%arg14 : memref<80xi32, #tpu.memory_space<vmem>>) semaphore(%arg33 : memref<!tpu.dma_semaphore, #tpu.memory_space<semaphore_mem>>) {add = true}
    %dma_wait3A_267 = arith.constant 0 : i32
    %dma_wait3A_268 = arith.constant 0 : i32
    %dma_wait3A_269 = tpu.memref_slice %arg2[%dma_wait3A_267, %dma_wait3A_268] : memref<10000x48xf32, #tpu.memory_space<hbm>> -> memref<10000x48xf32, #tpu.memory_space<hbm>>
    tpu.wait_indirect_dma semaphore(%arg28 : memref<!tpu.dma_semaphore, #tpu.memory_space<semaphore_mem>>) src(%dma_wait3A_269 : memref<10000x48xf32, #tpu.memory_space<hbm>>) dst(%arg21 : memref<80x48xf32, #tpu.memory_space<vmem>>)
    %dma_wait3A_270 = arith.constant 0 : i32
    %dma_wait3A_271 = arith.constant 0 : i32
    %dma_wait3A_272 = tpu.memref_slice %arg26[%dma_wait3A_270, %dma_wait3A_271] : memref<10112x48xf32, #tpu.memory_space<vmem_shared>> -> memref<10112x48xf32, #tpu.memory_space<vmem_shared>>
    tpu.wait_indirect_dma semaphore(%arg33 : memref<!tpu.dma_semaphore, #tpu.memory_space<semaphore_mem>>) src(%arg20 : memref<80x48xf32, #tpu.memory_space<vmem>>) dst(%dma_wait3A_272 : memref<10112x48xf32, #tpu.memory_space<vmem_shared>>)
    %add3A_273 = arith.constant 9680 : i32
    %add3A_274 = arith.addi %mul3A_2, %add3A_273 : i32
    %dma_wait3A_275 = tpu.memref_slice %arg4[%add3A_274] : memref<320000xi32, #tpu.memory_space<hbm>> -> memref<80xi32, #tpu.memory_space<hbm>>
    %dma_wait3A_276 = tpu.memref_slice %arg4[%add3A_274] : memref<320000xi32, #tpu.memory_space<hbm>> -> memref<80xi32, #tpu.memory_space<hbm>>
    tpu.wait_dma2 semaphore(%arg46 : memref<!tpu.dma_semaphore, #tpu.memory_space<semaphore_mem>>) src(%dma_wait3A_276 : memref<80xi32, #tpu.memory_space<hbm>>) dst(%arg15 : memref<80xi32, #tpu.memory_space<vmem>>)
    %dma_start3A_277 = arith.constant 0 : i32
    %dma_start3A_278 = arith.constant 0 : i32
    %dma_start3A_279 = tpu.memref_slice %arg26[%dma_start3A_277, %dma_start3A_278] : memref<10112x48xf32, #tpu.memory_space<vmem_shared>> -> memref<10112x48xf32, #tpu.memory_space<vmem_shared>>
    tpu.enqueue_indirect_dma source(%arg21 : memref<80x48xf32, #tpu.memory_space<vmem>>) target(%dma_start3A_279 : memref<10112x48xf32, #tpu.memory_space<vmem_shared>>) offsets(%arg15 : memref<80xi32, #tpu.memory_space<vmem>>) semaphore(%arg34 : memref<!tpu.dma_semaphore, #tpu.memory_space<semaphore_mem>>) {add = true}
    %dma_wait3A_280 = arith.constant 0 : i32
    %dma_wait3A_281 = arith.constant 0 : i32
    %dma_wait3A_282 = tpu.memref_slice %arg2[%dma_wait3A_280, %dma_wait3A_281] : memref<10000x48xf32, #tpu.memory_space<hbm>> -> memref<10000x48xf32, #tpu.memory_space<hbm>>
    tpu.wait_indirect_dma semaphore(%arg29 : memref<!tpu.dma_semaphore, #tpu.memory_space<semaphore_mem>>) src(%dma_wait3A_282 : memref<10000x48xf32, #tpu.memory_space<hbm>>) dst(%arg22 : memref<80x48xf32, #tpu.memory_space<vmem>>)
    %dma_wait3A_283 = arith.constant 0 : i32
    %dma_wait3A_284 = arith.constant 0 : i32
    %dma_wait3A_285 = tpu.memref_slice %arg26[%dma_wait3A_283, %dma_wait3A_284] : memref<10112x48xf32, #tpu.memory_space<vmem_shared>> -> memref<10112x48xf32, #tpu.memory_space<vmem_shared>>
    tpu.wait_indirect_dma semaphore(%arg34 : memref<!tpu.dma_semaphore, #tpu.memory_space<semaphore_mem>>) src(%arg21 : memref<80x48xf32, #tpu.memory_space<vmem>>) dst(%dma_wait3A_285 : memref<10112x48xf32, #tpu.memory_space<vmem_shared>>)
    %add3A_286 = arith.constant 9760 : i32
    %add3A_287 = arith.addi %mul3A_2, %add3A_286 : i32
    %dma_wait3A_288 = tpu.memref_slice %arg4[%add3A_287] : memref<320000xi32, #tpu.memory_space<hbm>> -> memref<80xi32, #tpu.memory_space<hbm>>
    %dma_wait3A_289 = tpu.memref_slice %arg4[%add3A_287] : memref<320000xi32, #tpu.memory_space<hbm>> -> memref<80xi32, #tpu.memory_space<hbm>>
    tpu.wait_dma2 semaphore(%arg47 : memref<!tpu.dma_semaphore, #tpu.memory_space<semaphore_mem>>) src(%dma_wait3A_289 : memref<80xi32, #tpu.memory_space<hbm>>) dst(%arg16 : memref<80xi32, #tpu.memory_space<vmem>>)
    %dma_start3A_290 = arith.constant 0 : i32
    %dma_start3A_291 = arith.constant 0 : i32
    %dma_start3A_292 = tpu.memref_slice %arg26[%dma_start3A_290, %dma_start3A_291] : memref<10112x48xf32, #tpu.memory_space<vmem_shared>> -> memref<10112x48xf32, #tpu.memory_space<vmem_shared>>
    tpu.enqueue_indirect_dma source(%arg22 : memref<80x48xf32, #tpu.memory_space<vmem>>) target(%dma_start3A_292 : memref<10112x48xf32, #tpu.memory_space<vmem_shared>>) offsets(%arg16 : memref<80xi32, #tpu.memory_space<vmem>>) semaphore(%arg35 : memref<!tpu.dma_semaphore, #tpu.memory_space<semaphore_mem>>) {add = true}
    %dma_wait3A_293 = arith.constant 0 : i32
    %dma_wait3A_294 = arith.constant 0 : i32
    %dma_wait3A_295 = tpu.memref_slice %arg2[%dma_wait3A_293, %dma_wait3A_294] : memref<10000x48xf32, #tpu.memory_space<hbm>> -> memref<10000x48xf32, #tpu.memory_space<hbm>>
    tpu.wait_indirect_dma semaphore(%arg30 : memref<!tpu.dma_semaphore, #tpu.memory_space<semaphore_mem>>) src(%dma_wait3A_295 : memref<10000x48xf32, #tpu.memory_space<hbm>>) dst(%arg23 : memref<80x48xf32, #tpu.memory_space<vmem>>)
    %dma_wait3A_296 = arith.constant 0 : i32
    %dma_wait3A_297 = arith.constant 0 : i32
    %dma_wait3A_298 = tpu.memref_slice %arg26[%dma_wait3A_296, %dma_wait3A_297] : memref<10112x48xf32, #tpu.memory_space<vmem_shared>> -> memref<10112x48xf32, #tpu.memory_space<vmem_shared>>
    tpu.wait_indirect_dma semaphore(%arg35 : memref<!tpu.dma_semaphore, #tpu.memory_space<semaphore_mem>>) src(%arg22 : memref<80x48xf32, #tpu.memory_space<vmem>>) dst(%dma_wait3A_298 : memref<10112x48xf32, #tpu.memory_space<vmem_shared>>)
    %add3A_299 = arith.constant 9840 : i32
    %add3A_300 = arith.addi %mul3A_2, %add3A_299 : i32
    %dma_wait3A_301 = tpu.memref_slice %arg4[%add3A_300] : memref<320000xi32, #tpu.memory_space<hbm>> -> memref<80xi32, #tpu.memory_space<hbm>>
    %dma_wait3A_302 = tpu.memref_slice %arg4[%add3A_300] : memref<320000xi32, #tpu.memory_space<hbm>> -> memref<80xi32, #tpu.memory_space<hbm>>
    tpu.wait_dma2 semaphore(%arg48 : memref<!tpu.dma_semaphore, #tpu.memory_space<semaphore_mem>>) src(%dma_wait3A_302 : memref<80xi32, #tpu.memory_space<hbm>>) dst(%arg17 : memref<80xi32, #tpu.memory_space<vmem>>)
    %dma_start3A_303 = arith.constant 0 : i32
    %dma_start3A_304 = arith.constant 0 : i32
    %dma_start3A_305 = tpu.memref_slice %arg26[%dma_start3A_303, %dma_start3A_304] : memref<10112x48xf32, #tpu.memory_space<vmem_shared>> -> memref<10112x48xf32, #tpu.memory_space<vmem_shared>>
    tpu.enqueue_indirect_dma source(%arg23 : memref<80x48xf32, #tpu.memory_space<vmem>>) target(%dma_start3A_305 : memref<10112x48xf32, #tpu.memory_space<vmem_shared>>) offsets(%arg17 : memref<80xi32, #tpu.memory_space<vmem>>) semaphore(%arg36 : memref<!tpu.dma_semaphore, #tpu.memory_space<semaphore_mem>>) {add = true}
    %dma_wait3A_306 = arith.constant 0 : i32
    %dma_wait3A_307 = arith.constant 0 : i32
    %dma_wait3A_308 = tpu.memref_slice %arg2[%dma_wait3A_306, %dma_wait3A_307] : memref<10000x48xf32, #tpu.memory_space<hbm>> -> memref<10000x48xf32, #tpu.memory_space<hbm>>
    tpu.wait_indirect_dma semaphore(%arg31 : memref<!tpu.dma_semaphore, #tpu.memory_space<semaphore_mem>>) src(%dma_wait3A_308 : memref<10000x48xf32, #tpu.memory_space<hbm>>) dst(%arg24 : memref<80x48xf32, #tpu.memory_space<vmem>>)
    %dma_wait3A_309 = arith.constant 0 : i32
    %dma_wait3A_310 = arith.constant 0 : i32
    %dma_wait3A_311 = tpu.memref_slice %arg26[%dma_wait3A_309, %dma_wait3A_310] : memref<10112x48xf32, #tpu.memory_space<vmem_shared>> -> memref<10112x48xf32, #tpu.memory_space<vmem_shared>>
    tpu.wait_indirect_dma semaphore(%arg36 : memref<!tpu.dma_semaphore, #tpu.memory_space<semaphore_mem>>) src(%arg23 : memref<80x48xf32, #tpu.memory_space<vmem>>) dst(%dma_wait3A_311 : memref<10112x48xf32, #tpu.memory_space<vmem_shared>>)
    %add3A_312 = arith.constant 9920 : i32
    %add3A_313 = arith.addi %mul3A_2, %add3A_312 : i32
    %dma_wait3A_314 = tpu.memref_slice %arg4[%add3A_313] : memref<320000xi32, #tpu.memory_space<hbm>> -> memref<80xi32, #tpu.memory_space<hbm>>
    %dma_wait3A_315 = tpu.memref_slice %arg4[%add3A_313] : memref<320000xi32, #tpu.memory_space<hbm>> -> memref<80xi32, #tpu.memory_space<hbm>>
    tpu.wait_dma2 semaphore(%arg49 : memref<!tpu.dma_semaphore, #tpu.memory_space<semaphore_mem>>) src(%dma_wait3A_315 : memref<80xi32, #tpu.memory_space<hbm>>) dst(%arg18 : memref<80xi32, #tpu.memory_space<vmem>>)
    %dma_start3A_316 = arith.constant 0 : i32
    %dma_start3A_317 = arith.constant 0 : i32
    %dma_start3A_318 = tpu.memref_slice %arg26[%dma_start3A_316, %dma_start3A_317] : memref<10112x48xf32, #tpu.memory_space<vmem_shared>> -> memref<10112x48xf32, #tpu.memory_space<vmem_shared>>
    tpu.enqueue_indirect_dma source(%arg24 : memref<80x48xf32, #tpu.memory_space<vmem>>) target(%dma_start3A_318 : memref<10112x48xf32, #tpu.memory_space<vmem_shared>>) offsets(%arg18 : memref<80xi32, #tpu.memory_space<vmem>>) semaphore(%arg37 : memref<!tpu.dma_semaphore, #tpu.memory_space<semaphore_mem>>) {add = true}
    %dma_wait3A_319 = arith.constant 0 : i32
    %dma_wait3A_320 = arith.constant 0 : i32
    %dma_wait3A_321 = tpu.memref_slice %arg26[%dma_wait3A_319, %dma_wait3A_320] : memref<10112x48xf32, #tpu.memory_space<vmem_shared>> -> memref<10112x48xf32, #tpu.memory_space<vmem_shared>>
    tpu.wait_indirect_dma semaphore(%arg37 : memref<!tpu.dma_semaphore, #tpu.memory_space<semaphore_mem>>) src(%arg24 : memref<80x48xf32, #tpu.memory_space<vmem>>) dst(%dma_wait3A_321 : memref<10112x48xf32, #tpu.memory_space<vmem_shared>>)
    %barrier3A_322 = arith.constant 0 : index
    tpu.barrier barrier_id(%barrier3A_322)
    %mul3A_323 = arith.constant 632 : i32
    %mul3A_324 = arith.muli %arg1, %mul3A_323 : i32
    %mul3A_325 = arith.constant 632 : i32
    %mul3A_326 = arith.muli %arg1, %mul3A_325 : i32
    "tpu.region"() ({
      %run_scoped3A = tpu.sem_alloc : memref<!tpu.dma_semaphore, #tpu.memory_space<semaphore_mem>>
      %dma_start3A_327 = arith.constant 0 : i32
      %dma_start3A_328 = tpu.memref_slice %arg7[%arg0, %mul3A_326, %dma_start3A_327] : memref<2x10112x48xf32, #tpu.memory_space<hbm>> -> memref<1x632x48xf32, #tpu.memory_space<hbm>>
      %dma_start3A_329 = tpu.memref_squeeze %dma_start3A_328 : memref<1x632x48xf32, #tpu.memory_space<hbm>> -> memref<632x48xf32, #tpu.memory_space<hbm>>
      %dma_start3A_330 = arith.constant 0 : i32
      %dma_start3A_331 = tpu.memref_slice %arg26[%mul3A_324, %dma_start3A_330] : memref<10112x48xf32, #tpu.memory_space<vmem_shared>> -> memref<632x48xf32, #tpu.memory_space<vmem_shared>>
      tpu.enqueue_dma source(%dma_start3A_331 : memref<632x48xf32, #tpu.memory_space<vmem_shared>>) target(%dma_start3A_329 : memref<632x48xf32, #tpu.memory_space<hbm>>) target_semaphore(%run_scoped3A : memref<!tpu.dma_semaphore, #tpu.memory_space<semaphore_mem>>)
      %dma_wait3A_332 = arith.constant 0 : i32
      %dma_wait3A_333 = tpu.memref_slice %arg7[%arg0, %mul3A_326, %dma_wait3A_332] : memref<2x10112x48xf32, #tpu.memory_space<hbm>> -> memref<1x632x48xf32, #tpu.memory_space<hbm>>
      %dma_wait3A_334 = tpu.memref_squeeze %dma_wait3A_333 : memref<1x632x48xf32, #tpu.memory_space<hbm>> -> memref<632x48xf32, #tpu.memory_space<hbm>>
      %dma_wait3A_335 = arith.constant 0 : i32
      %dma_wait3A_336 = tpu.memref_slice %arg26[%mul3A_324, %dma_wait3A_335] : memref<10112x48xf32, #tpu.memory_space<vmem_shared>> -> memref<632x48xf32, #tpu.memory_space<vmem_shared>>
      tpu.wait_dma2 semaphore(%run_scoped3A : memref<!tpu.dma_semaphore, #tpu.memory_space<semaphore_mem>>) src(%dma_wait3A_336 : memref<632x48xf32, #tpu.memory_space<vmem_shared>>) dst(%dma_wait3A_334 : memref<632x48xf32, #tpu.memory_space<hbm>>)
      tpu.yield
    }) : () -> ()
    return
  }
}

#map = affine_map<(d0, d1) -> (0, 0, 0)>
#map1 = affine_map<(d0, d1) -> (0, 0)>
module attributes {stable_mosaic.version = 14 : i64} {
  func.func @deg_kernel(%arg0: i32, %arg1: i32, %arg2: memref<32x125x80xi32, #tpu.memory_space<hbm>>, %arg3: memref<80x16xf32, #tpu.memory_space<hbm>>, %arg4: memref<632x16xf32, #tpu.memory_space<hbm>>, %arg5: memref<2x10112x16xf32, #tpu.memory_space<hbm>>, %arg6: memref<125x80xi32, #tpu.memory_space<vmem>>, %arg7: memref<80x16xf32, #tpu.memory_space<vmem>>, %arg8: memref<10112x16xf32, #tpu.memory_space<vmem_shared>>, %arg9: memref<!tpu.dma_semaphore, #tpu.memory_space<semaphore_mem>>, %arg10: memref<!tpu.dma_semaphore, #tpu.memory_space<semaphore_mem>>) attributes {dimension_semantics = [#tpu.dimension_semantics<core_parallel>, #tpu.dimension_semantics<subcore_parallel>], iteration_bounds = array<i64: 2, 16>, scalar_prefetch = 0 : i64, scratch_operands = 5 : i64, tpu.core_type = #tpu.core_type<sc_vector_subcore>, window_params = [{transform_indices = #map}, {transform_indices = #map1}, {transform_indices = #map1}, {transform_indices = #map}]} {
    %mul3A = arith.constant 16 : i32
    %mul3A_0 = arith.muli %arg0, %mul3A : i32
    %add3A = arith.addi %mul3A_0, %arg1 : i32
    "tpu.region"() ({
      %run_scoped3A = tpu.sem_alloc : memref<!tpu.dma_semaphore, #tpu.memory_space<semaphore_mem>>
      %dma_start3A_53 = arith.constant 0 : i32
      %dma_start3A_54 = arith.constant 0 : i32
      %dma_start3A_55 = tpu.memref_slice %arg2[%add3A, %dma_start3A_53, %dma_start3A_54] : memref<32x125x80xi32, #tpu.memory_space<hbm>> -> memref<1x125x80xi32, #tpu.memory_space<hbm>>
      %dma_start3A_56 = tpu.memref_squeeze %dma_start3A_55 : memref<1x125x80xi32, #tpu.memory_space<hbm>> -> memref<125x80xi32, #tpu.memory_space<hbm>>
      %dma_start3A_57 = arith.constant 0 : i32
      %dma_start3A_58 = arith.constant 0 : i32
      %dma_start3A_59 = tpu.memref_slice %arg2[%add3A, %dma_start3A_57, %dma_start3A_58] : memref<32x125x80xi32, #tpu.memory_space<hbm>> -> memref<1x125x80xi32, #tpu.memory_space<hbm>>
      %dma_start3A_60 = tpu.memref_squeeze %dma_start3A_59 : memref<1x125x80xi32, #tpu.memory_space<hbm>> -> memref<125x80xi32, #tpu.memory_space<hbm>>
      tpu.enqueue_dma source(%dma_start3A_60 : memref<125x80xi32, #tpu.memory_space<hbm>>) target(%arg6 : memref<125x80xi32, #tpu.memory_space<vmem>>) target_semaphore(%run_scoped3A : memref<!tpu.dma_semaphore, #tpu.memory_space<semaphore_mem>>)
      %dma_wait3A_61 = arith.constant 0 : i32
      %dma_wait3A_62 = arith.constant 0 : i32
      %dma_wait3A_63 = tpu.memref_slice %arg2[%add3A, %dma_wait3A_61, %dma_wait3A_62] : memref<32x125x80xi32, #tpu.memory_space<hbm>> -> memref<1x125x80xi32, #tpu.memory_space<hbm>>
      %dma_wait3A_64 = tpu.memref_squeeze %dma_wait3A_63 : memref<1x125x80xi32, #tpu.memory_space<hbm>> -> memref<125x80xi32, #tpu.memory_space<hbm>>
      %dma_wait3A_65 = arith.constant 0 : i32
      %dma_wait3A_66 = arith.constant 0 : i32
      %dma_wait3A_67 = tpu.memref_slice %arg2[%add3A, %dma_wait3A_65, %dma_wait3A_66] : memref<32x125x80xi32, #tpu.memory_space<hbm>> -> memref<1x125x80xi32, #tpu.memory_space<hbm>>
      %dma_wait3A_68 = tpu.memref_squeeze %dma_wait3A_67 : memref<1x125x80xi32, #tpu.memory_space<hbm>> -> memref<125x80xi32, #tpu.memory_space<hbm>>
      tpu.wait_dma2 semaphore(%run_scoped3A : memref<!tpu.dma_semaphore, #tpu.memory_space<semaphore_mem>>) src(%dma_wait3A_68 : memref<125x80xi32, #tpu.memory_space<hbm>>) dst(%arg6 : memref<125x80xi32, #tpu.memory_space<vmem>>)
      tpu.yield
    }) : () -> ()
    "tpu.region"() ({
      %run_scoped3A = tpu.sem_alloc : memref<!tpu.dma_semaphore, #tpu.memory_space<semaphore_mem>>
      tpu.enqueue_dma source(%arg3 : memref<80x16xf32, #tpu.memory_space<hbm>>) target(%arg7 : memref<80x16xf32, #tpu.memory_space<vmem>>) target_semaphore(%run_scoped3A : memref<!tpu.dma_semaphore, #tpu.memory_space<semaphore_mem>>)
      tpu.wait_dma2 semaphore(%run_scoped3A : memref<!tpu.dma_semaphore, #tpu.memory_space<semaphore_mem>>) src(%arg3 : memref<80x16xf32, #tpu.memory_space<hbm>>) dst(%arg7 : memref<80x16xf32, #tpu.memory_space<vmem>>)
      tpu.yield
    }) : () -> ()
    %mul3A_1 = arith.constant 632 : i32
    %mul3A_2 = arith.muli %arg1, %mul3A_1 : i32
    "tpu.region"() ({
      %run_scoped3A = tpu.sem_alloc : memref<!tpu.dma_semaphore, #tpu.memory_space<semaphore_mem>>
      %dma_start3A_53 = arith.constant 0 : i32
      %dma_start3A_54 = tpu.memref_slice %arg8[%mul3A_2, %dma_start3A_53] : memref<10112x16xf32, #tpu.memory_space<vmem_shared>> -> memref<632x16xf32, #tpu.memory_space<vmem_shared>>
      tpu.enqueue_dma source(%arg4 : memref<632x16xf32, #tpu.memory_space<hbm>>) target(%dma_start3A_54 : memref<632x16xf32, #tpu.memory_space<vmem_shared>>) target_semaphore(%run_scoped3A : memref<!tpu.dma_semaphore, #tpu.memory_space<semaphore_mem>>)
      %dma_wait3A_55 = arith.constant 0 : i32
      %dma_wait3A_56 = tpu.memref_slice %arg8[%mul3A_2, %dma_wait3A_55] : memref<10112x16xf32, #tpu.memory_space<vmem_shared>> -> memref<632x16xf32, #tpu.memory_space<vmem_shared>>
      tpu.wait_dma2 semaphore(%run_scoped3A : memref<!tpu.dma_semaphore, #tpu.memory_space<semaphore_mem>>) src(%arg4 : memref<632x16xf32, #tpu.memory_space<hbm>>) dst(%dma_wait3A_56 : memref<632x16xf32, #tpu.memory_space<vmem_shared>>)
      tpu.yield
    }) : () -> ()
    %barrier3A = arith.constant 0 : index
    tpu.barrier barrier_id(%barrier3A)
    %dma_start3A = arith.constant 0 : i32
    %dma_start3A_3 = arith.constant 0 : i32
    %dma_start3A_4 = tpu.memref_slice %arg6[%dma_start3A, %dma_start3A_3] : memref<125x80xi32, #tpu.memory_space<vmem>> -> memref<1x80xi32, #tpu.memory_space<vmem>>
    %dma_start3A_5 = tpu.memref_squeeze %dma_start3A_4 : memref<1x80xi32, #tpu.memory_space<vmem>> -> memref<80xi32, #tpu.memory_space<vmem>>
    %dma_start3A_6 = arith.constant 0 : i32
    %dma_start3A_7 = arith.constant 0 : i32
    %dma_start3A_8 = tpu.memref_slice %arg8[%dma_start3A_6, %dma_start3A_7] : memref<10112x16xf32, #tpu.memory_space<vmem_shared>> -> memref<10112x16xf32, #tpu.memory_space<vmem_shared>>
    tpu.enqueue_indirect_dma source(%arg7 : memref<80x16xf32, #tpu.memory_space<vmem>>) target(%dma_start3A_8 : memref<10112x16xf32, #tpu.memory_space<vmem_shared>>) offsets(%dma_start3A_5 : memref<80xi32, #tpu.memory_space<vmem>>) semaphore(%arg9 : memref<!tpu.dma_semaphore, #tpu.memory_space<semaphore_mem>>) {add = true}
    %dma_start3A_9 = arith.constant 1 : i32
    %dma_start3A_10 = arith.constant 0 : i32
    %dma_start3A_11 = tpu.memref_slice %arg6[%dma_start3A_9, %dma_start3A_10] : memref<125x80xi32, #tpu.memory_space<vmem>> -> memref<1x80xi32, #tpu.memory_space<vmem>>
    %dma_start3A_12 = tpu.memref_squeeze %dma_start3A_11 : memref<1x80xi32, #tpu.memory_space<vmem>> -> memref<80xi32, #tpu.memory_space<vmem>>
    %dma_start3A_13 = arith.constant 0 : i32
    %dma_start3A_14 = arith.constant 0 : i32
    %dma_start3A_15 = tpu.memref_slice %arg8[%dma_start3A_13, %dma_start3A_14] : memref<10112x16xf32, #tpu.memory_space<vmem_shared>> -> memref<10112x16xf32, #tpu.memory_space<vmem_shared>>
    tpu.enqueue_indirect_dma source(%arg7 : memref<80x16xf32, #tpu.memory_space<vmem>>) target(%dma_start3A_15 : memref<10112x16xf32, #tpu.memory_space<vmem_shared>>) offsets(%dma_start3A_12 : memref<80xi32, #tpu.memory_space<vmem>>) semaphore(%arg10 : memref<!tpu.dma_semaphore, #tpu.memory_space<semaphore_mem>>) {add = true}
    %scan3A = arith.constant 0 : i32
    %scan3A_16 = arith.constant 1 : i32
    %scan3A_17 = arith.constant 61 : i32
    %scan3A_18 = arith.addi %scan3A_16, %scan3A_17 : i32
    %scan3A_19 = arith.constant 1 : i32
    scf.for %scan3A_53 = %scan3A_16 to %scan3A_18 step %scan3A_19  : i32 {
      %mul3A_54 = arith.constant 2 : i32
      %mul3A_55 = arith.muli %mul3A_54, %scan3A_53 : i32
      %dma_wait3A_56 = arith.constant 0 : i32
      %dma_wait3A_57 = tpu.memref_slice %arg6[%mul3A_55, %dma_wait3A_56] : memref<125x80xi32, #tpu.memory_space<vmem>> -> memref<1x80xi32, #tpu.memory_space<vmem>>
      %dma_wait3A_58 = tpu.memref_squeeze %dma_wait3A_57 : memref<1x80xi32, #tpu.memory_space<vmem>> -> memref<80xi32, #tpu.memory_space<vmem>>
      %dma_wait3A_59 = arith.constant 0 : i32
      %dma_wait3A_60 = arith.constant 0 : i32
      %dma_wait3A_61 = tpu.memref_slice %arg8[%dma_wait3A_59, %dma_wait3A_60] : memref<10112x16xf32, #tpu.memory_space<vmem_shared>> -> memref<10112x16xf32, #tpu.memory_space<vmem_shared>>
      tpu.wait_indirect_dma semaphore(%arg9 : memref<!tpu.dma_semaphore, #tpu.memory_space<semaphore_mem>>) src(%arg7 : memref<80x16xf32, #tpu.memory_space<vmem>>) dst(%dma_wait3A_61 : memref<10112x16xf32, #tpu.memory_space<vmem_shared>>)
      %dma_start3A_62 = arith.constant 0 : i32
      %dma_start3A_63 = tpu.memref_slice %arg6[%mul3A_55, %dma_start3A_62] : memref<125x80xi32, #tpu.memory_space<vmem>> -> memref<1x80xi32, #tpu.memory_space<vmem>>
      %dma_start3A_64 = tpu.memref_squeeze %dma_start3A_63 : memref<1x80xi32, #tpu.memory_space<vmem>> -> memref<80xi32, #tpu.memory_space<vmem>>
      %dma_start3A_65 = arith.constant 0 : i32
      %dma_start3A_66 = arith.constant 0 : i32
      %dma_start3A_67 = tpu.memref_slice %arg8[%dma_start3A_65, %dma_start3A_66] : memref<10112x16xf32, #tpu.memory_space<vmem_shared>> -> memref<10112x16xf32, #tpu.memory_space<vmem_shared>>
      tpu.enqueue_indirect_dma source(%arg7 : memref<80x16xf32, #tpu.memory_space<vmem>>) target(%dma_start3A_67 : memref<10112x16xf32, #tpu.memory_space<vmem_shared>>) offsets(%dma_start3A_64 : memref<80xi32, #tpu.memory_space<vmem>>) semaphore(%arg9 : memref<!tpu.dma_semaphore, #tpu.memory_space<semaphore_mem>>) {add = true}
      %mul3A_68 = arith.constant 2 : i32
      %mul3A_69 = arith.muli %mul3A_68, %scan3A_53 : i32
      %add3A_70 = arith.constant 1 : i32
      %add3A_71 = arith.addi %mul3A_69, %add3A_70 : i32
      %dma_wait3A_72 = arith.constant 0 : i32
      %dma_wait3A_73 = tpu.memref_slice %arg6[%add3A_71, %dma_wait3A_72] : memref<125x80xi32, #tpu.memory_space<vmem>> -> memref<1x80xi32, #tpu.memory_space<vmem>>
      %dma_wait3A_74 = tpu.memref_squeeze %dma_wait3A_73 : memref<1x80xi32, #tpu.memory_space<vmem>> -> memref<80xi32, #tpu.memory_space<vmem>>
      %dma_wait3A_75 = arith.constant 0 : i32
      %dma_wait3A_76 = arith.constant 0 : i32
      %dma_wait3A_77 = tpu.memref_slice %arg8[%dma_wait3A_75, %dma_wait3A_76] : memref<10112x16xf32, #tpu.memory_space<vmem_shared>> -> memref<10112x16xf32, #tpu.memory_space<vmem_shared>>
      tpu.wait_indirect_dma semaphore(%arg10 : memref<!tpu.dma_semaphore, #tpu.memory_space<semaphore_mem>>) src(%arg7 : memref<80x16xf32, #tpu.memory_space<vmem>>) dst(%dma_wait3A_77 : memref<10112x16xf32, #tpu.memory_space<vmem_shared>>)
      %dma_start3A_78 = arith.constant 0 : i32
      %dma_start3A_79 = tpu.memref_slice %arg6[%add3A_71, %dma_start3A_78] : memref<125x80xi32, #tpu.memory_space<vmem>> -> memref<1x80xi32, #tpu.memory_space<vmem>>
      %dma_start3A_80 = tpu.memref_squeeze %dma_start3A_79 : memref<1x80xi32, #tpu.memory_space<vmem>> -> memref<80xi32, #tpu.memory_space<vmem>>
      %dma_start3A_81 = arith.constant 0 : i32
      %dma_start3A_82 = arith.constant 0 : i32
      %dma_start3A_83 = tpu.memref_slice %arg8[%dma_start3A_81, %dma_start3A_82] : memref<10112x16xf32, #tpu.memory_space<vmem_shared>> -> memref<10112x16xf32, #tpu.memory_space<vmem_shared>>
      tpu.enqueue_indirect_dma source(%arg7 : memref<80x16xf32, #tpu.memory_space<vmem>>) target(%dma_start3A_83 : memref<10112x16xf32, #tpu.memory_space<vmem_shared>>) offsets(%dma_start3A_80 : memref<80xi32, #tpu.memory_space<vmem>>) semaphore(%arg10 : memref<!tpu.dma_semaphore, #tpu.memory_space<semaphore_mem>>) {add = true}
    }
    %scan3A_20 = arith.constant 61 : i32
    %dma_wait3A = arith.constant 124 : i32
    %dma_wait3A_21 = arith.constant 0 : i32
    %dma_wait3A_22 = tpu.memref_slice %arg6[%dma_wait3A, %dma_wait3A_21] : memref<125x80xi32, #tpu.memory_space<vmem>> -> memref<1x80xi32, #tpu.memory_space<vmem>>
    %dma_wait3A_23 = tpu.memref_squeeze %dma_wait3A_22 : memref<1x80xi32, #tpu.memory_space<vmem>> -> memref<80xi32, #tpu.memory_space<vmem>>
    %dma_wait3A_24 = arith.constant 0 : i32
    %dma_wait3A_25 = arith.constant 0 : i32
    %dma_wait3A_26 = tpu.memref_slice %arg8[%dma_wait3A_24, %dma_wait3A_25] : memref<10112x16xf32, #tpu.memory_space<vmem_shared>> -> memref<10112x16xf32, #tpu.memory_space<vmem_shared>>
    tpu.wait_indirect_dma semaphore(%arg9 : memref<!tpu.dma_semaphore, #tpu.memory_space<semaphore_mem>>) src(%arg7 : memref<80x16xf32, #tpu.memory_space<vmem>>) dst(%dma_wait3A_26 : memref<10112x16xf32, #tpu.memory_space<vmem_shared>>)
    %dma_start3A_27 = arith.constant 124 : i32
    %dma_start3A_28 = arith.constant 0 : i32
    %dma_start3A_29 = tpu.memref_slice %arg6[%dma_start3A_27, %dma_start3A_28] : memref<125x80xi32, #tpu.memory_space<vmem>> -> memref<1x80xi32, #tpu.memory_space<vmem>>
    %dma_start3A_30 = tpu.memref_squeeze %dma_start3A_29 : memref<1x80xi32, #tpu.memory_space<vmem>> -> memref<80xi32, #tpu.memory_space<vmem>>
    %dma_start3A_31 = arith.constant 0 : i32
    %dma_start3A_32 = arith.constant 0 : i32
    %dma_start3A_33 = tpu.memref_slice %arg8[%dma_start3A_31, %dma_start3A_32] : memref<10112x16xf32, #tpu.memory_space<vmem_shared>> -> memref<10112x16xf32, #tpu.memory_space<vmem_shared>>
    tpu.enqueue_indirect_dma source(%arg7 : memref<80x16xf32, #tpu.memory_space<vmem>>) target(%dma_start3A_33 : memref<10112x16xf32, #tpu.memory_space<vmem_shared>>) offsets(%dma_start3A_30 : memref<80xi32, #tpu.memory_space<vmem>>) semaphore(%arg9 : memref<!tpu.dma_semaphore, #tpu.memory_space<semaphore_mem>>) {add = true}
    %dma_wait3A_34 = arith.constant 0 : i32
    %dma_wait3A_35 = arith.constant 0 : i32
    %dma_wait3A_36 = tpu.memref_slice %arg6[%dma_wait3A_34, %dma_wait3A_35] : memref<125x80xi32, #tpu.memory_space<vmem>> -> memref<1x80xi32, #tpu.memory_space<vmem>>
    %dma_wait3A_37 = tpu.memref_squeeze %dma_wait3A_36 : memref<1x80xi32, #tpu.memory_space<vmem>> -> memref<80xi32, #tpu.memory_space<vmem>>
    %dma_wait3A_38 = arith.constant 0 : i32
    %dma_wait3A_39 = arith.constant 0 : i32
    %dma_wait3A_40 = tpu.memref_slice %arg8[%dma_wait3A_38, %dma_wait3A_39] : memref<10112x16xf32, #tpu.memory_space<vmem_shared>> -> memref<10112x16xf32, #tpu.memory_space<vmem_shared>>
    tpu.wait_indirect_dma semaphore(%arg9 : memref<!tpu.dma_semaphore, #tpu.memory_space<semaphore_mem>>) src(%arg7 : memref<80x16xf32, #tpu.memory_space<vmem>>) dst(%dma_wait3A_40 : memref<10112x16xf32, #tpu.memory_space<vmem_shared>>)
    %dma_wait3A_41 = arith.constant 0 : i32
    %dma_wait3A_42 = arith.constant 0 : i32
    %dma_wait3A_43 = tpu.memref_slice %arg6[%dma_wait3A_41, %dma_wait3A_42] : memref<125x80xi32, #tpu.memory_space<vmem>> -> memref<1x80xi32, #tpu.memory_space<vmem>>
    %dma_wait3A_44 = tpu.memref_squeeze %dma_wait3A_43 : memref<1x80xi32, #tpu.memory_space<vmem>> -> memref<80xi32, #tpu.memory_space<vmem>>
    %dma_wait3A_45 = arith.constant 0 : i32
    %dma_wait3A_46 = arith.constant 0 : i32
    %dma_wait3A_47 = tpu.memref_slice %arg8[%dma_wait3A_45, %dma_wait3A_46] : memref<10112x16xf32, #tpu.memory_space<vmem_shared>> -> memref<10112x16xf32, #tpu.memory_space<vmem_shared>>
    tpu.wait_indirect_dma semaphore(%arg10 : memref<!tpu.dma_semaphore, #tpu.memory_space<semaphore_mem>>) src(%arg7 : memref<80x16xf32, #tpu.memory_space<vmem>>) dst(%dma_wait3A_47 : memref<10112x16xf32, #tpu.memory_space<vmem_shared>>)
    %barrier3A_48 = arith.constant 0 : index
    tpu.barrier barrier_id(%barrier3A_48)
    %mul3A_49 = arith.constant 632 : i32
    %mul3A_50 = arith.muli %arg1, %mul3A_49 : i32
    %mul3A_51 = arith.constant 632 : i32
    %mul3A_52 = arith.muli %arg1, %mul3A_51 : i32
    "tpu.region"() ({
      %run_scoped3A = tpu.sem_alloc : memref<!tpu.dma_semaphore, #tpu.memory_space<semaphore_mem>>
      %dma_start3A_53 = arith.constant 0 : i32
      %dma_start3A_54 = tpu.memref_slice %arg5[%arg0, %mul3A_52, %dma_start3A_53] : memref<2x10112x16xf32, #tpu.memory_space<hbm>> -> memref<1x632x16xf32, #tpu.memory_space<hbm>>
      %dma_start3A_55 = tpu.memref_squeeze %dma_start3A_54 : memref<1x632x16xf32, #tpu.memory_space<hbm>> -> memref<632x16xf32, #tpu.memory_space<hbm>>
      %dma_start3A_56 = arith.constant 0 : i32
      %dma_start3A_57 = tpu.memref_slice %arg8[%mul3A_50, %dma_start3A_56] : memref<10112x16xf32, #tpu.memory_space<vmem_shared>> -> memref<632x16xf32, #tpu.memory_space<vmem_shared>>
      tpu.enqueue_dma source(%dma_start3A_57 : memref<632x16xf32, #tpu.memory_space<vmem_shared>>) target(%dma_start3A_55 : memref<632x16xf32, #tpu.memory_space<hbm>>) target_semaphore(%run_scoped3A : memref<!tpu.dma_semaphore, #tpu.memory_space<semaphore_mem>>)
      %dma_wait3A_58 = arith.constant 0 : i32
      %dma_wait3A_59 = tpu.memref_slice %arg5[%arg0, %mul3A_52, %dma_wait3A_58] : memref<2x10112x16xf32, #tpu.memory_space<hbm>> -> memref<1x632x16xf32, #tpu.memory_space<hbm>>
      %dma_wait3A_60 = tpu.memref_squeeze %dma_wait3A_59 : memref<1x632x16xf32, #tpu.memory_space<hbm>> -> memref<632x16xf32, #tpu.memory_space<hbm>>
      %dma_wait3A_61 = arith.constant 0 : i32
      %dma_wait3A_62 = tpu.memref_slice %arg8[%mul3A_50, %dma_wait3A_61] : memref<10112x16xf32, #tpu.memory_space<vmem_shared>> -> memref<632x16xf32, #tpu.memory_space<vmem_shared>>
      tpu.wait_dma2 semaphore(%run_scoped3A : memref<!tpu.dma_semaphore, #tpu.memory_space<semaphore_mem>>) src(%dma_wait3A_62 : memref<632x16xf32, #tpu.memory_space<vmem_shared>>) dst(%dma_wait3A_60 : memref<632x16xf32, #tpu.memory_space<hbm>>)
      tpu.yield
    }) : () -> ()
    return
  }
}

#map = affine_map<(d0, d1) -> (0, 0)>
#map1 = affine_map<(d0, d1) -> (0)>
#map2 = affine_map<(d0, d1) -> (0, 0, 0)>
module attributes {stable_mosaic.version = 14 : i64} {
  func.func @seg_sum(%arg0: i32, %arg1: i32, %arg2: memref<10000x128xf32, #tpu.memory_space<hbm>>, %arg3: memref<320000xi32, #tpu.memory_space<hbm>>, %arg4: memref<320000xi32, #tpu.memory_space<hbm>>, %arg5: memref<80xi32, #tpu.memory_space<hbm>>, %arg6: memref<632x128xf32, #tpu.memory_space<hbm>>, %arg7: memref<2x10112x128xf32, #tpu.memory_space<hbm>>, %arg8: memref<80xi32, #tpu.memory_space<vmem>>, %arg9: memref<80xi32, #tpu.memory_space<vmem>>, %arg10: memref<80xi32, #tpu.memory_space<vmem>>, %arg11: memref<80xi32, #tpu.memory_space<vmem>>, %arg12: memref<80xi32, #tpu.memory_space<vmem>>, %arg13: memref<80xi32, #tpu.memory_space<vmem>>, %arg14: memref<80xi32, #tpu.memory_space<vmem>>, %arg15: memref<80xi32, #tpu.memory_space<vmem>>, %arg16: memref<80x128xf32, #tpu.memory_space<vmem>>, %arg17: memref<80x128xf32, #tpu.memory_space<vmem>>, %arg18: memref<80x128xf32, #tpu.memory_space<vmem>>, %arg19: memref<80x128xf32, #tpu.memory_space<vmem>>, %arg20: memref<10112x128xf32, #tpu.memory_space<vmem_shared>>, %arg21: memref<!tpu.dma_semaphore, #tpu.memory_space<semaphore_mem>>, %arg22: memref<!tpu.dma_semaphore, #tpu.memory_space<semaphore_mem>>, %arg23: memref<!tpu.dma_semaphore, #tpu.memory_space<semaphore_mem>>, %arg24: memref<!tpu.dma_semaphore, #tpu.memory_space<semaphore_mem>>, %arg25: memref<!tpu.dma_semaphore, #tpu.memory_space<semaphore_mem>>, %arg26: memref<!tpu.dma_semaphore, #tpu.memory_space<semaphore_mem>>, %arg27: memref<!tpu.dma_semaphore, #tpu.memory_space<semaphore_mem>>, %arg28: memref<!tpu.dma_semaphore, #tpu.memory_space<semaphore_mem>>, %arg29: memref<!tpu.dma_semaphore, #tpu.memory_space<semaphore_mem>>, %arg30: memref<!tpu.dma_semaphore, #tpu.memory_space<semaphore_mem>>, %arg31: memref<!tpu.dma_semaphore, #tpu.memory_space<semaphore_mem>>, %arg32: memref<!tpu.dma_semaphore, #tpu.memory_space<semaphore_mem>>, %arg33: memref<!tpu.dma_semaphore, #tpu.memory_space<semaphore_mem>>, %arg34: memref<!tpu.dma_semaphore, #tpu.memory_space<semaphore_mem>>, %arg35: memref<!tpu.dma_semaphore, #tpu.memory_space<semaphore_mem>>, %arg36: memref<!tpu.dma_semaphore, #tpu.memory_space<semaphore_mem>>) attributes {dimension_semantics = [#tpu.dimension_semantics<core_parallel>, #tpu.dimension_semantics<subcore_parallel>], iteration_bounds = array<i64: 2, 16>, scalar_prefetch = 0 : i64, scratch_operands = 29 : i64, tpu.core_type = #tpu.core_type<sc_vector_subcore>, window_params = [{transform_indices = #map}, {transform_indices = #map1}, {transform_indices = #map1}, {transform_indices = #map1}, {transform_indices = #map}, {transform_indices = #map2}]} {
    %mul3A = arith.constant 16 : i32
    %mul3A_0 = arith.muli %arg0, %mul3A : i32
    %add3A = arith.addi %mul3A_0, %arg1 : i32
    %mul3A_1 = arith.constant 10000 : i32
    %mul3A_2 = arith.muli %add3A, %mul3A_1 : i32
    %mul3A_3 = arith.constant 632 : i32
    %mul3A_4 = arith.muli %arg1, %mul3A_3 : i32
    "tpu.region"() ({
      %run_scoped3A = tpu.sem_alloc : memref<!tpu.dma_semaphore, #tpu.memory_space<semaphore_mem>>
      %dma_start3A_159 = arith.constant 0 : i32
      %dma_start3A_160 = tpu.memref_slice %arg20[%mul3A_4, %dma_start3A_159] : memref<10112x128xf32, #tpu.memory_space<vmem_shared>> -> memref<632x128xf32, #tpu.memory_space<vmem_shared>>
      tpu.enqueue_dma source(%arg6 : memref<632x128xf32, #tpu.memory_space<hbm>>) target(%dma_start3A_160 : memref<632x128xf32, #tpu.memory_space<vmem_shared>>) target_semaphore(%run_scoped3A : memref<!tpu.dma_semaphore, #tpu.memory_space<semaphore_mem>>)
      %dma_wait3A_161 = arith.constant 0 : i32
      %dma_wait3A_162 = tpu.memref_slice %arg20[%mul3A_4, %dma_wait3A_161] : memref<10112x128xf32, #tpu.memory_space<vmem_shared>> -> memref<632x128xf32, #tpu.memory_space<vmem_shared>>
      tpu.wait_dma2 semaphore(%run_scoped3A : memref<!tpu.dma_semaphore, #tpu.memory_space<semaphore_mem>>) src(%arg6 : memref<632x128xf32, #tpu.memory_space<hbm>>) dst(%dma_wait3A_162 : memref<632x128xf32, #tpu.memory_space<vmem_shared>>)
      tpu.yield
    }) : () -> ()
    %barrier3A = arith.constant 0 : index
    tpu.barrier barrier_id(%barrier3A)
    %add3A_5 = arith.constant 0 : i32
    %add3A_6 = arith.addi %mul3A_2, %add3A_5 : i32
    %dma_start3A = tpu.memref_slice %arg3[%add3A_6] : memref<320000xi32, #tpu.memory_space<hbm>> -> memref<80xi32, #tpu.memory_space<hbm>>
    %dma_start3A_7 = tpu.memref_slice %arg3[%add3A_6] : memref<320000xi32, #tpu.memory_space<hbm>> -> memref<80xi32, #tpu.memory_space<hbm>>
    tpu.enqueue_dma source(%dma_start3A_7 : memref<80xi32, #tpu.memory_space<hbm>>) target(%arg8 : memref<80xi32, #tpu.memory_space<vmem>>) target_semaphore(%arg29 : memref<!tpu.dma_semaphore, #tpu.memory_space<semaphore_mem>>)
    %add3A_8 = arith.constant 80 : i32
    %add3A_9 = arith.addi %mul3A_2, %add3A_8 : i32
    %dma_start3A_10 = tpu.memref_slice %arg3[%add3A_9] : memref<320000xi32, #tpu.memory_space<hbm>> -> memref<80xi32, #tpu.memory_space<hbm>>
    %dma_start3A_11 = tpu.memref_slice %arg3[%add3A_9] : memref<320000xi32, #tpu.memory_space<hbm>> -> memref<80xi32, #tpu.memory_space<hbm>>
    tpu.enqueue_dma source(%dma_start3A_11 : memref<80xi32, #tpu.memory_space<hbm>>) target(%arg9 : memref<80xi32, #tpu.memory_space<vmem>>) target_semaphore(%arg30 : memref<!tpu.dma_semaphore, #tpu.memory_space<semaphore_mem>>)
    %add3A_12 = arith.constant 160 : i32
    %add3A_13 = arith.addi %mul3A_2, %add3A_12 : i32
    %dma_start3A_14 = tpu.memref_slice %arg3[%add3A_13] : memref<320000xi32, #tpu.memory_space<hbm>> -> memref<80xi32, #tpu.memory_space<hbm>>
    %dma_start3A_15 = tpu.memref_slice %arg3[%add3A_13] : memref<320000xi32, #tpu.memory_space<hbm>> -> memref<80xi32, #tpu.memory_space<hbm>>
    tpu.enqueue_dma source(%dma_start3A_15 : memref<80xi32, #tpu.memory_space<hbm>>) target(%arg10 : memref<80xi32, #tpu.memory_space<vmem>>) target_semaphore(%arg31 : memref<!tpu.dma_semaphore, #tpu.memory_space<semaphore_mem>>)
    %add3A_16 = arith.constant 240 : i32
    %add3A_17 = arith.addi %mul3A_2, %add3A_16 : i32
    %dma_start3A_18 = tpu.memref_slice %arg3[%add3A_17] : memref<320000xi32, #tpu.memory_space<hbm>> -> memref<80xi32, #tpu.memory_space<hbm>>
    %dma_start3A_19 = tpu.memref_slice %arg3[%add3A_17] : memref<320000xi32, #tpu.memory_space<hbm>> -> memref<80xi32, #tpu.memory_space<hbm>>
    tpu.enqueue_dma source(%dma_start3A_19 : memref<80xi32, #tpu.memory_space<hbm>>) target(%arg11 : memref<80xi32, #tpu.memory_space<vmem>>) target_semaphore(%arg32 : memref<!tpu.dma_semaphore, #tpu.memory_space<semaphore_mem>>)
    %add3A_20 = arith.constant 0 : i32
    %add3A_21 = arith.addi %mul3A_2, %add3A_20 : i32
    %dma_start3A_22 = tpu.memref_slice %arg4[%add3A_21] : memref<320000xi32, #tpu.memory_space<hbm>> -> memref<80xi32, #tpu.memory_space<hbm>>
    %dma_start3A_23 = tpu.memref_slice %arg4[%add3A_21] : memref<320000xi32, #tpu.memory_space<hbm>> -> memref<80xi32, #tpu.memory_space<hbm>>
    tpu.enqueue_dma source(%dma_start3A_23 : memref<80xi32, #tpu.memory_space<hbm>>) target(%arg12 : memref<80xi32, #tpu.memory_space<vmem>>) target_semaphore(%arg33 : memref<!tpu.dma_semaphore, #tpu.memory_space<semaphore_mem>>)
    %add3A_24 = arith.constant 80 : i32
    %add3A_25 = arith.addi %mul3A_2, %add3A_24 : i32
    %dma_start3A_26 = tpu.memref_slice %arg4[%add3A_25] : memref<320000xi32, #tpu.memory_space<hbm>> -> memref<80xi32, #tpu.memory_space<hbm>>
    %dma_start3A_27 = tpu.memref_slice %arg4[%add3A_25] : memref<320000xi32, #tpu.memory_space<hbm>> -> memref<80xi32, #tpu.memory_space<hbm>>
    tpu.enqueue_dma source(%dma_start3A_27 : memref<80xi32, #tpu.memory_space<hbm>>) target(%arg13 : memref<80xi32, #tpu.memory_space<vmem>>) target_semaphore(%arg34 : memref<!tpu.dma_semaphore, #tpu.memory_space<semaphore_mem>>)
    %add3A_28 = arith.constant 160 : i32
    %add3A_29 = arith.addi %mul3A_2, %add3A_28 : i32
    %dma_start3A_30 = tpu.memref_slice %arg4[%add3A_29] : memref<320000xi32, #tpu.memory_space<hbm>> -> memref<80xi32, #tpu.memory_space<hbm>>
    %dma_start3A_31 = tpu.memref_slice %arg4[%add3A_29] : memref<320000xi32, #tpu.memory_space<hbm>> -> memref<80xi32, #tpu.memory_space<hbm>>
    tpu.enqueue_dma source(%dma_start3A_31 : memref<80xi32, #tpu.memory_space<hbm>>) target(%arg14 : memref<80xi32, #tpu.memory_space<vmem>>) target_semaphore(%arg35 : memref<!tpu.dma_semaphore, #tpu.memory_space<semaphore_mem>>)
    "tpu.region"() ({
      %run_scoped3A = tpu.sem_alloc : memref<!tpu.dma_semaphore, #tpu.memory_space<semaphore_mem>>
      tpu.enqueue_dma source(%arg5 : memref<80xi32, #tpu.memory_space<hbm>>) target(%arg15 : memref<80xi32, #tpu.memory_space<vmem>>) target_semaphore(%run_scoped3A : memref<!tpu.dma_semaphore, #tpu.memory_space<semaphore_mem>>)
      tpu.wait_dma2 semaphore(%run_scoped3A : memref<!tpu.dma_semaphore, #tpu.memory_space<semaphore_mem>>) src(%arg5 : memref<80xi32, #tpu.memory_space<hbm>>) dst(%arg15 : memref<80xi32, #tpu.memory_space<vmem>>)
      tpu.yield
    }) : () -> ()
    %dma_start3A_32 = arith.constant 0 : i32
    %dma_start3A_33 = arith.constant 0 : i32
    %dma_start3A_34 = tpu.memref_slice %arg20[%dma_start3A_32, %dma_start3A_33] : memref<10112x128xf32, #tpu.memory_space<vmem_shared>> -> memref<10112x128xf32, #tpu.memory_space<vmem_shared>>
    tpu.enqueue_indirect_dma source(%arg19 : memref<80x128xf32, #tpu.memory_space<vmem>>) target(%dma_start3A_34 : memref<10112x128xf32, #tpu.memory_space<vmem_shared>>) offsets(%arg15 : memref<80xi32, #tpu.memory_space<vmem>>) semaphore(%arg28 : memref<!tpu.dma_semaphore, #tpu.memory_space<semaphore_mem>>) {add = true}
    %add3A_35 = arith.constant 0 : i32
    %add3A_36 = arith.addi %mul3A_2, %add3A_35 : i32
    %dma_wait3A = tpu.memref_slice %arg3[%add3A_36] : memref<320000xi32, #tpu.memory_space<hbm>> -> memref<80xi32, #tpu.memory_space<hbm>>
    %dma_wait3A_37 = tpu.memref_slice %arg3[%add3A_36] : memref<320000xi32, #tpu.memory_space<hbm>> -> memref<80xi32, #tpu.memory_space<hbm>>
    tpu.wait_dma2 semaphore(%arg29 : memref<!tpu.dma_semaphore, #tpu.memory_space<semaphore_mem>>) src(%dma_wait3A_37 : memref<80xi32, #tpu.memory_space<hbm>>) dst(%arg8 : memref<80xi32, #tpu.memory_space<vmem>>)
    %dma_start3A_38 = arith.constant 0 : i32
    %dma_start3A_39 = arith.constant 0 : i32
    %dma_start3A_40 = tpu.memref_slice %arg2[%dma_start3A_38, %dma_start3A_39] : memref<10000x128xf32, #tpu.memory_space<hbm>> -> memref<10000x128xf32, #tpu.memory_space<hbm>>
    tpu.enqueue_indirect_dma source(%dma_start3A_40 : memref<10000x128xf32, #tpu.memory_space<hbm>>) target(%arg16 : memref<80x128xf32, #tpu.memory_space<vmem>>) offsets(%arg8 : memref<80xi32, #tpu.memory_space<vmem>>) semaphore(%arg21 : memref<!tpu.dma_semaphore, #tpu.memory_space<semaphore_mem>>)
    %add3A_41 = arith.constant 80 : i32
    %add3A_42 = arith.addi %mul3A_2, %add3A_41 : i32
    %dma_wait3A_43 = tpu.memref_slice %arg3[%add3A_42] : memref<320000xi32, #tpu.memory_space<hbm>> -> memref<80xi32, #tpu.memory_space<hbm>>
    %dma_wait3A_44 = tpu.memref_slice %arg3[%add3A_42] : memref<320000xi32, #tpu.memory_space<hbm>> -> memref<80xi32, #tpu.memory_space<hbm>>
    tpu.wait_dma2 semaphore(%arg30 : memref<!tpu.dma_semaphore, #tpu.memory_space<semaphore_mem>>) src(%dma_wait3A_44 : memref<80xi32, #tpu.memory_space<hbm>>) dst(%arg9 : memref<80xi32, #tpu.memory_space<vmem>>)
    %dma_start3A_45 = arith.constant 0 : i32
    %dma_start3A_46 = arith.constant 0 : i32
    %dma_start3A_47 = tpu.memref_slice %arg2[%dma_start3A_45, %dma_start3A_46] : memref<10000x128xf32, #tpu.memory_space<hbm>> -> memref<10000x128xf32, #tpu.memory_space<hbm>>
    tpu.enqueue_indirect_dma source(%dma_start3A_47 : memref<10000x128xf32, #tpu.memory_space<hbm>>) target(%arg17 : memref<80x128xf32, #tpu.memory_space<vmem>>) offsets(%arg9 : memref<80xi32, #tpu.memory_space<vmem>>) semaphore(%arg22 : memref<!tpu.dma_semaphore, #tpu.memory_space<semaphore_mem>>)
    %add3A_48 = arith.constant 160 : i32
    %add3A_49 = arith.addi %mul3A_2, %add3A_48 : i32
    %dma_wait3A_50 = tpu.memref_slice %arg3[%add3A_49] : memref<320000xi32, #tpu.memory_space<hbm>> -> memref<80xi32, #tpu.memory_space<hbm>>
    %dma_wait3A_51 = tpu.memref_slice %arg3[%add3A_49] : memref<320000xi32, #tpu.memory_space<hbm>> -> memref<80xi32, #tpu.memory_space<hbm>>
    tpu.wait_dma2 semaphore(%arg31 : memref<!tpu.dma_semaphore, #tpu.memory_space<semaphore_mem>>) src(%dma_wait3A_51 : memref<80xi32, #tpu.memory_space<hbm>>) dst(%arg10 : memref<80xi32, #tpu.memory_space<vmem>>)
    %dma_start3A_52 = arith.constant 0 : i32
    %dma_start3A_53 = arith.constant 0 : i32
    %dma_start3A_54 = tpu.memref_slice %arg2[%dma_start3A_52, %dma_start3A_53] : memref<10000x128xf32, #tpu.memory_space<hbm>> -> memref<10000x128xf32, #tpu.memory_space<hbm>>
    tpu.enqueue_indirect_dma source(%dma_start3A_54 : memref<10000x128xf32, #tpu.memory_space<hbm>>) target(%arg18 : memref<80x128xf32, #tpu.memory_space<vmem>>) offsets(%arg10 : memref<80xi32, #tpu.memory_space<vmem>>) semaphore(%arg23 : memref<!tpu.dma_semaphore, #tpu.memory_space<semaphore_mem>>)
    %scan3A = arith.constant 0 : i32
    %scan3A_55 = arith.constant 0 : i32
    %scan3A_56 = arith.constant 30 : i32
    %scan3A_57 = arith.addi %scan3A_55, %scan3A_56 : i32
    %scan3A_58 = arith.constant 1 : i32
    scf.for %scan3A_159 = %scan3A_55 to %scan3A_57 step %scan3A_58  : i32 {
      %mul3A_160 = arith.constant 4 : i32
      %mul3A_161 = arith.muli %scan3A_159, %mul3A_160 : i32
      %add3A_162 = arith.constant 0 : i32
      %add3A_163 = arith.addi %mul3A_161, %add3A_162 : i32
      %dma_wait3A_164 = arith.constant 0 : i32
      %dma_wait3A_165 = arith.constant 0 : i32
      %dma_wait3A_166 = tpu.memref_slice %arg2[%dma_wait3A_164, %dma_wait3A_165] : memref<10000x128xf32, #tpu.memory_space<hbm>> -> memref<10000x128xf32, #tpu.memory_space<hbm>>
      tpu.wait_indirect_dma semaphore(%arg21 : memref<!tpu.dma_semaphore, #tpu.memory_space<semaphore_mem>>) src(%dma_wait3A_166 : memref<10000x128xf32, #tpu.memory_space<hbm>>) dst(%arg16 : memref<80x128xf32, #tpu.memory_space<vmem>>)
      %add3A_167 = arith.constant 4 : i32
      %add3A_168 = arith.addi %add3A_163, %add3A_167 : i32
      %mul3A_169 = arith.constant 80 : i32
      %mul3A_170 = arith.muli %add3A_168, %mul3A_169 : i32
      %add3A_171 = arith.addi %mul3A_2, %mul3A_170 : i32
      %dma_start3A_172 = tpu.memref_slice %arg3[%add3A_171] : memref<320000xi32, #tpu.memory_space<hbm>> -> memref<80xi32, #tpu.memory_space<hbm>>
      %dma_start3A_173 = tpu.memref_slice %arg3[%add3A_171] : memref<320000xi32, #tpu.memory_space<hbm>> -> memref<80xi32, #tpu.memory_space<hbm>>
      tpu.enqueue_dma source(%dma_start3A_173 : memref<80xi32, #tpu.memory_space<hbm>>) target(%arg8 : memref<80xi32, #tpu.memory_space<vmem>>) target_semaphore(%arg29 : memref<!tpu.dma_semaphore, #tpu.memory_space<semaphore_mem>>)
      %dma_wait3A_174 = arith.constant 0 : i32
      %dma_wait3A_175 = arith.constant 0 : i32
      %dma_wait3A_176 = tpu.memref_slice %arg20[%dma_wait3A_174, %dma_wait3A_175] : memref<10112x128xf32, #tpu.memory_space<vmem_shared>> -> memref<10112x128xf32, #tpu.memory_space<vmem_shared>>
      tpu.wait_indirect_dma semaphore(%arg28 : memref<!tpu.dma_semaphore, #tpu.memory_space<semaphore_mem>>) src(%arg19 : memref<80x128xf32, #tpu.memory_space<vmem>>) dst(%dma_wait3A_176 : memref<10112x128xf32, #tpu.memory_space<vmem_shared>>)
      %add3A_177 = arith.constant 4 : i32
      %add3A_178 = arith.addi %add3A_163, %add3A_177 : i32
      %sub3A = arith.constant 1 : i32
      %sub3A_179 = arith.subi %add3A_178, %sub3A : i32
      %mul3A_180 = arith.constant 80 : i32
      %mul3A_181 = arith.muli %sub3A_179, %mul3A_180 : i32
      %add3A_182 = arith.addi %mul3A_2, %mul3A_181 : i32
      %dma_start3A_183 = tpu.memref_slice %arg4[%add3A_182] : memref<320000xi32, #tpu.memory_space<hbm>> -> memref<80xi32, #tpu.memory_space<hbm>>
      %dma_start3A_184 = tpu.memref_slice %arg4[%add3A_182] : memref<320000xi32, #tpu.memory_space<hbm>> -> memref<80xi32, #tpu.memory_space<hbm>>
      tpu.enqueue_dma source(%dma_start3A_184 : memref<80xi32, #tpu.memory_space<hbm>>) target(%arg15 : memref<80xi32, #tpu.memory_space<vmem>>) target_semaphore(%arg36 : memref<!tpu.dma_semaphore, #tpu.memory_space<semaphore_mem>>)
      %add3A_185 = arith.constant 4 : i32
      %add3A_186 = arith.addi %add3A_163, %add3A_185 : i32
      %sub3A_187 = arith.constant 1 : i32
      %sub3A_188 = arith.subi %add3A_186, %sub3A_187 : i32
      %mul3A_189 = arith.constant 80 : i32
      %mul3A_190 = arith.muli %sub3A_188, %mul3A_189 : i32
      %add3A_191 = arith.addi %mul3A_2, %mul3A_190 : i32
      %dma_wait3A_192 = tpu.memref_slice %arg3[%add3A_191] : memref<320000xi32, #tpu.memory_space<hbm>> -> memref<80xi32, #tpu.memory_space<hbm>>
      %dma_wait3A_193 = tpu.memref_slice %arg3[%add3A_191] : memref<320000xi32, #tpu.memory_space<hbm>> -> memref<80xi32, #tpu.memory_space<hbm>>
      tpu.wait_dma2 semaphore(%arg32 : memref<!tpu.dma_semaphore, #tpu.memory_space<semaphore_mem>>) src(%dma_wait3A_193 : memref<80xi32, #tpu.memory_space<hbm>>) dst(%arg11 : memref<80xi32, #tpu.memory_space<vmem>>)
      %dma_start3A_194 = arith.constant 0 : i32
      %dma_start3A_195 = arith.constant 0 : i32
      %dma_start3A_196 = tpu.memref_slice %arg2[%dma_start3A_194, %dma_start3A_195] : memref<10000x128xf32, #tpu.memory_space<hbm>> -> memref<10000x128xf32, #tpu.memory_space<hbm>>
      tpu.enqueue_indirect_dma source(%dma_start3A_196 : memref<10000x128xf32, #tpu.memory_space<hbm>>) target(%arg19 : memref<80x128xf32, #tpu.memory_space<vmem>>) offsets(%arg11 : memref<80xi32, #tpu.memory_space<vmem>>) semaphore(%arg24 : memref<!tpu.dma_semaphore, #tpu.memory_space<semaphore_mem>>)
      %mul3A_197 = arith.constant 80 : i32
      %mul3A_198 = arith.muli %add3A_163, %mul3A_197 : i32
      %add3A_199 = arith.addi %mul3A_2, %mul3A_198 : i32
      %dma_wait3A_200 = tpu.memref_slice %arg4[%add3A_199] : memref<320000xi32, #tpu.memory_space<hbm>> -> memref<80xi32, #tpu.memory_space<hbm>>
      %dma_wait3A_201 = tpu.memref_slice %arg4[%add3A_199] : memref<320000xi32, #tpu.memory_space<hbm>> -> memref<80xi32, #tpu.memory_space<hbm>>
      tpu.wait_dma2 semaphore(%arg33 : memref<!tpu.dma_semaphore, #tpu.memory_space<semaphore_mem>>) src(%dma_wait3A_201 : memref<80xi32, #tpu.memory_space<hbm>>) dst(%arg12 : memref<80xi32, #tpu.memory_space<vmem>>)
      %dma_start3A_202 = arith.constant 0 : i32
      %dma_start3A_203 = arith.constant 0 : i32
      %dma_start3A_204 = tpu.memref_slice %arg20[%dma_start3A_202, %dma_start3A_203] : memref<10112x128xf32, #tpu.memory_space<vmem_shared>> -> memref<10112x128xf32, #tpu.memory_space<vmem_shared>>
      tpu.enqueue_indirect_dma source(%arg16 : memref<80x128xf32, #tpu.memory_space<vmem>>) target(%dma_start3A_204 : memref<10112x128xf32, #tpu.memory_space<vmem_shared>>) offsets(%arg12 : memref<80xi32, #tpu.memory_space<vmem>>) semaphore(%arg25 : memref<!tpu.dma_semaphore, #tpu.memory_space<semaphore_mem>>) {add = true}
      %mul3A_205 = arith.constant 4 : i32
      %mul3A_206 = arith.muli %scan3A_159, %mul3A_205 : i32
      %add3A_207 = arith.constant 1 : i32
      %add3A_208 = arith.addi %mul3A_206, %add3A_207 : i32
      %dma_wait3A_209 = arith.constant 0 : i32
      %dma_wait3A_210 = arith.constant 0 : i32
      %dma_wait3A_211 = tpu.memref_slice %arg2[%dma_wait3A_209, %dma_wait3A_210] : memref<10000x128xf32, #tpu.memory_space<hbm>> -> memref<10000x128xf32, #tpu.memory_space<hbm>>
      tpu.wait_indirect_dma semaphore(%arg22 : memref<!tpu.dma_semaphore, #tpu.memory_space<semaphore_mem>>) src(%dma_wait3A_211 : memref<10000x128xf32, #tpu.memory_space<hbm>>) dst(%arg17 : memref<80x128xf32, #tpu.memory_space<vmem>>)
      %add3A_212 = arith.constant 4 : i32
      %add3A_213 = arith.addi %add3A_208, %add3A_212 : i32
      %mul3A_214 = arith.constant 80 : i32
      %mul3A_215 = arith.muli %add3A_213, %mul3A_214 : i32
      %add3A_216 = arith.addi %mul3A_2, %mul3A_215 : i32
      %dma_start3A_217 = tpu.memref_slice %arg3[%add3A_216] : memref<320000xi32, #tpu.memory_space<hbm>> -> memref<80xi32, #tpu.memory_space<hbm>>
      %dma_start3A_218 = tpu.memref_slice %arg3[%add3A_216] : memref<320000xi32, #tpu.memory_space<hbm>> -> memref<80xi32, #tpu.memory_space<hbm>>
      tpu.enqueue_dma source(%dma_start3A_218 : memref<80xi32, #tpu.memory_space<hbm>>) target(%arg9 : memref<80xi32, #tpu.memory_space<vmem>>) target_semaphore(%arg30 : memref<!tpu.dma_semaphore, #tpu.memory_space<semaphore_mem>>)
      %dma_wait3A_219 = arith.constant 0 : i32
      %dma_wait3A_220 = arith.constant 0 : i32
      %dma_wait3A_221 = tpu.memref_slice %arg20[%dma_wait3A_219, %dma_wait3A_220] : memref<10112x128xf32, #tpu.memory_space<vmem_shared>> -> memref<10112x128xf32, #tpu.memory_space<vmem_shared>>
      tpu.wait_indirect_dma semaphore(%arg25 : memref<!tpu.dma_semaphore, #tpu.memory_space<semaphore_mem>>) src(%arg16 : memref<80x128xf32, #tpu.memory_space<vmem>>) dst(%dma_wait3A_221 : memref<10112x128xf32, #tpu.memory_space<vmem_shared>>)
      %add3A_222 = arith.constant 4 : i32
      %add3A_223 = arith.addi %add3A_208, %add3A_222 : i32
      %sub3A_224 = arith.constant 1 : i32
      %sub3A_225 = arith.subi %add3A_223, %sub3A_224 : i32
      %mul3A_226 = arith.constant 80 : i32
      %mul3A_227 = arith.muli %sub3A_225, %mul3A_226 : i32
      %add3A_228 = arith.addi %mul3A_2, %mul3A_227 : i32
      %dma_start3A_229 = tpu.memref_slice %arg4[%add3A_228] : memref<320000xi32, #tpu.memory_space<hbm>> -> memref<80xi32, #tpu.memory_space<hbm>>
      %dma_start3A_230 = tpu.memref_slice %arg4[%add3A_228] : memref<320000xi32, #tpu.memory_space<hbm>> -> memref<80xi32, #tpu.memory_space<hbm>>
      tpu.enqueue_dma source(%dma_start3A_230 : memref<80xi32, #tpu.memory_space<hbm>>) target(%arg12 : memref<80xi32, #tpu.memory_space<vmem>>) target_semaphore(%arg33 : memref<!tpu.dma_semaphore, #tpu.memory_space<semaphore_mem>>)
      %add3A_231 = arith.constant 4 : i32
      %add3A_232 = arith.addi %add3A_208, %add3A_231 : i32
      %sub3A_233 = arith.constant 1 : i32
      %sub3A_234 = arith.subi %add3A_232, %sub3A_233 : i32
      %mul3A_235 = arith.constant 80 : i32
      %mul3A_236 = arith.muli %sub3A_234, %mul3A_235 : i32
      %add3A_237 = arith.addi %mul3A_2, %mul3A_236 : i32
      %dma_wait3A_238 = tpu.memref_slice %arg3[%add3A_237] : memref<320000xi32, #tpu.memory_space<hbm>> -> memref<80xi32, #tpu.memory_space<hbm>>
      %dma_wait3A_239 = tpu.memref_slice %arg3[%add3A_237] : memref<320000xi32, #tpu.memory_space<hbm>> -> memref<80xi32, #tpu.memory_space<hbm>>
      tpu.wait_dma2 semaphore(%arg29 : memref<!tpu.dma_semaphore, #tpu.memory_space<semaphore_mem>>) src(%dma_wait3A_239 : memref<80xi32, #tpu.memory_space<hbm>>) dst(%arg8 : memref<80xi32, #tpu.memory_space<vmem>>)
      %dma_start3A_240 = arith.constant 0 : i32
      %dma_start3A_241 = arith.constant 0 : i32
      %dma_start3A_242 = tpu.memref_slice %arg2[%dma_start3A_240, %dma_start3A_241] : memref<10000x128xf32, #tpu.memory_space<hbm>> -> memref<10000x128xf32, #tpu.memory_space<hbm>>
      tpu.enqueue_indirect_dma source(%dma_start3A_242 : memref<10000x128xf32, #tpu.memory_space<hbm>>) target(%arg16 : memref<80x128xf32, #tpu.memory_space<vmem>>) offsets(%arg8 : memref<80xi32, #tpu.memory_space<vmem>>) semaphore(%arg21 : memref<!tpu.dma_semaphore, #tpu.memory_space<semaphore_mem>>)
      %mul3A_243 = arith.constant 80 : i32
      %mul3A_244 = arith.muli %add3A_208, %mul3A_243 : i32
      %add3A_245 = arith.addi %mul3A_2, %mul3A_244 : i32
      %dma_wait3A_246 = tpu.memref_slice %arg4[%add3A_245] : memref<320000xi32, #tpu.memory_space<hbm>> -> memref<80xi32, #tpu.memory_space<hbm>>
      %dma_wait3A_247 = tpu.memref_slice %arg4[%add3A_245] : memref<320000xi32, #tpu.memory_space<hbm>> -> memref<80xi32, #tpu.memory_space<hbm>>
      tpu.wait_dma2 semaphore(%arg34 : memref<!tpu.dma_semaphore, #tpu.memory_space<semaphore_mem>>) src(%dma_wait3A_247 : memref<80xi32, #tpu.memory_space<hbm>>) dst(%arg13 : memref<80xi32, #tpu.memory_space<vmem>>)
      %dma_start3A_248 = arith.constant 0 : i32
      %dma_start3A_249 = arith.constant 0 : i32
      %dma_start3A_250 = tpu.memref_slice %arg20[%dma_start3A_248, %dma_start3A_249] : memref<10112x128xf32, #tpu.memory_space<vmem_shared>> -> memref<10112x128xf32, #tpu.memory_space<vmem_shared>>
      tpu.enqueue_indirect_dma source(%arg17 : memref<80x128xf32, #tpu.memory_space<vmem>>) target(%dma_start3A_250 : memref<10112x128xf32, #tpu.memory_space<vmem_shared>>) offsets(%arg13 : memref<80xi32, #tpu.memory_space<vmem>>) semaphore(%arg26 : memref<!tpu.dma_semaphore, #tpu.memory_space<semaphore_mem>>) {add = true}
      %mul3A_251 = arith.constant 4 : i32
      %mul3A_252 = arith.muli %scan3A_159, %mul3A_251 : i32
      %add3A_253 = arith.constant 2 : i32
      %add3A_254 = arith.addi %mul3A_252, %add3A_253 : i32
      %dma_wait3A_255 = arith.constant 0 : i32
      %dma_wait3A_256 = arith.constant 0 : i32
      %dma_wait3A_257 = tpu.memref_slice %arg2[%dma_wait3A_255, %dma_wait3A_256] : memref<10000x128xf32, #tpu.memory_space<hbm>> -> memref<10000x128xf32, #tpu.memory_space<hbm>>
      tpu.wait_indirect_dma semaphore(%arg23 : memref<!tpu.dma_semaphore, #tpu.memory_space<semaphore_mem>>) src(%dma_wait3A_257 : memref<10000x128xf32, #tpu.memory_space<hbm>>) dst(%arg18 : memref<80x128xf32, #tpu.memory_space<vmem>>)
      %add3A_258 = arith.constant 4 : i32
      %add3A_259 = arith.addi %add3A_254, %add3A_258 : i32
      %mul3A_260 = arith.constant 80 : i32
      %mul3A_261 = arith.muli %add3A_259, %mul3A_260 : i32
      %add3A_262 = arith.addi %mul3A_2, %mul3A_261 : i32
      %dma_start3A_263 = tpu.memref_slice %arg3[%add3A_262] : memref<320000xi32, #tpu.memory_space<hbm>> -> memref<80xi32, #tpu.memory_space<hbm>>
      %dma_start3A_264 = tpu.memref_slice %arg3[%add3A_262] : memref<320000xi32, #tpu.memory_space<hbm>> -> memref<80xi32, #tpu.memory_space<hbm>>
      tpu.enqueue_dma source(%dma_start3A_264 : memref<80xi32, #tpu.memory_space<hbm>>) target(%arg10 : memref<80xi32, #tpu.memory_space<vmem>>) target_semaphore(%arg31 : memref<!tpu.dma_semaphore, #tpu.memory_space<semaphore_mem>>)
      %dma_wait3A_265 = arith.constant 0 : i32
      %dma_wait3A_266 = arith.constant 0 : i32
      %dma_wait3A_267 = tpu.memref_slice %arg20[%dma_wait3A_265, %dma_wait3A_266] : memref<10112x128xf32, #tpu.memory_space<vmem_shared>> -> memref<10112x128xf32, #tpu.memory_space<vmem_shared>>
      tpu.wait_indirect_dma semaphore(%arg26 : memref<!tpu.dma_semaphore, #tpu.memory_space<semaphore_mem>>) src(%arg17 : memref<80x128xf32, #tpu.memory_space<vmem>>) dst(%dma_wait3A_267 : memref<10112x128xf32, #tpu.memory_space<vmem_shared>>)
      %add3A_268 = arith.constant 4 : i32
      %add3A_269 = arith.addi %add3A_254, %add3A_268 : i32
      %sub3A_270 = arith.constant 1 : i32
      %sub3A_271 = arith.subi %add3A_269, %sub3A_270 : i32
      %mul3A_272 = arith.constant 80 : i32
      %mul3A_273 = arith.muli %sub3A_271, %mul3A_272 : i32
      %add3A_274 = arith.addi %mul3A_2, %mul3A_273 : i32
      %dma_start3A_275 = tpu.memref_slice %arg4[%add3A_274] : memref<320000xi32, #tpu.memory_space<hbm>> -> memref<80xi32, #tpu.memory_space<hbm>>
      %dma_start3A_276 = tpu.memref_slice %arg4[%add3A_274] : memref<320000xi32, #tpu.memory_space<hbm>> -> memref<80xi32, #tpu.memory_space<hbm>>
      tpu.enqueue_dma source(%dma_start3A_276 : memref<80xi32, #tpu.memory_space<hbm>>) target(%arg13 : memref<80xi32, #tpu.memory_space<vmem>>) target_semaphore(%arg34 : memref<!tpu.dma_semaphore, #tpu.memory_space<semaphore_mem>>)
      %add3A_277 = arith.constant 4 : i32
      %add3A_278 = arith.addi %add3A_254, %add3A_277 : i32
      %sub3A_279 = arith.constant 1 : i32
      %sub3A_280 = arith.subi %add3A_278, %sub3A_279 : i32
      %mul3A_281 = arith.constant 80 : i32
      %mul3A_282 = arith.muli %sub3A_280, %mul3A_281 : i32
      %add3A_283 = arith.addi %mul3A_2, %mul3A_282 : i32
      %dma_wait3A_284 = tpu.memref_slice %arg3[%add3A_283] : memref<320000xi32, #tpu.memory_space<hbm>> -> memref<80xi32, #tpu.memory_space<hbm>>
      %dma_wait3A_285 = tpu.memref_slice %arg3[%add3A_283] : memref<320000xi32, #tpu.memory_space<hbm>> -> memref<80xi32, #tpu.memory_space<hbm>>
      tpu.wait_dma2 semaphore(%arg30 : memref<!tpu.dma_semaphore, #tpu.memory_space<semaphore_mem>>) src(%dma_wait3A_285 : memref<80xi32, #tpu.memory_space<hbm>>) dst(%arg9 : memref<80xi32, #tpu.memory_space<vmem>>)
      %dma_start3A_286 = arith.constant 0 : i32
      %dma_start3A_287 = arith.constant 0 : i32
      %dma_start3A_288 = tpu.memref_slice %arg2[%dma_start3A_286, %dma_start3A_287] : memref<10000x128xf32, #tpu.memory_space<hbm>> -> memref<10000x128xf32, #tpu.memory_space<hbm>>
      tpu.enqueue_indirect_dma source(%dma_start3A_288 : memref<10000x128xf32, #tpu.memory_space<hbm>>) target(%arg17 : memref<80x128xf32, #tpu.memory_space<vmem>>) offsets(%arg9 : memref<80xi32, #tpu.memory_space<vmem>>) semaphore(%arg22 : memref<!tpu.dma_semaphore, #tpu.memory_space<semaphore_mem>>)
      %mul3A_289 = arith.constant 80 : i32
      %mul3A_290 = arith.muli %add3A_254, %mul3A_289 : i32
      %add3A_291 = arith.addi %mul3A_2, %mul3A_290 : i32
      %dma_wait3A_292 = tpu.memref_slice %arg4[%add3A_291] : memref<320000xi32, #tpu.memory_space<hbm>> -> memref<80xi32, #tpu.memory_space<hbm>>
      %dma_wait3A_293 = tpu.memref_slice %arg4[%add3A_291] : memref<320000xi32, #tpu.memory_space<hbm>> -> memref<80xi32, #tpu.memory_space<hbm>>
      tpu.wait_dma2 semaphore(%arg35 : memref<!tpu.dma_semaphore, #tpu.memory_space<semaphore_mem>>) src(%dma_wait3A_293 : memref<80xi32, #tpu.memory_space<hbm>>) dst(%arg14 : memref<80xi32, #tpu.memory_space<vmem>>)
      %dma_start3A_294 = arith.constant 0 : i32
      %dma_start3A_295 = arith.constant 0 : i32
      %dma_start3A_296 = tpu.memref_slice %arg20[%dma_start3A_294, %dma_start3A_295] : memref<10112x128xf32, #tpu.memory_space<vmem_shared>> -> memref<10112x128xf32, #tpu.memory_space<vmem_shared>>
      tpu.enqueue_indirect_dma source(%arg18 : memref<80x128xf32, #tpu.memory_space<vmem>>) target(%dma_start3A_296 : memref<10112x128xf32, #tpu.memory_space<vmem_shared>>) offsets(%arg14 : memref<80xi32, #tpu.memory_space<vmem>>) semaphore(%arg27 : memref<!tpu.dma_semaphore, #tpu.memory_space<semaphore_mem>>) {add = true}
      %mul3A_297 = arith.constant 4 : i32
      %mul3A_298 = arith.muli %scan3A_159, %mul3A_297 : i32
      %add3A_299 = arith.constant 3 : i32
      %add3A_300 = arith.addi %mul3A_298, %add3A_299 : i32
      %dma_wait3A_301 = arith.constant 0 : i32
      %dma_wait3A_302 = arith.constant 0 : i32
      %dma_wait3A_303 = tpu.memref_slice %arg2[%dma_wait3A_301, %dma_wait3A_302] : memref<10000x128xf32, #tpu.memory_space<hbm>> -> memref<10000x128xf32, #tpu.memory_space<hbm>>
      tpu.wait_indirect_dma semaphore(%arg24 : memref<!tpu.dma_semaphore, #tpu.memory_space<semaphore_mem>>) src(%dma_wait3A_303 : memref<10000x128xf32, #tpu.memory_space<hbm>>) dst(%arg19 : memref<80x128xf32, #tpu.memory_space<vmem>>)
      %add3A_304 = arith.constant 4 : i32
      %add3A_305 = arith.addi %add3A_300, %add3A_304 : i32
      %mul3A_306 = arith.constant 80 : i32
      %mul3A_307 = arith.muli %add3A_305, %mul3A_306 : i32
      %add3A_308 = arith.addi %mul3A_2, %mul3A_307 : i32
      %dma_start3A_309 = tpu.memref_slice %arg3[%add3A_308] : memref<320000xi32, #tpu.memory_space<hbm>> -> memref<80xi32, #tpu.memory_space<hbm>>
      %dma_start3A_310 = tpu.memref_slice %arg3[%add3A_308] : memref<320000xi32, #tpu.memory_space<hbm>> -> memref<80xi32, #tpu.memory_space<hbm>>
      tpu.enqueue_dma source(%dma_start3A_310 : memref<80xi32, #tpu.memory_space<hbm>>) target(%arg11 : memref<80xi32, #tpu.memory_space<vmem>>) target_semaphore(%arg32 : memref<!tpu.dma_semaphore, #tpu.memory_space<semaphore_mem>>)
      %dma_wait3A_311 = arith.constant 0 : i32
      %dma_wait3A_312 = arith.constant 0 : i32
      %dma_wait3A_313 = tpu.memref_slice %arg20[%dma_wait3A_311, %dma_wait3A_312] : memref<10112x128xf32, #tpu.memory_space<vmem_shared>> -> memref<10112x128xf32, #tpu.memory_space<vmem_shared>>
      tpu.wait_indirect_dma semaphore(%arg27 : memref<!tpu.dma_semaphore, #tpu.memory_space<semaphore_mem>>) src(%arg18 : memref<80x128xf32, #tpu.memory_space<vmem>>) dst(%dma_wait3A_313 : memref<10112x128xf32, #tpu.memory_space<vmem_shared>>)
      %add3A_314 = arith.constant 4 : i32
      %add3A_315 = arith.addi %add3A_300, %add3A_314 : i32
      %sub3A_316 = arith.constant 1 : i32
      %sub3A_317 = arith.subi %add3A_315, %sub3A_316 : i32
      %mul3A_318 = arith.constant 80 : i32
      %mul3A_319 = arith.muli %sub3A_317, %mul3A_318 : i32
      %add3A_320 = arith.addi %mul3A_2, %mul3A_319 : i32
      %dma_start3A_321 = tpu.memref_slice %arg4[%add3A_320] : memref<320000xi32, #tpu.memory_space<hbm>> -> memref<80xi32, #tpu.memory_space<hbm>>
      %dma_start3A_322 = tpu.memref_slice %arg4[%add3A_320] : memref<320000xi32, #tpu.memory_space<hbm>> -> memref<80xi32, #tpu.memory_space<hbm>>
      tpu.enqueue_dma source(%dma_start3A_322 : memref<80xi32, #tpu.memory_space<hbm>>) target(%arg14 : memref<80xi32, #tpu.memory_space<vmem>>) target_semaphore(%arg35 : memref<!tpu.dma_semaphore, #tpu.memory_space<semaphore_mem>>)
      %add3A_323 = arith.constant 4 : i32
      %add3A_324 = arith.addi %add3A_300, %add3A_323 : i32
      %sub3A_325 = arith.constant 1 : i32
      %sub3A_326 = arith.subi %add3A_324, %sub3A_325 : i32
      %mul3A_327 = arith.constant 80 : i32
      %mul3A_328 = arith.muli %sub3A_326, %mul3A_327 : i32
      %add3A_329 = arith.addi %mul3A_2, %mul3A_328 : i32
      %dma_wait3A_330 = tpu.memref_slice %arg3[%add3A_329] : memref<320000xi32, #tpu.memory_space<hbm>> -> memref<80xi32, #tpu.memory_space<hbm>>
      %dma_wait3A_331 = tpu.memref_slice %arg3[%add3A_329] : memref<320000xi32, #tpu.memory_space<hbm>> -> memref<80xi32, #tpu.memory_space<hbm>>
      tpu.wait_dma2 semaphore(%arg31 : memref<!tpu.dma_semaphore, #tpu.memory_space<semaphore_mem>>) src(%dma_wait3A_331 : memref<80xi32, #tpu.memory_space<hbm>>) dst(%arg10 : memref<80xi32, #tpu.memory_space<vmem>>)
      %dma_start3A_332 = arith.constant 0 : i32
      %dma_start3A_333 = arith.constant 0 : i32
      %dma_start3A_334 = tpu.memref_slice %arg2[%dma_start3A_332, %dma_start3A_333] : memref<10000x128xf32, #tpu.memory_space<hbm>> -> memref<10000x128xf32, #tpu.memory_space<hbm>>
      tpu.enqueue_indirect_dma source(%dma_start3A_334 : memref<10000x128xf32, #tpu.memory_space<hbm>>) target(%arg18 : memref<80x128xf32, #tpu.memory_space<vmem>>) offsets(%arg10 : memref<80xi32, #tpu.memory_space<vmem>>) semaphore(%arg23 : memref<!tpu.dma_semaphore, #tpu.memory_space<semaphore_mem>>)
      %mul3A_335 = arith.constant 80 : i32
      %mul3A_336 = arith.muli %add3A_300, %mul3A_335 : i32
      %add3A_337 = arith.addi %mul3A_2, %mul3A_336 : i32
      %dma_wait3A_338 = tpu.memref_slice %arg4[%add3A_337] : memref<320000xi32, #tpu.memory_space<hbm>> -> memref<80xi32, #tpu.memory_space<hbm>>
      %dma_wait3A_339 = tpu.memref_slice %arg4[%add3A_337] : memref<320000xi32, #tpu.memory_space<hbm>> -> memref<80xi32, #tpu.memory_space<hbm>>
      tpu.wait_dma2 semaphore(%arg36 : memref<!tpu.dma_semaphore, #tpu.memory_space<semaphore_mem>>) src(%dma_wait3A_339 : memref<80xi32, #tpu.memory_space<hbm>>) dst(%arg15 : memref<80xi32, #tpu.memory_space<vmem>>)
      %dma_start3A_340 = arith.constant 0 : i32
      %dma_start3A_341 = arith.constant 0 : i32
      %dma_start3A_342 = tpu.memref_slice %arg20[%dma_start3A_340, %dma_start3A_341] : memref<10112x128xf32, #tpu.memory_space<vmem_shared>> -> memref<10112x128xf32, #tpu.memory_space<vmem_shared>>
      tpu.enqueue_indirect_dma source(%arg19 : memref<80x128xf32, #tpu.memory_space<vmem>>) target(%dma_start3A_342 : memref<10112x128xf32, #tpu.memory_space<vmem_shared>>) offsets(%arg15 : memref<80xi32, #tpu.memory_space<vmem>>) semaphore(%arg28 : memref<!tpu.dma_semaphore, #tpu.memory_space<semaphore_mem>>) {add = true}
    }
    %scan3A_59 = arith.constant 30 : i32
    %dma_wait3A_60 = arith.constant 0 : i32
    %dma_wait3A_61 = arith.constant 0 : i32
    %dma_wait3A_62 = tpu.memref_slice %arg2[%dma_wait3A_60, %dma_wait3A_61] : memref<10000x128xf32, #tpu.memory_space<hbm>> -> memref<10000x128xf32, #tpu.memory_space<hbm>>
    tpu.wait_indirect_dma semaphore(%arg21 : memref<!tpu.dma_semaphore, #tpu.memory_space<semaphore_mem>>) src(%dma_wait3A_62 : memref<10000x128xf32, #tpu.memory_space<hbm>>) dst(%arg16 : memref<80x128xf32, #tpu.memory_space<vmem>>)
    %add3A_63 = arith.constant 9920 : i32
    %add3A_64 = arith.addi %mul3A_2, %add3A_63 : i32
    %dma_start3A_65 = tpu.memref_slice %arg3[%add3A_64] : memref<320000xi32, #tpu.memory_space<hbm>> -> memref<80xi32, #tpu.memory_space<hbm>>
    %dma_start3A_66 = tpu.memref_slice %arg3[%add3A_64] : memref<320000xi32, #tpu.memory_space<hbm>> -> memref<80xi32, #tpu.memory_space<hbm>>
    tpu.enqueue_dma source(%dma_start3A_66 : memref<80xi32, #tpu.memory_space<hbm>>) target(%arg8 : memref<80xi32, #tpu.memory_space<vmem>>) target_semaphore(%arg29 : memref<!tpu.dma_semaphore, #tpu.memory_space<semaphore_mem>>)
    %dma_wait3A_67 = arith.constant 0 : i32
    %dma_wait3A_68 = arith.constant 0 : i32
    %dma_wait3A_69 = tpu.memref_slice %arg20[%dma_wait3A_67, %dma_wait3A_68] : memref<10112x128xf32, #tpu.memory_space<vmem_shared>> -> memref<10112x128xf32, #tpu.memory_space<vmem_shared>>
    tpu.wait_indirect_dma semaphore(%arg28 : memref<!tpu.dma_semaphore, #tpu.memory_space<semaphore_mem>>) src(%arg19 : memref<80x128xf32, #tpu.memory_space<vmem>>) dst(%dma_wait3A_69 : memref<10112x128xf32, #tpu.memory_space<vmem_shared>>)
    %add3A_70 = arith.constant 9840 : i32
    %add3A_71 = arith.addi %mul3A_2, %add3A_70 : i32
    %dma_start3A_72 = tpu.memref_slice %arg4[%add3A_71] : memref<320000xi32, #tpu.memory_space<hbm>> -> memref<80xi32, #tpu.memory_space<hbm>>
    %dma_start3A_73 = tpu.memref_slice %arg4[%add3A_71] : memref<320000xi32, #tpu.memory_space<hbm>> -> memref<80xi32, #tpu.memory_space<hbm>>
    tpu.enqueue_dma source(%dma_start3A_73 : memref<80xi32, #tpu.memory_space<hbm>>) target(%arg15 : memref<80xi32, #tpu.memory_space<vmem>>) target_semaphore(%arg36 : memref<!tpu.dma_semaphore, #tpu.memory_space<semaphore_mem>>)
    %add3A_74 = arith.constant 9840 : i32
    %add3A_75 = arith.addi %mul3A_2, %add3A_74 : i32
    %dma_wait3A_76 = tpu.memref_slice %arg3[%add3A_75] : memref<320000xi32, #tpu.memory_space<hbm>> -> memref<80xi32, #tpu.memory_space<hbm>>
    %dma_wait3A_77 = tpu.memref_slice %arg3[%add3A_75] : memref<320000xi32, #tpu.memory_space<hbm>> -> memref<80xi32, #tpu.memory_space<hbm>>
    tpu.wait_dma2 semaphore(%arg32 : memref<!tpu.dma_semaphore, #tpu.memory_space<semaphore_mem>>) src(%dma_wait3A_77 : memref<80xi32, #tpu.memory_space<hbm>>) dst(%arg11 : memref<80xi32, #tpu.memory_space<vmem>>)
    %dma_start3A_78 = arith.constant 0 : i32
    %dma_start3A_79 = arith.constant 0 : i32
    %dma_start3A_80 = tpu.memref_slice %arg2[%dma_start3A_78, %dma_start3A_79] : memref<10000x128xf32, #tpu.memory_space<hbm>> -> memref<10000x128xf32, #tpu.memory_space<hbm>>
    tpu.enqueue_indirect_dma source(%dma_start3A_80 : memref<10000x128xf32, #tpu.memory_space<hbm>>) target(%arg19 : memref<80x128xf32, #tpu.memory_space<vmem>>) offsets(%arg11 : memref<80xi32, #tpu.memory_space<vmem>>) semaphore(%arg24 : memref<!tpu.dma_semaphore, #tpu.memory_space<semaphore_mem>>)
    %add3A_81 = arith.constant 9600 : i32
    %add3A_82 = arith.addi %mul3A_2, %add3A_81 : i32
    %dma_wait3A_83 = tpu.memref_slice %arg4[%add3A_82] : memref<320000xi32, #tpu.memory_space<hbm>> -> memref<80xi32, #tpu.memory_space<hbm>>
    %dma_wait3A_84 = tpu.memref_slice %arg4[%add3A_82] : memref<320000xi32, #tpu.memory_space<hbm>> -> memref<80xi32, #tpu.memory_space<hbm>>
    tpu.wait_dma2 semaphore(%arg33 : memref<!tpu.dma_semaphore, #tpu.memory_space<semaphore_mem>>) src(%dma_wait3A_84 : memref<80xi32, #tpu.memory_space<hbm>>) dst(%arg12 : memref<80xi32, #tpu.memory_space<vmem>>)
    %dma_start3A_85 = arith.constant 0 : i32
    %dma_start3A_86 = arith.constant 0 : i32
    %dma_start3A_87 = tpu.memref_slice %arg20[%dma_start3A_85, %dma_start3A_86] : memref<10112x128xf32, #tpu.memory_space<vmem_shared>> -> memref<10112x128xf32, #tpu.memory_space<vmem_shared>>
    tpu.enqueue_indirect_dma source(%arg16 : memref<80x128xf32, #tpu.memory_space<vmem>>) target(%dma_start3A_87 : memref<10112x128xf32, #tpu.memory_space<vmem_shared>>) offsets(%arg12 : memref<80xi32, #tpu.memory_space<vmem>>) semaphore(%arg25 : memref<!tpu.dma_semaphore, #tpu.memory_space<semaphore_mem>>) {add = true}
    %dma_wait3A_88 = arith.constant 0 : i32
    %dma_wait3A_89 = arith.constant 0 : i32
    %dma_wait3A_90 = tpu.memref_slice %arg2[%dma_wait3A_88, %dma_wait3A_89] : memref<10000x128xf32, #tpu.memory_space<hbm>> -> memref<10000x128xf32, #tpu.memory_space<hbm>>
    tpu.wait_indirect_dma semaphore(%arg22 : memref<!tpu.dma_semaphore, #tpu.memory_space<semaphore_mem>>) src(%dma_wait3A_90 : memref<10000x128xf32, #tpu.memory_space<hbm>>) dst(%arg17 : memref<80x128xf32, #tpu.memory_space<vmem>>)
    %dma_wait3A_91 = arith.constant 0 : i32
    %dma_wait3A_92 = arith.constant 0 : i32
    %dma_wait3A_93 = tpu.memref_slice %arg20[%dma_wait3A_91, %dma_wait3A_92] : memref<10112x128xf32, #tpu.memory_space<vmem_shared>> -> memref<10112x128xf32, #tpu.memory_space<vmem_shared>>
    tpu.wait_indirect_dma semaphore(%arg25 : memref<!tpu.dma_semaphore, #tpu.memory_space<semaphore_mem>>) src(%arg16 : memref<80x128xf32, #tpu.memory_space<vmem>>) dst(%dma_wait3A_93 : memref<10112x128xf32, #tpu.memory_space<vmem_shared>>)
    %add3A_94 = arith.constant 9920 : i32
    %add3A_95 = arith.addi %mul3A_2, %add3A_94 : i32
    %dma_start3A_96 = tpu.memref_slice %arg4[%add3A_95] : memref<320000xi32, #tpu.memory_space<hbm>> -> memref<80xi32, #tpu.memory_space<hbm>>
    %dma_start3A_97 = tpu.memref_slice %arg4[%add3A_95] : memref<320000xi32, #tpu.memory_space<hbm>> -> memref<80xi32, #tpu.memory_space<hbm>>
    tpu.enqueue_dma source(%dma_start3A_97 : memref<80xi32, #tpu.memory_space<hbm>>) target(%arg12 : memref<80xi32, #tpu.memory_space<vmem>>) target_semaphore(%arg33 : memref<!tpu.dma_semaphore, #tpu.memory_space<semaphore_mem>>)
    %add3A_98 = arith.constant 9920 : i32
    %add3A_99 = arith.addi %mul3A_2, %add3A_98 : i32
    %dma_wait3A_100 = tpu.memref_slice %arg3[%add3A_99] : memref<320000xi32, #tpu.memory_space<hbm>> -> memref<80xi32, #tpu.memory_space<hbm>>
    %dma_wait3A_101 = tpu.memref_slice %arg3[%add3A_99] : memref<320000xi32, #tpu.memory_space<hbm>> -> memref<80xi32, #tpu.memory_space<hbm>>
    tpu.wait_dma2 semaphore(%arg29 : memref<!tpu.dma_semaphore, #tpu.memory_space<semaphore_mem>>) src(%dma_wait3A_101 : memref<80xi32, #tpu.memory_space<hbm>>) dst(%arg8 : memref<80xi32, #tpu.memory_space<vmem>>)
    %dma_start3A_102 = arith.constant 0 : i32
    %dma_start3A_103 = arith.constant 0 : i32
    %dma_start3A_104 = tpu.memref_slice %arg2[%dma_start3A_102, %dma_start3A_103] : memref<10000x128xf32, #tpu.memory_space<hbm>> -> memref<10000x128xf32, #tpu.memory_space<hbm>>
    tpu.enqueue_indirect_dma source(%dma_start3A_104 : memref<10000x128xf32, #tpu.memory_space<hbm>>) target(%arg16 : memref<80x128xf32, #tpu.memory_space<vmem>>) offsets(%arg8 : memref<80xi32, #tpu.memory_space<vmem>>) semaphore(%arg21 : memref<!tpu.dma_semaphore, #tpu.memory_space<semaphore_mem>>)
    %add3A_105 = arith.constant 9680 : i32
    %add3A_106 = arith.addi %mul3A_2, %add3A_105 : i32
    %dma_wait3A_107 = tpu.memref_slice %arg4[%add3A_106] : memref<320000xi32, #tpu.memory_space<hbm>> -> memref<80xi32, #tpu.memory_space<hbm>>
    %dma_wait3A_108 = tpu.memref_slice %arg4[%add3A_106] : memref<320000xi32, #tpu.memory_space<hbm>> -> memref<80xi32, #tpu.memory_space<hbm>>
    tpu.wait_dma2 semaphore(%arg34 : memref<!tpu.dma_semaphore, #tpu.memory_space<semaphore_mem>>) src(%dma_wait3A_108 : memref<80xi32, #tpu.memory_space<hbm>>) dst(%arg13 : memref<80xi32, #tpu.memory_space<vmem>>)
    %dma_start3A_109 = arith.constant 0 : i32
    %dma_start3A_110 = arith.constant 0 : i32
    %dma_start3A_111 = tpu.memref_slice %arg20[%dma_start3A_109, %dma_start3A_110] : memref<10112x128xf32, #tpu.memory_space<vmem_shared>> -> memref<10112x128xf32, #tpu.memory_space<vmem_shared>>
    tpu.enqueue_indirect_dma source(%arg17 : memref<80x128xf32, #tpu.memory_space<vmem>>) target(%dma_start3A_111 : memref<10112x128xf32, #tpu.memory_space<vmem_shared>>) offsets(%arg13 : memref<80xi32, #tpu.memory_space<vmem>>) semaphore(%arg26 : memref<!tpu.dma_semaphore, #tpu.memory_space<semaphore_mem>>) {add = true}
    %dma_wait3A_112 = arith.constant 0 : i32
    %dma_wait3A_113 = arith.constant 0 : i32
    %dma_wait3A_114 = tpu.memref_slice %arg2[%dma_wait3A_112, %dma_wait3A_113] : memref<10000x128xf32, #tpu.memory_space<hbm>> -> memref<10000x128xf32, #tpu.memory_space<hbm>>
    tpu.wait_indirect_dma semaphore(%arg23 : memref<!tpu.dma_semaphore, #tpu.memory_space<semaphore_mem>>) src(%dma_wait3A_114 : memref<10000x128xf32, #tpu.memory_space<hbm>>) dst(%arg18 : memref<80x128xf32, #tpu.memory_space<vmem>>)
    %dma_wait3A_115 = arith.constant 0 : i32
    %dma_wait3A_116 = arith.constant 0 : i32
    %dma_wait3A_117 = tpu.memref_slice %arg20[%dma_wait3A_115, %dma_wait3A_116] : memref<10112x128xf32, #tpu.memory_space<vmem_shared>> -> memref<10112x128xf32, #tpu.memory_space<vmem_shared>>
    tpu.wait_indirect_dma semaphore(%arg26 : memref<!tpu.dma_semaphore, #tpu.memory_space<semaphore_mem>>) src(%arg17 : memref<80x128xf32, #tpu.memory_space<vmem>>) dst(%dma_wait3A_117 : memref<10112x128xf32, #tpu.memory_space<vmem_shared>>)
    %add3A_118 = arith.constant 9760 : i32
    %add3A_119 = arith.addi %mul3A_2, %add3A_118 : i32
    %dma_wait3A_120 = tpu.memref_slice %arg4[%add3A_119] : memref<320000xi32, #tpu.memory_space<hbm>> -> memref<80xi32, #tpu.memory_space<hbm>>
    %dma_wait3A_121 = tpu.memref_slice %arg4[%add3A_119] : memref<320000xi32, #tpu.memory_space<hbm>> -> memref<80xi32, #tpu.memory_space<hbm>>
    tpu.wait_dma2 semaphore(%arg35 : memref<!tpu.dma_semaphore, #tpu.memory_space<semaphore_mem>>) src(%dma_wait3A_121 : memref<80xi32, #tpu.memory_space<hbm>>) dst(%arg14 : memref<80xi32, #tpu.memory_space<vmem>>)
    %dma_start3A_122 = arith.constant 0 : i32
    %dma_start3A_123 = arith.constant 0 : i32
    %dma_start3A_124 = tpu.memref_slice %arg20[%dma_start3A_122, %dma_start3A_123] : memref<10112x128xf32, #tpu.memory_space<vmem_shared>> -> memref<10112x128xf32, #tpu.memory_space<vmem_shared>>
    tpu.enqueue_indirect_dma source(%arg18 : memref<80x128xf32, #tpu.memory_space<vmem>>) target(%dma_start3A_124 : memref<10112x128xf32, #tpu.memory_space<vmem_shared>>) offsets(%arg14 : memref<80xi32, #tpu.memory_space<vmem>>) semaphore(%arg27 : memref<!tpu.dma_semaphore, #tpu.memory_space<semaphore_mem>>) {add = true}
    %dma_wait3A_125 = arith.constant 0 : i32
    %dma_wait3A_126 = arith.constant 0 : i32
    %dma_wait3A_127 = tpu.memref_slice %arg2[%dma_wait3A_125, %dma_wait3A_126] : memref<10000x128xf32, #tpu.memory_space<hbm>> -> memref<10000x128xf32, #tpu.memory_space<hbm>>
    tpu.wait_indirect_dma semaphore(%arg24 : memref<!tpu.dma_semaphore, #tpu.memory_space<semaphore_mem>>) src(%dma_wait3A_127 : memref<10000x128xf32, #tpu.memory_space<hbm>>) dst(%arg19 : memref<80x128xf32, #tpu.memory_space<vmem>>)
    %dma_wait3A_128 = arith.constant 0 : i32
    %dma_wait3A_129 = arith.constant 0 : i32
    %dma_wait3A_130 = tpu.memref_slice %arg20[%dma_wait3A_128, %dma_wait3A_129] : memref<10112x128xf32, #tpu.memory_space<vmem_shared>> -> memref<10112x128xf32, #tpu.memory_space<vmem_shared>>
    tpu.wait_indirect_dma semaphore(%arg27 : memref<!tpu.dma_semaphore, #tpu.memory_space<semaphore_mem>>) src(%arg18 : memref<80x128xf32, #tpu.memory_space<vmem>>) dst(%dma_wait3A_130 : memref<10112x128xf32, #tpu.memory_space<vmem_shared>>)
    %add3A_131 = arith.constant 9840 : i32
    %add3A_132 = arith.addi %mul3A_2, %add3A_131 : i32
    %dma_wait3A_133 = tpu.memref_slice %arg4[%add3A_132] : memref<320000xi32, #tpu.memory_space<hbm>> -> memref<80xi32, #tpu.memory_space<hbm>>
    %dma_wait3A_134 = tpu.memref_slice %arg4[%add3A_132] : memref<320000xi32, #tpu.memory_space<hbm>> -> memref<80xi32, #tpu.memory_space<hbm>>
    tpu.wait_dma2 semaphore(%arg36 : memref<!tpu.dma_semaphore, #tpu.memory_space<semaphore_mem>>) src(%dma_wait3A_134 : memref<80xi32, #tpu.memory_space<hbm>>) dst(%arg15 : memref<80xi32, #tpu.memory_space<vmem>>)
    %dma_start3A_135 = arith.constant 0 : i32
    %dma_start3A_136 = arith.constant 0 : i32
    %dma_start3A_137 = tpu.memref_slice %arg20[%dma_start3A_135, %dma_start3A_136] : memref<10112x128xf32, #tpu.memory_space<vmem_shared>> -> memref<10112x128xf32, #tpu.memory_space<vmem_shared>>
    tpu.enqueue_indirect_dma source(%arg19 : memref<80x128xf32, #tpu.memory_space<vmem>>) target(%dma_start3A_137 : memref<10112x128xf32, #tpu.memory_space<vmem_shared>>) offsets(%arg15 : memref<80xi32, #tpu.memory_space<vmem>>) semaphore(%arg28 : memref<!tpu.dma_semaphore, #tpu.memory_space<semaphore_mem>>) {add = true}
    %dma_wait3A_138 = arith.constant 0 : i32
    %dma_wait3A_139 = arith.constant 0 : i32
    %dma_wait3A_140 = tpu.memref_slice %arg2[%dma_wait3A_138, %dma_wait3A_139] : memref<10000x128xf32, #tpu.memory_space<hbm>> -> memref<10000x128xf32, #tpu.memory_space<hbm>>
    tpu.wait_indirect_dma semaphore(%arg21 : memref<!tpu.dma_semaphore, #tpu.memory_space<semaphore_mem>>) src(%dma_wait3A_140 : memref<10000x128xf32, #tpu.memory_space<hbm>>) dst(%arg16 : memref<80x128xf32, #tpu.memory_space<vmem>>)
    %dma_wait3A_141 = arith.constant 0 : i32
    %dma_wait3A_142 = arith.constant 0 : i32
    %dma_wait3A_143 = tpu.memref_slice %arg20[%dma_wait3A_141, %dma_wait3A_142] : memref<10112x128xf32, #tpu.memory_space<vmem_shared>> -> memref<10112x128xf32, #tpu.memory_space<vmem_shared>>
    tpu.wait_indirect_dma semaphore(%arg28 : memref<!tpu.dma_semaphore, #tpu.memory_space<semaphore_mem>>) src(%arg19 : memref<80x128xf32, #tpu.memory_space<vmem>>) dst(%dma_wait3A_143 : memref<10112x128xf32, #tpu.memory_space<vmem_shared>>)
    %add3A_144 = arith.constant 9920 : i32
    %add3A_145 = arith.addi %mul3A_2, %add3A_144 : i32
    %dma_wait3A_146 = tpu.memref_slice %arg4[%add3A_145] : memref<320000xi32, #tpu.memory_space<hbm>> -> memref<80xi32, #tpu.memory_space<hbm>>
    %dma_wait3A_147 = tpu.memref_slice %arg4[%add3A_145] : memref<320000xi32, #tpu.memory_space<hbm>> -> memref<80xi32, #tpu.memory_space<hbm>>
    tpu.wait_dma2 semaphore(%arg33 : memref<!tpu.dma_semaphore, #tpu.memory_space<semaphore_mem>>) src(%dma_wait3A_147 : memref<80xi32, #tpu.memory_space<hbm>>) dst(%arg12 : memref<80xi32, #tpu.memory_space<vmem>>)
    %dma_start3A_148 = arith.constant 0 : i32
    %dma_start3A_149 = arith.constant 0 : i32
    %dma_start3A_150 = tpu.memref_slice %arg20[%dma_start3A_148, %dma_start3A_149] : memref<10112x128xf32, #tpu.memory_space<vmem_shared>> -> memref<10112x128xf32, #tpu.memory_space<vmem_shared>>
    tpu.enqueue_indirect_dma source(%arg16 : memref<80x128xf32, #tpu.memory_space<vmem>>) target(%dma_start3A_150 : memref<10112x128xf32, #tpu.memory_space<vmem_shared>>) offsets(%arg12 : memref<80xi32, #tpu.memory_space<vmem>>) semaphore(%arg25 : memref<!tpu.dma_semaphore, #tpu.memory_space<semaphore_mem>>) {add = true}
    %dma_wait3A_151 = arith.constant 0 : i32
    %dma_wait3A_152 = arith.constant 0 : i32
    %dma_wait3A_153 = tpu.memref_slice %arg20[%dma_wait3A_151, %dma_wait3A_152] : memref<10112x128xf32, #tpu.memory_space<vmem_shared>> -> memref<10112x128xf32, #tpu.memory_space<vmem_shared>>
    tpu.wait_indirect_dma semaphore(%arg25 : memref<!tpu.dma_semaphore, #tpu.memory_space<semaphore_mem>>) src(%arg16 : memref<80x128xf32, #tpu.memory_space<vmem>>) dst(%dma_wait3A_153 : memref<10112x128xf32, #tpu.memory_space<vmem_shared>>)
    %barrier3A_154 = arith.constant 0 : index
    tpu.barrier barrier_id(%barrier3A_154)
    %mul3A_155 = arith.constant 632 : i32
    %mul3A_156 = arith.muli %arg1, %mul3A_155 : i32
    %mul3A_157 = arith.constant 632 : i32
    %mul3A_158 = arith.muli %arg1, %mul3A_157 : i32
    "tpu.region"() ({
      %run_scoped3A = tpu.sem_alloc : memref<!tpu.dma_semaphore, #tpu.memory_space<semaphore_mem>>
      %dma_start3A_159 = arith.constant 0 : i32
      %dma_start3A_160 = tpu.memref_slice %arg7[%arg0, %mul3A_158, %dma_start3A_159] : memref<2x10112x128xf32, #tpu.memory_space<hbm>> -> memref<1x632x128xf32, #tpu.memory_space<hbm>>
      %dma_start3A_161 = tpu.memref_squeeze %dma_start3A_160 : memref<1x632x128xf32, #tpu.memory_space<hbm>> -> memref<632x128xf32, #tpu.memory_space<hbm>>
      %dma_start3A_162 = arith.constant 0 : i32
      %dma_start3A_163 = tpu.memref_slice %arg20[%mul3A_156, %dma_start3A_162] : memref<10112x128xf32, #tpu.memory_space<vmem_shared>> -> memref<632x128xf32, #tpu.memory_space<vmem_shared>>
      tpu.enqueue_dma source(%dma_start3A_163 : memref<632x128xf32, #tpu.memory_space<vmem_shared>>) target(%dma_start3A_161 : memref<632x128xf32, #tpu.memory_space<hbm>>) target_semaphore(%run_scoped3A : memref<!tpu.dma_semaphore, #tpu.memory_space<semaphore_mem>>)
      %dma_wait3A_164 = arith.constant 0 : i32
      %dma_wait3A_165 = tpu.memref_slice %arg7[%arg0, %mul3A_158, %dma_wait3A_164] : memref<2x10112x128xf32, #tpu.memory_space<hbm>> -> memref<1x632x128xf32, #tpu.memory_space<hbm>>
      %dma_wait3A_166 = tpu.memref_squeeze %dma_wait3A_165 : memref<1x632x128xf32, #tpu.memory_space<hbm>> -> memref<632x128xf32, #tpu.memory_space<hbm>>
      %dma_wait3A_167 = arith.constant 0 : i32
      %dma_wait3A_168 = tpu.memref_slice %arg20[%mul3A_156, %dma_wait3A_167] : memref<10112x128xf32, #tpu.memory_space<vmem_shared>> -> memref<632x128xf32, #tpu.memory_space<vmem_shared>>
      tpu.wait_dma2 semaphore(%run_scoped3A : memref<!tpu.dma_semaphore, #tpu.memory_space<semaphore_mem>>) src(%dma_wait3A_168 : memref<632x128xf32, #tpu.memory_space<vmem_shared>>) dst(%dma_wait3A_166 : memref<632x128xf32, #tpu.memory_space<hbm>>)
      tpu.yield
    }) : () -> ()
    return
  }
}

module attributes {stable_mosaic.version = 14 : i64} {
  func.func @body(%arg0: i32, %arg1: memref<2000x128xf32, #tpu.memory_space<vmem>>, %arg2: memref<128x128xf32, #tpu.memory_space<vmem>>, %arg3: memref<2x2000x16xf32, #tpu.memory_space<vmem>>, %arg4: memref<2000x128xf32, #tpu.memory_space<vmem>>, %arg5: memref<2000x1xf32, #tpu.memory_space<vmem>>) attributes {dimension_semantics = [#tpu.dimension_semantics<arbitrary>], iteration_bounds = array<i64: 5>, scalar_prefetch = 0 : i64, scratch_operands = 0 : i64, tpu.core_type = #tpu.core_type<tc>, window_params = [{transform_indices = @transform_0, window_bounds = array<i64: 2000, 128>}, {pipeline_mode = #tpu.pipeline_mode<synchronous>, transform_indices = @transform_1, window_bounds = array<i64: 128, 128>}, {transform_indices = @transform_2, window_bounds = array<i64: 2, 2000, 16>}, {transform_indices = @transform_3, window_bounds = array<i64: 2000, 128>}, {transform_indices = @transform_4, window_bounds = array<i64: 2000, 1>}]} {
    %get3A = arith.constant 0 : index
    %get3A_0 = arith.constant 0 : index
    %get3A_1 = arith.constant 0 : index
    %get3A_2 = vector.load %arg3[%get3A, %get3A_0, %get3A_1] : memref<2x2000x16xf32, #tpu.memory_space<vmem>>, vector<1x2000x16xf32>
    %get3A_3 = vector.shape_cast %get3A_2 : vector<1x2000x16xf32> to vector<2000x16xf32>
    %reduce_sum3A = arith.constant dense<0.000000e+00> : vector<2000xf32>
    %reduce_sum3A_4 = vector.multi_reduction <add>, %get3A_3, %reduce_sum3A [1] : vector<2000x16xf32> to vector<2000xf32>
    %get3A_5 = arith.constant 1 : index
    %get3A_6 = arith.constant 0 : index
    %get3A_7 = arith.constant 0 : index
    %get3A_8 = vector.load %arg3[%get3A_5, %get3A_6, %get3A_7] : memref<2x2000x16xf32, #tpu.memory_space<vmem>>, vector<1x2000x16xf32>
    %get3A_9 = vector.shape_cast %get3A_8 : vector<1x2000x16xf32> to vector<2000x16xf32>
    %reduce_sum3A_10 = arith.constant dense<0.000000e+00> : vector<2000xf32>
    %reduce_sum3A_11 = vector.multi_reduction <add>, %get3A_9, %reduce_sum3A_10 [1] : vector<2000x16xf32> to vector<2000xf32>
    %add3A = arith.addf %reduce_sum3A_4, %reduce_sum3A_11 : vector<2000xf32>
    %mul3A = arith.constant 6.250000e-02 : f32
    %mul3A_12 = vector.broadcast %mul3A : f32 to vector<2000xf32>
    %mul3A_13 = arith.mulf %add3A, %mul3A_12 : vector<2000xf32>
    %add3A_14 = arith.constant 1.000000e+00 : f32
    %add3A_15 = vector.broadcast %add3A_14 : f32 to vector<2000xf32>
    %add3A_16 = arith.addf %mul3A_13, %add3A_15 : vector<2000xf32>
    %rsqrt3A = math.rsqrt %add3A_16 : vector<2000xf32>
    %get3A_17 = arith.constant 0 : index
    %get3A_18 = arith.constant 0 : index
    %get3A_19 = vector.load %arg1[%get3A_17, %get3A_18] : memref<2000x128xf32, #tpu.memory_space<vmem>>, vector<2000x128xf32>
    %get3A_20 = arith.constant 0 : index
    %get3A_21 = arith.constant 0 : index
    %get3A_22 = vector.load %arg2[%get3A_20, %get3A_21] : memref<128x128xf32, #tpu.memory_space<vmem>>, vector<128x128xf32>
    %dot_general3A = arith.constant dense<0.000000e+00> : vector<2000x128xf32>
    %dot_general3A_23 = tpu.matmul %get3A_19, %get3A_22, %dot_general3A {dimension_numbers = #tpu.dot_dimension_numbers<[1], [0], [0], [1], [0, 0, 1, 1], [], []>, transpose_lhs_hint = false} : vector<2000x128xf32>, vector<128x128xf32>, vector<2000x128xf32> -> vector<2000x128xf32>
    %broadcast_in_dim3A = vector.shape_cast %rsqrt3A : vector<2000xf32> to vector<2000x1xf32>
    %mul3A_24 = vector.broadcast %broadcast_in_dim3A : vector<2000x1xf32> to vector<2000x128xf32>
    %mul3A_25 = arith.mulf %dot_general3A_23, %mul3A_24 : vector<2000x128xf32>
    %swap3A = arith.constant 0 : index
    %swap3A_26 = arith.constant 0 : index
    %swap3A_27 = vector.load %arg4[%swap3A, %swap3A_26] : memref<2000x128xf32, #tpu.memory_space<vmem>>, vector<2000x128xf32>
    tpu.vector_store %arg4[%swap3A, %swap3A_26], %mul3A_25 {strides = array<i32>} : memref<2000x128xf32, #tpu.memory_space<vmem>>, vector<2000x128xf32>,
    %broadcast_in_dim3A_28 = vector.shape_cast %rsqrt3A : vector<2000xf32> to vector<2000x1xf32>
    %swap3A_29 = arith.constant 0 : index
    %swap3A_30 = arith.constant 0 : index
    %swap3A_31 = vector.load %arg5[%swap3A_29, %swap3A_30] : memref<2000x1xf32, #tpu.memory_space<vmem>>, vector<2000x1xf32>
    tpu.vector_store %arg5[%swap3A_29, %swap3A_30], %broadcast_in_dim3A_28 {strides = array<i32>} : memref<2000x1xf32, #tpu.memory_space<vmem>>, vector<2000x1xf32>,
    return
  }
  func.func @transform_0(%arg0: i32) -> (i32, i32) {
    %c0_i32 = arith.constant 0 : i32
    %c0_i32_0 = arith.constant 0 : i32
    return %arg0, %c0_i32 : i32, i32
  }
  func.func @transform_1(%arg0: i32) -> (i32, i32) {
    %c0_i32 = arith.constant 0 : i32
    %c0_i32_0 = arith.constant 0 : i32
    %c0_i32_1 = arith.constant 0 : i32
    return %c0_i32, %c0_i32_0 : i32, i32
  }
  func.func @transform_2(%arg0: i32) -> (i32, i32, i32) {
    %c0_i32 = arith.constant 0 : i32
    %c0_i32_0 = arith.constant 0 : i32
    %c0_i32_1 = arith.constant 0 : i32
    return %c0_i32, %arg0, %c0_i32_0 : i32, i32, i32
  }
  func.func @transform_3(%arg0: i32) -> (i32, i32) {
    %c0_i32 = arith.constant 0 : i32
    %c0_i32_0 = arith.constant 0 : i32
    return %arg0, %c0_i32 : i32, i32
  }
  func.func @transform_4(%arg0: i32) -> (i32, i32) {
    %c0_i32 = arith.constant 0 : i32
    %c0_i32_0 = arith.constant 0 : i32
    return %arg0, %c0_i32 : i32, i32
  }
}

module attributes {stable_mosaic.version = 14 : i64} {
  func.func @body(%arg0: i32, %arg1: memref<2x2000x128xf32, #tpu.memory_space<vmem>>, %arg2: memref<2000x128xf32, #tpu.memory_space<vmem>>, %arg3: memref<2000x1xf32, #tpu.memory_space<vmem>>, %arg4: memref<1x128xf32, #tpu.memory_space<vmem>>, %arg5: memref<128x48xf32, #tpu.memory_space<vmem>>, %arg6: memref<2000x48xf32, #tpu.memory_space<vmem>>) attributes {dimension_semantics = [#tpu.dimension_semantics<arbitrary>], iteration_bounds = array<i64: 5>, scalar_prefetch = 0 : i64, scratch_operands = 0 : i64, tpu.core_type = #tpu.core_type<tc>, window_params = [{transform_indices = @transform_0, window_bounds = array<i64: 2, 2000, 128>}, {transform_indices = @transform_1, window_bounds = array<i64: 2000, 128>}, {transform_indices = @transform_2, window_bounds = array<i64: 2000, 1>}, {pipeline_mode = #tpu.pipeline_mode<synchronous>, transform_indices = @transform_3, window_bounds = array<i64: 1, 128>}, {pipeline_mode = #tpu.pipeline_mode<synchronous>, transform_indices = @transform_4, window_bounds = array<i64: 128, 48>}, {transform_indices = @transform_5, window_bounds = array<i64: 2000, 48>}]} {
    %get3A = arith.constant 0 : index
    %get3A_0 = arith.constant 0 : index
    %get3A_1 = vector.load %arg3[%get3A, %get3A_0] : memref<2000x1xf32, #tpu.memory_space<vmem>>, vector<2000x1xf32>
    %get3A_2 = arith.constant 0 : index
    %get3A_3 = arith.constant 0 : index
    %get3A_4 = arith.constant 0 : index
    %get3A_5 = vector.load %arg1[%get3A_2, %get3A_3, %get3A_4] : memref<2x2000x128xf32, #tpu.memory_space<vmem>>, vector<1x2000x128xf32>
    %get3A_6 = vector.shape_cast %get3A_5 : vector<1x2000x128xf32> to vector<2000x128xf32>
    %get3A_7 = arith.constant 1 : index
    %get3A_8 = arith.constant 0 : index
    %get3A_9 = arith.constant 0 : index
    %get3A_10 = vector.load %arg1[%get3A_7, %get3A_8, %get3A_9] : memref<2x2000x128xf32, #tpu.memory_space<vmem>>, vector<1x2000x128xf32>
    %get3A_11 = vector.shape_cast %get3A_10 : vector<1x2000x128xf32> to vector<2000x128xf32>
    %add3A = arith.addf %get3A_6, %get3A_11 : vector<2000x128xf32>
    %get3A_12 = arith.constant 0 : index
    %get3A_13 = arith.constant 0 : index
    %get3A_14 = vector.load %arg2[%get3A_12, %get3A_13] : memref<2000x128xf32, #tpu.memory_space<vmem>>, vector<2000x128xf32>
    %add3A_15 = arith.addf %add3A, %get3A_14 : vector<2000x128xf32>
    %mul3A = vector.broadcast %get3A_1 : vector<2000x1xf32> to vector<2000x128xf32>
    %mul3A_16 = arith.mulf %mul3A, %add3A_15 : vector<2000x128xf32>
    %get3A_17 = arith.constant 0 : index
    %get3A_18 = arith.constant 0 : index
    %get3A_19 = vector.load %arg4[%get3A_17, %get3A_18] : memref<1x128xf32, #tpu.memory_space<vmem>>, vector<1x128xf32>
    %add3A_20 = vector.broadcast %get3A_19 : vector<1x128xf32> to vector<2000x128xf32>
    %add3A_21 = arith.addf %mul3A_16, %add3A_20 : vector<2000x128xf32>
    %max3A = arith.constant 0.000000e+00 : f32
    %max3A_22 = vector.broadcast %max3A : f32 to vector<2000x128xf32>
    %max3A_23 = arith.maximumf %add3A_21, %max3A_22 : vector<2000x128xf32>
    %get3A_24 = arith.constant 0 : index
    %get3A_25 = arith.constant 0 : index
    %get3A_26 = vector.load %arg5[%get3A_24, %get3A_25] : memref<128x48xf32, #tpu.memory_space<vmem>>, vector<128x48xf32>
    %dot_general3A = arith.constant dense<0.000000e+00> : vector<2000x48xf32>
    %dot_general3A_27 = tpu.matmul %max3A_23, %get3A_26, %dot_general3A {dimension_numbers = #tpu.dot_dimension_numbers<[1], [0], [0], [1], [0, 0, 1, 1], [], []>, transpose_lhs_hint = false} : vector<2000x128xf32>, vector<128x48xf32>, vector<2000x48xf32> -> vector<2000x48xf32>
    %mul3A_28 = vector.broadcast %get3A_1 : vector<2000x1xf32> to vector<2000x48xf32>
    %mul3A_29 = arith.mulf %dot_general3A_27, %mul3A_28 : vector<2000x48xf32>
    %swap3A = arith.constant 0 : index
    %swap3A_30 = arith.constant 0 : index
    %swap3A_31 = vector.load %arg6[%swap3A, %swap3A_30] : memref<2000x48xf32, #tpu.memory_space<vmem>>, vector<2000x48xf32>
    tpu.vector_store %arg6[%swap3A, %swap3A_30], %mul3A_29 {strides = array<i32>} : memref<2000x48xf32, #tpu.memory_space<vmem>>, vector<2000x48xf32>,
    return
  }
  func.func @transform_0(%arg0: i32) -> (i32, i32, i32) {
    %c0_i32 = arith.constant 0 : i32
    %c0_i32_0 = arith.constant 0 : i32
    %c0_i32_1 = arith.constant 0 : i32
    return %c0_i32, %arg0, %c0_i32_0 : i32, i32, i32
  }
  func.func @transform_1(%arg0: i32) -> (i32, i32) {
    %c0_i32 = arith.constant 0 : i32
    %c0_i32_0 = arith.constant 0 : i32
    return %arg0, %c0_i32 : i32, i32
  }
  func.func @transform_2(%arg0: i32) -> (i32, i32) {
    %c0_i32 = arith.constant 0 : i32
    %c0_i32_0 = arith.constant 0 : i32
    return %arg0, %c0_i32 : i32, i32
  }
  func.func @transform_3(%arg0: i32) -> (i32, i32) {
    %c0_i32 = arith.constant 0 : i32
    %c0_i32_0 = arith.constant 0 : i32
    %c0_i32_1 = arith.constant 0 : i32
    return %c0_i32, %c0_i32_0 : i32, i32
  }
  func.func @transform_4(%arg0: i32) -> (i32, i32) {
    %c0_i32 = arith.constant 0 : i32
    %c0_i32_0 = arith.constant 0 : i32
    %c0_i32_1 = arith.constant 0 : i32
    return %c0_i32, %c0_i32_0 : i32, i32
  }
  func.func @transform_5(%arg0: i32) -> (i32, i32) {
    %c0_i32 = arith.constant 0 : i32
    %c0_i32_0 = arith.constant 0 : i32
    return %arg0, %c0_i32 : i32, i32
  }
}

module attributes {stable_mosaic.version = 14 : i64} {
  func.func @body(%arg0: i32, %arg1: memref<2x2000x48xf32, #tpu.memory_space<vmem>>, %arg2: memref<2000x48xf32, #tpu.memory_space<vmem>>, %arg3: memref<2000x1xf32, #tpu.memory_space<vmem>>, %arg4: memref<1x48xf32, #tpu.memory_space<vmem>>, %arg5: memref<2000x42xf32, #tpu.memory_space<vmem>>) attributes {dimension_semantics = [#tpu.dimension_semantics<arbitrary>], iteration_bounds = array<i64: 5>, scalar_prefetch = 0 : i64, scratch_operands = 0 : i64, tpu.core_type = #tpu.core_type<tc>, window_params = [{transform_indices = @transform_0, window_bounds = array<i64: 2, 2000, 48>}, {transform_indices = @transform_1, window_bounds = array<i64: 2000, 48>}, {transform_indices = @transform_2, window_bounds = array<i64: 2000, 1>}, {pipeline_mode = #tpu.pipeline_mode<synchronous>, transform_indices = @transform_3, window_bounds = array<i64: 1, 48>}, {transform_indices = @transform_4, window_bounds = array<i64: 2000, 42>}]} {
    %get3A = arith.constant 0 : index
    %get3A_0 = arith.constant 0 : index
    %get3A_1 = vector.load %arg3[%get3A, %get3A_0] : memref<2000x1xf32, #tpu.memory_space<vmem>>, vector<2000x1xf32>
    %get3A_2 = arith.constant 0 : index
    %get3A_3 = arith.constant 0 : index
    %get3A_4 = arith.constant 0 : index
    %get3A_5 = vector.load %arg1[%get3A_2, %get3A_3, %get3A_4] : memref<2x2000x48xf32, #tpu.memory_space<vmem>>, vector<1x2000x48xf32>
    %get3A_6 = vector.shape_cast %get3A_5 : vector<1x2000x48xf32> to vector<2000x48xf32>
    %get3A_7 = arith.constant 1 : index
    %get3A_8 = arith.constant 0 : index
    %get3A_9 = arith.constant 0 : index
    %get3A_10 = vector.load %arg1[%get3A_7, %get3A_8, %get3A_9] : memref<2x2000x48xf32, #tpu.memory_space<vmem>>, vector<1x2000x48xf32>
    %get3A_11 = vector.shape_cast %get3A_10 : vector<1x2000x48xf32> to vector<2000x48xf32>
    %add3A = arith.addf %get3A_6, %get3A_11 : vector<2000x48xf32>
    %get3A_12 = arith.constant 0 : index
    %get3A_13 = arith.constant 0 : index
    %get3A_14 = vector.load %arg2[%get3A_12, %get3A_13] : memref<2000x48xf32, #tpu.memory_space<vmem>>, vector<2000x48xf32>
    %add3A_15 = arith.addf %add3A, %get3A_14 : vector<2000x48xf32>
    %mul3A = vector.broadcast %get3A_1 : vector<2000x1xf32> to vector<2000x48xf32>
    %mul3A_16 = arith.mulf %mul3A, %add3A_15 : vector<2000x48xf32>
    %get3A_17 = arith.constant 0 : index
    %get3A_18 = arith.constant 0 : index
    %get3A_19 = vector.load %arg4[%get3A_17, %get3A_18] : memref<1x48xf32, #tpu.memory_space<vmem>>, vector<1x48xf32>
    %add3A_20 = vector.broadcast %get3A_19 : vector<1x48xf32> to vector<2000x48xf32>
    %add3A_21 = arith.addf %mul3A_16, %add3A_20 : vector<2000x48xf32>
    %iota3A = tpu.iota {dimensions = array<i32: 1>} : vector<2000x48xi32>
    %lt3A = arith.constant 42 : i32
    %lt3A_22 = vector.broadcast %lt3A : i32 to vector<2000x48xi32>
    %lt3A_23 = arith.cmpi slt, %iota3A, %lt3A_22 : vector<2000x48xi32>
    %broadcast_in_dim3A = arith.constant 0xFF800000 : f32
    %broadcast_in_dim3A_24 = vector.broadcast %broadcast_in_dim3A : f32 to vector<2000x48xf32>
    %select_n3A = arith.select %lt3A_23, %add3A_21, %broadcast_in_dim3A_24 : vector<2000x48xi1>, vector<2000x48xf32>
    %reduce_max3A = arith.constant dense<0xFF800000> : vector<2000xf32>
    %reduce_max3A_25 = vector.multi_reduction <maximumf>, %select_n3A, %reduce_max3A [1] : vector<2000x48xf32> to vector<2000xf32>
    %broadcast_in_dim3A_26 = vector.shape_cast %reduce_max3A_25 : vector<2000xf32> to vector<2000x1xf32>
    %sub3A = vector.broadcast %broadcast_in_dim3A_26 : vector<2000x1xf32> to vector<2000x48xf32>
    %sub3A_27 = arith.subf %select_n3A, %sub3A : vector<2000x48xf32>
    %exp3A = math.exp %sub3A_27 : vector<2000x48xf32>
    %reduce_sum3A = arith.constant dense<0.000000e+00> : vector<2000xf32>
    %reduce_sum3A_28 = vector.multi_reduction <add>, %exp3A, %reduce_sum3A [1] : vector<2000x48xf32> to vector<2000xf32>
    %broadcast_in_dim3A_29 = vector.shape_cast %reduce_sum3A_28 : vector<2000xf32> to vector<2000x1xf32>
    %log3A = math.log %broadcast_in_dim3A_29 : vector<2000x1xf32>
    %add3A_30 = arith.addf %log3A, %broadcast_in_dim3A_26 : vector<2000x1xf32>
    %sub3A_31 = vector.broadcast %add3A_30 : vector<2000x1xf32> to vector<2000x48xf32>
    %sub3A_32 = arith.subf %add3A_21, %sub3A_31 : vector<2000x48xf32>
    %slice3A = vector.extract_strided_slice %sub3A_32 {offsets = [0, 0], sizes = [2000, 42], strides = [1, 1]} : vector<2000x48xf32> to vector<2000x42xf32>
    %swap3A = arith.constant 0 : index
    %swap3A_33 = arith.constant 0 : index
    %swap3A_34 = vector.load %arg5[%swap3A, %swap3A_33] : memref<2000x42xf32, #tpu.memory_space<vmem>>, vector<2000x42xf32>
    tpu.vector_store %arg5[%swap3A, %swap3A_33], %slice3A {strides = array<i32>} : memref<2000x42xf32, #tpu.memory_space<vmem>>, vector<2000x42xf32>,
    return
  }
  func.func @transform_0(%arg0: i32) -> (i32, i32, i32) {
    %c0_i32 = arith.constant 0 : i32
    %c0_i32_0 = arith.constant 0 : i32
    %c0_i32_1 = arith.constant 0 : i32
    return %c0_i32, %arg0, %c0_i32_0 : i32, i32, i32
  }
  func.func @transform_1(%arg0: i32) -> (i32, i32) {
    %c0_i32 = arith.constant 0 : i32
    %c0_i32_0 = arith.constant 0 : i32
    return %arg0, %c0_i32 : i32, i32
  }
  func.func @transform_2(%arg0: i32) -> (i32, i32) {
    %c0_i32 = arith.constant 0 : i32
    %c0_i32_0 = arith.constant 0 : i32
    return %arg0, %c0_i32 : i32, i32
  }
  func.func @transform_3(%arg0: i32) -> (i32, i32) {
    %c0_i32 = arith.constant 0 : i32
    %c0_i32_0 = arith.constant 0 : i32
    %c0_i32_1 = arith.constant 0 : i32
    return %c0_i32, %c0_i32_0 : i32, i32
  }
  func.func @transform_4(%arg0: i32) -> (i32, i32) {
    %c0_i32 = arith.constant 0 : i32
    %c0_i32_0 = arith.constant 0 : i32
    return %arg0, %c0_i32 : i32, i32
  }
}

</mosaic_0001>

<sc_bundles>
// kernel: kernel.11.cloned.1.call-start
scs
__scs_entry_jumppad:
0x0: {  	(pc) =	sbr.rel $0x88, $3  }
0x1: {  	(tag) =	ssettag $0x0;
	lr =	simm.s32 $0x1  }
0x2: {  	[smem:$0x3F9B] =	sst lr;
	_ =	strace $0xD0000000  }
0x3: {  	_ = 	snop  }
0x4: {  	_ = 	snop  }
0x5: {  	_ = 	snop  }
0x6: {  	_ = 	snop  }
0x7: {  	_ = 	snop  }
__scs_overlays_trampoline_lowered:
0x8: {  	[smem:$0x3FAA] =	sst s0  }
0x9: {  	[smem:$0x3FAB] =	sst s1  }
0xa: {  	[smem:$0x3FAC] =	sst s2  }
0xb: {  	[smem:$0x3FAD] =	sst s3  }
0xc: {  	[smem:$0x3FAE] =	sst s4  }
0xd: {  	[smem:$0x3FAF] =	sst s5  }
0xe: {  	[smem:$0x3FB0] =	sst s6  }
0xf: {  	[smem:$0x3FB1] =	sst s7  }
0x10: {  	[smem:$0x3FB2] =	sst s8  }
0x11: {  	[smem:$0x3FB3] =	sst s9;
	s0 =	simm.s32 @!p0 $0x0  }
0x12: {  	s1 =	sld [smem:$0x3F99];
	s0 =	simm.s32 @p0 $0x1  }
0x13: {  	[smem:$0x3FB4] =	sst s0;
	s0 =	simm.s32 @!p1 $0x0  }
0x14: {  	s2 =	sld [smem:$0x3F98];
	s0 =	simm.s32 @p1 $0x1  }
0x15: {  	[smem:$0x3FB5] =	sst s0;
	s0 =	simm.s32 @!p2 $0x0  }
0x16: {  	s3 =	sld [smem:$0x3FDB];
	s0 =	simm.s32 @p2 $0x1  }
0x17: {  	s4 =	simm.s32 $0x1BF5;
	[smem:$0x3FB7] =	sst s0  }
0x18: {  	s0 =	sld [smem:$0x3F9A];
	_ =	swait.ge [sflag:s4], $0x0  }
0x19: {  	s7 =	sld [smem:$0x3F9B]  }
0x1a: {  	s8 =	sadd.s32 $0xFFFFE003, lr  }
0x1b: {  	s9 =	sadd.s32 $0xFFFFFEF7, lr;
	s5 =	simm.s32 $0xFFFFFFFF;
	p2 =	slt.u32 s8, $0xFFFFF086  }
0x1c: {  	p1 =	slt.u32 s9, $0xF7A;
	s5 =	simm.s32 @!p2 $0x0  }
0x1d: {  	s5 =	simm.s32 @p1 $0x1;
	p0 =	seq.s32 s7, s2  }
0x1e: {  	s7 =	smul.u32 @!p0 $0xF7A, s2;
	p2 =	seq.s32 @!p0 s5, $0x0  }
0x1f: {  	s9 =	smul.u32 $0xF7A, s1;
	s8 =	simm.s32 @!p0 $0x1BF5;
	p2 =	por !p2, p0  }
0x20: {  	[sflag:s8] =	ssyncset.s32 @!p0 $0xFFFFF086;
	s6 =	sadd.s32 @!p0 s3, s7;
	s7 =	simm.s32 @!p0 $0x108  }
0x21: {  	s3 =	sadd.s32 s3, s9;
	s6 =	sadd.s32 @!p0 $0x88, s6;
	s7 =	simm.s32 @p2 $0x1082  }
0x22: {  	[simem:s7], [sflag:s8] =	dma.local @!p0 [hbm:s6], $0xF7A  }
0x23: {  	s9 =	sor.u32 $0xD0000000, s2;
	s6 =	simm.s32 $0x108;
	_ =	swait.ge @!p0 [sflag:s8], $0x0  }
0x24: {  	s3 =	sadd.s32 $0x88, s3;
	s6 =	simm.s32 @!p1 $0x1082;
	[sflag:s4] =	ssyncset.s32 $0xFFFFF086  }
0x25: {  	[simem:s6], [sflag:s4] =	dma.local [hbm:s3], $0xF7A  }
0x26: {  	[smem:$0x3F9B] =	sst s1;
	(tag) =	ssettag s2;
	_ =	strace s9  }
0x27: {  	s1 =	sld [smem:$0x3FAB]  }
0x28: {  	s2 =	sld [smem:$0x3FAC]  }
0x29: {  	s4 =	sld [smem:$0x3FAE]  }
0x2a: {  	p0 =	seq.s32 s5, $0x0;
	s5 =	sld [smem:$0x3FAF]  }
0x2b: {  	s6 =	sld [smem:$0x3FB0]  }
0x2c: {  	s7 =	sld [smem:$0x3FB1]  }
0x2d: {  	s3 =	simm.s32 $0x108;
	s8 =	sld [smem:$0x3FB2]  }
0x2e: {  	s3 =	simm.s32 @!p0 $0x1082;
	s9 =	sld [smem:$0x3FB3]  }
0x2f: {  	lr =	sadd.s32 s0, s3;
	s0 =	sld [smem:$0x3FAA]  }
0x30: {  	s3 =	sld [smem:$0x3FAD]  }
0x31: {  	[smem:$0x3FB6] =	sst s10  }
0x32: {  	s10 =	sld [smem:$0x3FB4];
	_ =	sdelay $0x3  }
0x33: {  	p0 =	seq.s32 s10, $0x1;
	s10 =	sld [smem:$0x3FB6];
	_ =	sdelay $0x3  }
0x34: {  	[smem:$0x3FB6] =	sst s10  }
0x35: {  	s10 =	sld [smem:$0x3FB5];
	_ =	sdelay $0x3  }
0x36: {  	p1 =	seq.s32 s10, $0x1;
	s10 =	sld [smem:$0x3FB6];
	_ =	sdelay $0x3  }
0x37: {  	[smem:$0x3FB6] =	sst s10  }
0x38: {  	s10 =	sld [smem:$0x3FB7]  }
0x39: {  	_ = 	snop;
	(pc) =	sbr.ind lr, $3  }
0x3a: {  	_ = 	snop  }
0x3b: {  	_ = 	snop  }
0x3c: {  	p2 =	seq.s32 s10, $0x1;
	s10 =	sld [smem:$0x3FB6]  }
0x3d: {  	_ =	shalt  }
0x3e: {  	_ =	shalt  }
0x3f: {  	_ =	shalt  }
0x40: {  	_ =	shalt  }
0x41: {  	_ =	shalt  }
0x42: {  	_ =	shalt  }
0x43: {  	_ =	shalt  }
0x44: {  	_ =	shalt  }
0x45: {  	_ =	shalt  }
0x46: {  	_ =	shalt  }
0x47: {  	_ =	shalt  }
0x48: {  	_ =	shalt  }
0x49: {  	_ =	shalt  }
0x4a: {  	_ =	shalt  }
0x4b: {  	_ =	shalt  }
0x4c: {  	_ =	shalt  }
0x4d: {  	_ =	shalt  }
0x4e: {  	_ =	shalt  }
0x4f: {  	_ =	shalt  }
0x50: {  	_ =	shalt  }
0x51: {  	_ =	shalt  }
0x52: {  	_ =	shalt  }
0x53: {  	_ =	shalt  }
0x54: {  	_ =	shalt  }
0x55: {  	_ =	shalt  }
0x56: {  	_ =	shalt  }
0x57: {  	_ =	shalt  }
0x58: {  	_ =	shalt  }
0x59: {  	_ =	shalt  }
0x5a: {  	_ =	shalt  }
0x5b: {  	_ =	shalt  }
0x5c: {  	_ =	shalt  }
0x5d: {  	_ =	shalt  }
0x5e: {  	_ =	shalt  }
0x5f: {  	_ =	shalt  }
0x60: {  	_ =	shalt  }
0x61: {  	_ =	shalt  }
0x62: {  	_ =	shalt  }
0x63: {  	_ =	shalt  }
0x64: {  	_ =	shalt  }
0x65: {  	_ =	shalt  }
0x66: {  	_ =	shalt  }
0x67: {  	_ =	shalt  }
0x68: {  	_ =	shalt  }
0x69: {  	_ =	shalt  }
0x6a: {  	_ =	shalt  }
0x6b: {  	_ =	shalt  }
0x6c: {  	_ =	shalt  }
0x6d: {  	_ =	shalt  }
0x6e: {  	_ =	shalt  }
0x6f: {  	_ =	shalt  }
0x70: {  	_ =	shalt  }
0x71: {  	_ =	shalt  }
0x72: {  	_ =	shalt  }
0x73: {  	_ =	shalt  }
0x74: {  	_ =	shalt  }
0x75: {  	_ =	shalt  }
0x76: {  	_ =	shalt  }
0x77: {  	_ =	shalt  }
0x78: {  	_ =	shalt  }
0x79: {  	_ =	shalt  }
0x7a: {  	_ =	shalt  }
0x7b: {  	_ =	shalt  }
0x7c: {  	_ =	shalt  }
0x7d: {  	_ =	shalt  }
0x7e: {  	_ =	shalt  }
0x7f: {  	_ =	shalt  }
0x80: {  	_ =	shalt  }
0x81: {  	_ =	shalt  }
0x82: {  	_ =	shalt  }
0x83: {  	_ =	shalt  }
0x84: {  	_ =	shalt  }
0x85: {  	_ =	shalt  }
0x86: {  	_ =	shalt  }
0x87: {  	_ =	shalt  }
.Lfunc_end0:
.L_simem_size_0:
called_computation.1_lowered:
.L_overlay_start_0:
0x88: {  	s2 =	sld [smem:$0x3FD9]  }
0x89: {  	s3 =	sld [smem:$0x3FFE];
	_ =	sdelay $0x1  }
0x8a: {  	s1 =	srdreg.scid  }
0x8b: {  	s0 =	sand.u32 $0x1, s1  }
0x8c: {  	s17 =	sshll.u32 s0, $0xA;
	s2 =	sadd.s32 s3, s2  }
0x8d: {  	s2 =	sadd.s32 s2, s17  }
0x8e: {  	[smem:$0x3FC2] =	sst s2  }
0x8f: {  	_ = 	snop  }
0x90: {  	s2 =	sld [smem:$0x3FD0];
	(tm) =	ssettm $0x1  }
0x91: {  	s18 =	sld [smem:$0x3FFB];
	_ =	sdelay $0x3  }
0x92: {  	_ =	strace s18  }
0x93: {  	s3 =	sld [smem:$0x3FFC];
	_ =	sdelay $0x3  }
0x94: {  	_ =	strace s3  }
0x95: {  	s3 =	sld [smem:$0x3FFD];
	_ =	sdelay $0x3  }
0x96: {  	_ =	strace s3  }
0x97: {  	_ =	strace $0x8FFFFFFF  }
0x98: {  	s19 =	sld [smem:$0x3FDB];
	_ =	sdelay $0x1  }
0x99: {  	s4 =	simm.s32 $_scs_section_size  }
0x9a: {  	s5 =	simm.s32 $_size__tile_overlayer_lowered;
	s6 =	simm.s32 $_tile_overlayer_lowered  }
0x9b: {  	s22 =	simm.s32 $0x1BFF;
	s21 =	sshll.u32 s6, $0x1;
	s3 =	sadd.s32 s4, s19  }
0x9c: {  	s7 =	simm.s32 $0x0;
	s20 =	sshll.u32 s5, $0x1;
	s5 =	sadd.s32 s21, s3  }
0x9d: {  	[timem:s7], [sflag:s22] =	dma.local [hbm:s5], s20  }
0x9e: {  	_ =	swait.ge [sflag:s22], s20  }
0x9f: {  	s4 =	ssub.s32 $0x0, s20;
	[sflag:s22] =	ssyncset.done $0x0  }
0xa0: {  	[sflag:s22] =	ssyncadd.s32 s4;
	_ =	sdelay $0x1  }
0xa1: {  	s23 =	simm.s32 $0x1B8B  }
0xa2: {  	_ =	swait.ge [sflag:s23], $0x1  }
0xa3: {  	[sflag:s23] =	ssyncset.done $0x0  }
0xa4: {  	s25 =	simm.s32 $0x1B8E;
	s24 =	sld [smem:$0x3FFE];
	[sflag:s23] =	ssyncadd.s32 $0xFFFFFFFF  }
0xa5: {  	s26 =	simm.s32 $execute0_lowered;
	[smem:$0x3FD2] =	sst s25  }
0xa6: {  	s5 =	sshll.u32 s26, $0x1;
	_ =	strace $0x80000049;
	[dreg:$0x1] =	wrdreg $0xFFFFFFFF  }
0xa7: {  	s28 =	simm.s32 $_size_execute0_lowered;
	s3 =	sadd.s32 s3, s5;
	[dreg:$0x0] =	wrdreg $0x0  }
0xa8: {  	s5 =	sshll.u32 s28, $0x1;
	[dreg:$0x2] =	wrdreg s3  }
0xa9: {  	[dreg:$0x3] =	wrdreg s5  }
0xaa: {  	[dreg:$0x4] =	wrdreg $0xC0  }
0xab: {  	_ =	task [dreg:s7], $0x5FFFF  }
0xac: {  	[dreg:$0x1] =	wrdreg $0xFFFFFFFF  }
0xad: {  	[dreg:$0x0] =	wrdreg $0x60  }
0xae: {  	[dreg:$0x2] =	wrdreg s24  }
0xaf: {  	[dreg:$0x3] =	wrdreg s2  }
0xb0: {  	[dreg:$0x4] =	wrdreg $0xA4000  }
0xb1: {  	[dreg:$0x5] =	wrdreg $0x9  }
0xb2: {  	_ =	task.clear_ibuf [dreg:s7], $0x6FFFF;
	_ =	strace $0x90000049  }
0xb3: {  	s29 =	simm.s32 $0x9;
	_ =	strace $0x8000004B  }
0xb4: {  	_ =	swait.ge [sflag:s29], $0x1  }
0xb5: {  	[sflag:s29] =	ssyncadd.s32 $0xFFFFFFFF  }
0xb6: {  	_ =	strace $0x9000004B  }
0xb7: {  	_ =	sfence  }
0xb8: {  	s30 =	sld [smem:$0x0];
	_ =	sdelay $0x2  }
0xb9: {  	s31 =	sshll.u32 s1, $0xD;
	s1 =	sshrl.u32 s1, $0x2  }
0xba: {  	s3 =	sand.u32 $0x4000, s31;
	s1 =	sadd.s32 s1, s30  }
0xbb: {  	s0 =	sor.u32 s3, s0;
	s1 =	sshll.u32 s1, $0x11  }
0xbc: {  	s0 =	sor.u32 s1, s0  }
0xbd: {  	s0 =	sadd.s32 $0x8F2B, s0  }
0xbe: {  	[sflag:s0] =	ssyncadd.remote.s32 $0x1  }
0xbf: {  	_ =	sfence.sel $0xFFFF  }
0xc0: {  	[dreg:$0x0] =	wrdreg $0xFFFFFFFF;
	(pc) =	sbr.abs _section_cstart, $3  }
0xc1: {  	[dreg:$0x1] =	wrdreg $0xFFFFFFFF  }
0xc2: {  	_ =	task.clear_ibuf [dreg:s7], $0x2FFFF;
	_ =	strace $0x9FFFFFFF  }
0xc3: {  	(tm) =	ssettm $0x7FFFFFFF  }
tec
execute0_lowered:
.L_overlay_start_1:
0x0: {  	(tag) =	ssettag $0x1  }
0x1: {  	s0 =	rddreg [dreg:$0x0]  }
0x2: {  	s2 =	rddreg [dreg:$0x2];
	s4 =	simm.s32 $0x0  }
0x3: {  	s1 =	srdreg.scid;
	s10 =	stileid.u32;
	s28 =	simm.s32 $0x11  }
0x4: {  	s29 =	simm.s32 $0x100;
	[smem:$0x7FF] =	sst s4;
	s6 =	smul.u32 $0x13C00, s10  }
0x5: {  	s1 =	sand.u32 $0x1, s1;
	s5 =	sadd.s32 $0x16600, s0;
	s19 =	smul.u32 $0x4F000, s10  }
0x6: {  	s30 =	sadd.s32 $0x2000, s0;
	s31 =	sadd.s32 $0xBE00, s0;
	s22 =	smul.u32 $0x2710, s10  }
0x7: {  	s7 =	sadd.s32 $0x16400, s0;
	s20 =	sshll.u32 s10, $0x6;
	s3 =	smul.u32 $0x13C000, s1  }
0x8: {  	_ =	strace $0x8000004A;
	[dreg:$0xa] =	wrdreg s7;
	s18 =	sshll.u32 s1, $0x4  }
0x9: {  	s8 =	ssub.s32 $0x2, s1;
	s1 =	smul.u32 $0x27100, s1;
	s26 =	sor.u32 $0x1C11, s20  }
0xa: {  	s9 =	sshrl.u32 s8, $0x1;
	s7 =	sshrl.u32 s19, $0x2;
	[dreg:$0xc] =	wrdreg s26  }
0xb: {  	s3 =	sadd.s32 s6, s3;
	s6 =	sor.u32 s10, s18;
	s1 =	sadd.s32 s22, s1  }
0xc: {  	s7 =	sadd.s32 s7, s2;
	s3 =	sshrl.u32 s3, $0x3;
	s14 =	sadd.s32 $0x1E0, s1  }
0xd: {  	s0 =	sadd.s32 s3, s0;
	s3 =	ssub.s32 s8, s9;
	s8 =	sshrl.u32 s14, $0x3  }
0xe: {  	[dreg:$0xb] =	wrdreg s7;
	s16 =	sadd.s32 $0x190, s1;
	s15 =	sadd.s32 s8, s31  }
0xf: {  	s18 =	sshrl.u32 s16, $0x3;
	s17 =	sadd.s32 s8, s30;
	[dreg:$0x5] =	wrdreg s15  }
0x10: {  	s6 =	smul.u32 $0x2710, s6;
	s20 =	sadd.s32 s18, s31;
	[dreg:$0x6] =	wrdreg s17  }
0x11: {  	s12 =	sadd.s32 $0x230, s1;
	s0 =	sadd.s32 $0x3D800, s0;
	[dreg:$0x7] =	wrdreg s20  }
0x12: {  	s6 =	sshrl.u32 s6, $0x3;
	s3 =	smax.u32 s3, $0x1;
	[dreg:$0x17] =	wrdreg s0  }
0x13: {  	s21 =	sadd.s32 $0xA, s6;
	s23 =	sadd.s32 s30, s6;
	[dreg:$0x18] =	wrdreg s3  }
0x14: {  	s25 =	sadd.s32 $0x14, s6;
	s24 =	sadd.s32 s30, s21;
	[dreg:$0xd] =	wrdreg s23  }
0x15: {  	s22 =	sadd.s32 $0xF0, s1;
	s11 =	sadd.s32 s30, s25;
	[dreg:$0xe] =	wrdreg s24  }
0x16: {  	s14 =	simm.s32 $0xB;
	s10 =	sadd.s32 $0x1E, s23;
	[dreg:$0xf] =	wrdreg s11  }
0x17: {  	s8 =	simm.s32 $0x0;
	s7 =	sadd.s32 s31, s21;
	[dreg:$0x10] =	wrdreg s10  }
0x18: {  	s3 =	simm.s32 $0x50;
	s13 =	sadd.s32 s31, s25;
	[dreg:$0x12] =	wrdreg s7  }
0x19: {  	s15 =	simm.s32 $0xC;
	s23 =	sadd.s32 s18, s30;
	[dreg:$0x13] =	wrdreg s13  }
0x1a: {  	s20 =	simm.s32 $0x5;
	s25 =	sadd.s32 $0x140, s1;
	[dreg:$0x8] =	wrdreg s23  }
0x1b: {  	s11 =	sadd.s32 s31, s6;
	s7 =	sshrl.u32 s12, $0x3;
	[dreg:$0x19] =	wrdreg s25  }
0x1c: {  	s6 =	sadd.s32 $0x4D8, s6;
	s7 =	sadd.s32 s7, s30;
	[dreg:$0x11] =	wrdreg s11  }
0x1d: {  	s1 =	simm.s32 $0x80;
	s19 =	sadd.s32 s30, s6;
	[dreg:$0x4] =	wrdreg s7  }
0x1e: {  	s18 =	simm.s32 $0xD;
	s21 =	sadd.s32 $0x4CE, s11;
	[dreg:$0x14] =	wrdreg s19  }
0x1f: {  	s12 =	simm.s32 $0xA;
	s6 =	sadd.s32 s31, s6;
	[dreg:$0x15] =	wrdreg s21  }
0x20: {  	s10 =	simm.s32 $0x6;
	s23 =	simm.s32 $0xF;
	[dreg:$0x16] =	wrdreg s6  }
0x21: {  	s7 =	sshrl.u32 s22, $0x3;
	s19 =	simm.s32 $0x2;
	s21 =	simm.s32 $0xE  }
0x22: {  	s22 =	simm.s32 $0x3;
	s6 =	simm.s32 $0x7;
	s24 =	sadd.s32 s7, s31  }
0x23: {  	s7 =	simm.s32 $0x10;
	[dreg:$0x9] =	wrdreg s24;
	s24 =	simm.s32 $0x4  }
.LBB2_1:
0x24: {  	[dreg:$0x1a] =	wrdreg s8  }
0x25: {  	s0 =	rddreg [dreg:$0xb]  }
0x26: {  	s25 =	rddreg [dreg:$0x1];
	s0 =	sshrl.u32 s0, $0x3  }
0x27: {  	[dreg:$0x1b] =	wrdreg s0  }
0x28: {  	[spmem:s0], [sflag:s26] =	dma.local [hbm:s25], $0x2780  }
0x29: {  	_ =	swait.ge [sflag:s28], $0x2780  }
0x2a: {  	[sflag:s28] =	ssyncset.done $0x0  }
0x2b: {  	[sflag:s28] =	ssyncadd.s32 $0xFFFFD880  }
0x2c: {  	[bflag:$0x0] =	sbarrier.arrive $0xFFFF  }
0x2d: {  	s13 =	rddreg [dreg:$0xd]  }
0x2e: {  	[tilespmem:s4], [sflag:$0x9] =	stream.linear.gather [hbm4b:s13+s4], $0x50, $0x38;
	[tilespmem:$0x1E000] =	vst v63  }
0x2f: {  	s16 =	rddreg [dreg:$0xe]  }
0x30: {  	[tilespmem:s1], [sflag:$0xA] =	stream.linear.gather [hbm4b:s16+s4], $0x50, $0x38;
	[tilespmem:$0x1E000] =	vst v63  }
0x31: {  	s17 =	rddreg [dreg:$0xf]  }
0x32: {  	[tilespmem:s29], [sflag:$0xB] =	stream.linear.gather [hbm4b:s17+s4], $0x50, $0x38;
	[tilespmem:$0x1E000] =	vst v63  }
0x33: {  	s26 =	simm.s32 $0x180;
	s25 =	rddreg [dreg:$0x10]  }
0x34: {  	[tilespmem:s26], [sflag:$0xC] =	stream.linear.gather [hbm4b:s25+s4], $0x50, $0x38;
	[tilespmem:$0x1E000] =	vst v63  }
0x35: {  	s8 =	rddreg [dreg:$0x11];
	s16 =	simm.s32 $0x200  }
0x36: {  	[tilespmem:s16], [sflag:$0xD] =	stream.linear.gather [hbm4b:s8+s4], $0x50, $0x38;
	[tilespmem:$0x1E000] =	vst v63  }
0x37: {  	s11 =	simm.s32 $0x280;
	s9 =	rddreg [dreg:$0x12]  }
0x38: {  	[tilespmem:s11], [sflag:$0xE] =	stream.linear.gather [hbm4b:s9+s4], $0x50, $0x38;
	[tilespmem:$0x1E000] =	vst v63  }
0x39: {  	s13 =	rddreg [dreg:$0x13];
	s17 =	simm.s32 $0x300  }
0x3a: {  	[tilespmem:s17], [sflag:$0xF] =	stream.linear.gather [hbm4b:s13+s4], $0x50, $0x38;
	[tilespmem:$0x1E000] =	vst v63  }
0x3b: {  	s25 =	rddreg [dreg:$0xa];
	s9 =	simm.s32 $0x380  }
0x3c: {  	[tilespmem:s9], [sflag:$0x11] =	stream.linear.gather [hbm4b:s25+s4], $0x80, $0x38;
	[tilespmem:$0x1E000] =	vst v63  }
0x3d: {  	_ =	swait.ge [sflag:s28], $0x80  }
0x3e: {  	[sflag:s28] =	ssyncset.done $0x0  }
0x3f: {  	s8 =	simm.s32 $0x9;
	[sflag:s28] =	ssyncadd.s32 $0xFFFFFF80;
	s28 =	simm.s32 $0x7C00  }
0x40: {  	[spmem:s2] =	stream.indirect.scatter.add.f32 [tilespmem:s28], [sflag:$0x8], $0x80, s9, s3, $0xb8;
	[tilespmem:$0x1E000] =	vst v63  }
0x41: {  	_ =	swait.ge [sflag:s8], $0x50  }
0x42: {  	[sflag:s8] =	ssyncset.done $0x0  }
0x43: {  	s13 =	simm.s32 $0x400;
	[sflag:s8] =	ssyncadd.s32 $0xFFFFFFB0  }
0x44: {  	[tilespmem:s13], [sflag:$0x1] =	stream.indirect.gather [hbm4b:s5+s3], $0x80, s4, s3, $0xb8;
	[tilespmem:$0x1E000] =	vst v63  }
0x45: {  	_ =	swait.ge [sflag:s12], $0x50  }
0x46: {  	[sflag:s12] =	ssyncset.done $0x0  }
0x47: {  	s26 =	simm.s32 $0x2C00;
	[sflag:s12] =	ssyncadd.s32 $0xFFFFFFB0  }
0x48: {  	[tilespmem:s26], [sflag:$0x2] =	stream.indirect.gather [hbm4b:s5+s3], $0x80, s1, s3, $0xb8;
	[tilespmem:$0x1E000] =	vst v63  }
0x49: {  	_ =	swait.ge [sflag:s14], $0x50  }
0x4a: {  	[sflag:s14] =	ssyncset.done $0x0  }
0x4b: {  	s11 =	simm.s32 $0x1;
	s17 =	simm.s32 $0x5400;
	[sflag:s14] =	ssyncadd.s32 $0xFFFFFFB0  }
0x4c: {  	[tilespmem:s17], [sflag:$0x3] =	stream.indirect.gather [hbm4b:s5+s3], $0x80, s29, s3, $0xb8;
	[tilespmem:$0x1E000] =	vst v63  }
0x4d: {  	_ =	swait.ge [sflag:s11], $0x2800  }
0x4e: {  	s0 =	rddreg [dreg:$0x19]  }
0x4f: {  	[sflag:s11] =	ssyncset.done $0x0;
	s25 =	sshrl.u32 s0, $0x3  }
0x50: {  	[sflag:s11] =	ssyncadd.s32 $0xFFFFD800;
	s11 =	sadd.s32 s30, s25  }
0x51: {  	[tilespmem:s4], [sflag:$0x9] =	stream.linear.gather [hbm4b:s11+s4], $0x50, $0x38;
	[tilespmem:$0x1E000] =	vst v63  }
0x52: {  	s11 =	simm.s32 $0x8  }
0x53: {  	_ =	swait.ge [sflag:s11], $0x2800  }
0x54: {  	s26 =	rddreg [dreg:$0x9];
	[sflag:s11] =	ssyncset.done $0x0  }
0x55: {  	[sflag:s11] =	ssyncadd.s32 $0xFFFFD800;
	s26 =	sadd.s32 $0x0, s26  }
0x56: {  	[tilespmem:s9], [sflag:$0x10] =	stream.linear.gather [hbm4b:s26+s4], $0x50, $0x38;
	[tilespmem:$0x1E000] =	vst v63  }
0x57: {  	_ =	swait.ge [sflag:s15], $0x50  }
0x58: {  	[sflag:s15] =	ssyncset.done $0x0  }
0x59: {  	s9 =	simm.s32 $0x180;
	[sflag:s15] =	ssyncadd.s32 $0xFFFFFFB0  }
0x5a: {  	[tilespmem:s28], [sflag:$0x4] =	stream.indirect.gather [hbm4b:s5+s3], $0x80, s9, s3, $0xb8;
	[tilespmem:$0x1E000] =	vst v63  }
0x5b: {  	_ =	swait.ge [sflag:s18], $0x50  }
0x5c: {  	[sflag:s18] =	ssyncset.done $0x0  }
0x5d: {  	[sflag:s18] =	ssyncadd.s32 $0xFFFFFFB0  }
0x5e: {  	[spmem:s2] =	stream.indirect.scatter.add.f32 [tilespmem:s13], [sflag:$0x5], $0x80, s16, s3, $0xb8;
	[tilespmem:$0x1E000] =	vst v63  }
0x5f: {  	_ =	swait.ge [sflag:s19], $0x2800  }
0x60: {  	s11 =	rddreg [dreg:$0x8];
	[sflag:s19] =	ssyncset.done $0x0  }
0x61: {  	[sflag:s19] =	ssyncadd.s32 $0xFFFFD800;
	s26 =	sadd.s32 $0x0, s11  }
0x62: {  	[tilespmem:s1], [sflag:$0xA] =	stream.linear.gather [hbm4b:s26+s4], $0x50, $0x38;
	[tilespmem:$0x1E000] =	vst v63  }
0x63: {  	_ =	swait.ge [sflag:s20], $0x2800  }
0x64: {  	[sflag:s20] =	ssyncset.done $0x0  }
0x65: {  	s25 =	sadd.s32 s31, s25;
	[sflag:s20] =	ssyncadd.s32 $0xFFFFD800  }
0x66: {  	[tilespmem:s16], [sflag:$0xD] =	stream.linear.gather [hbm4b:s25+s4], $0x50, $0x38;
	[tilespmem:$0x1E000] =	vst v63  }
0x67: {  	_ =	swait.ge [sflag:s8], $0x50  }
0x68: {  	[sflag:s8] =	ssyncset.done $0x0  }
0x69: {  	[sflag:s8] =	ssyncadd.s32 $0xFFFFFFB0  }
0x6a: {  	[tilespmem:s13], [sflag:$0x1] =	stream.indirect.gather [hbm4b:s5+s3], $0x80, s4, s3, $0xb8;
	[tilespmem:$0x1E000] =	vst v63  }
0x6b: {  	_ =	swait.ge [sflag:s21], $0x50  }
0x6c: {  	[sflag:s21] =	ssyncset.done $0x0  }
0x6d: {  	s26 =	simm.s32 $0x2C00;
	s16 =	simm.s32 $0x280;
	[sflag:s21] =	ssyncadd.s32 $0xFFFFFFB0  }
0x6e: {  	[spmem:s2] =	stream.indirect.scatter.add.f32 [tilespmem:s26], [sflag:$0x6], $0x80, s16, s3, $0xb8;
	[tilespmem:$0x1E000] =	vst v63  }
0x6f: {  	_ =	swait.ge [sflag:s22], $0x2800  }
0x70: {  	s28 =	rddreg [dreg:$0x6];
	[sflag:s22] =	ssyncset.done $0x0  }
0x71: {  	[sflag:s22] =	ssyncadd.s32 $0xFFFFD800;
	s25 =	sadd.s32 $0x0, s28  }
0x72: {  	[tilespmem:s29], [sflag:$0xB] =	stream.linear.gather [hbm4b:s25+s4], $0x50, $0x38;
	[tilespmem:$0x1E000] =	vst v63  }
0x73: {  	_ =	swait.ge [sflag:s10], $0x2800  }
0x74: {  	s13 =	rddreg [dreg:$0x7];
	[sflag:s10] =	ssyncset.done $0x0  }
0x75: {  	[sflag:s10] =	ssyncadd.s32 $0xFFFFD800;
	s25 =	sadd.s32 $0x0, s13  }
0x76: {  	[tilespmem:s16], [sflag:$0xE] =	stream.linear.gather [hbm4b:s25+s4], $0x50, $0x38;
	[tilespmem:$0x1E000] =	vst v63  }
0x77: {  	_ =	swait.ge [sflag:s12], $0x50  }
0x78: {  	[sflag:s12] =	ssyncset.done $0x0  }
0x79: {  	[sflag:s12] =	ssyncadd.s32 $0xFFFFFFB0  }
0x7a: {  	[tilespmem:s26], [sflag:$0x2] =	stream.indirect.gather [hbm4b:s5+s3], $0x80, s1, s3, $0xb8;
	[tilespmem:$0x1E000] =	vst v63  }
0x7b: {  	_ =	swait.ge [sflag:s23], $0x50  }
0x7c: {  	[sflag:s23] =	ssyncset.done $0x0  }
0x7d: {  	s16 =	simm.s32 $0x300;
	[sflag:s23] =	ssyncadd.s32 $0xFFFFFFB0  }
0x7e: {  	[spmem:s2] =	stream.indirect.scatter.add.f32 [tilespmem:s17], [sflag:$0x7], $0x80, s16, s3, $0xb8;
	[tilespmem:$0x1E000] =	vst v63  }
0x7f: {  	_ =	swait.ge [sflag:s24], $0x2800  }
0x80: {  	s26 =	rddreg [dreg:$0x4];
	[sflag:s24] =	ssyncset.done $0x0  }
0x81: {  	[sflag:s24] =	ssyncadd.s32 $0xFFFFD800;
	s25 =	sadd.s32 $0x0, s26  }
0x82: {  	[tilespmem:s9], [sflag:$0xC] =	stream.linear.gather [hbm4b:s25+s4], $0x50, $0x38;
	[tilespmem:$0x1E000] =	vst v63  }
0x83: {  	_ =	swait.ge [sflag:s6], $0x2800  }
0x84: {  	s28 =	rddreg [dreg:$0x5];
	[sflag:s6] =	ssyncset.done $0x0  }
0x85: {  	[sflag:s6] =	ssyncadd.s32 $0xFFFFD800;
	s25 =	sadd.s32 $0x0, s28  }
0x86: {  	[tilespmem:s16], [sflag:$0xF] =	stream.linear.gather [hbm4b:s25+s4], $0x50, $0x38;
	[tilespmem:$0x1E000] =	vst v63  }
0x87: {  	_ =	swait.ge [sflag:s14], $0x50  }
0x88: {  	[sflag:s14] =	ssyncset.done $0x0  }
0x89: {  	[sflag:s14] =	ssyncadd.s32 $0xFFFFFFB0  }
0x8a: {  	[tilespmem:s17], [sflag:$0x3] =	stream.indirect.gather [hbm4b:s5+s3], $0x80, s29, s3, $0xb8;
	[tilespmem:$0x1E000] =	vst v63  }
0x8b: {  	s1 =	simm.s32 $0x80;
	_ =	swait.ge [sflag:s7], $0x50  }
0x8c: {  	s26 =	sadd.s32 $0x140, s0;
	s25 =	simm.s32 $0x28;
	[sflag:s7] =	ssyncset.done $0x0  }
0x8d: {  	s14 =	simm.s32 $0xA;
	s17 =	simm.s32 $0xB;
	[sflag:s7] =	ssyncadd.s32 $0xFFFFFFB0  }
.LBB2_2:
0x8e: {  	s13 =	simm.s32 $0x380;
	s16 =	simm.s32 $0x7C00;
	s0 =	simm.s32 $0x1  }
0x8f: {  	[spmem:s2] =	stream.indirect.scatter.add.f32 [tilespmem:s16], [sflag:$0x8], $0x80, s13, s3, $0xb8;
	[tilespmem:$0x1E000] =	vst v63  }
0x90: {  	_ =	swait.ge [sflag:s0], $0x2800  }
0x91: {  	[sflag:s0] =	ssyncset.done $0x0  }
0x92: {  	s29 =	sshrl.u32 s26, $0x3;
	s8 =	simm.s32 $0x8;
	[sflag:s0] =	ssyncadd.s32 $0xFFFFD800  }
0x93: {  	s0 =	smov.u32 s31;
	s31 =	smov.u32 s30;
	s30 =	sadd.s32 s30, s29  }
0x94: {  	[tilespmem:s4], [sflag:$0x9] =	stream.linear.gather [hbm4b:s30+s4], $0x50, $0x38;
	[tilespmem:$0x1E000] =	vst v63  }
0x95: {  	_ =	swait.ge [sflag:s8], $0x2800  }
0x96: {  	s28 =	smov.u32 s25;
	s30 =	rddreg [dreg:$0x9];
	[sflag:s8] =	ssyncset.done $0x0  }
0x97: {  	[sflag:s8] =	ssyncadd.s32 $0xFFFFD800;
	s30 =	sadd.s32 s28, s30  }
0x98: {  	[tilespmem:s13], [sflag:$0x10] =	stream.linear.gather [hbm4b:s30+s4], $0x50, $0x38;
	[tilespmem:$0x1E000] =	vst v63  }
0x99: {  	_ =	swait.ge [sflag:s15], $0x50  }
0x9a: {  	[sflag:s15] =	ssyncset.done $0x0  }
0x9b: {  	s13 =	simm.s32 $0x180;
	[sflag:s15] =	ssyncadd.s32 $0xFFFFFFB0  }
0x9c: {  	[tilespmem:s16], [sflag:$0x4] =	stream.indirect.gather [hbm4b:s5+s3], $0x80, s13, s3, $0xb8;
	[tilespmem:$0x1E000] =	vst v63  }
0x9d: {  	_ =	swait.ge [sflag:s18], $0x50  }
0x9e: {  	[sflag:s18] =	ssyncset.done $0x0  }
0x9f: {  	s11 =	simm.s32 $0x200;
	s12 =	simm.s32 $0x400;
	[sflag:s18] =	ssyncadd.s32 $0xFFFFFFB0  }
0xa0: {  	[spmem:s2] =	stream.indirect.scatter.add.f32 [tilespmem:s12], [sflag:$0x5], $0x80, s11, s3, $0xb8;
	[tilespmem:$0x1E000] =	vst v63  }
0xa1: {  	_ =	swait.ge [sflag:s19], $0x2800  }
0xa2: {  	s30 =	rddreg [dreg:$0x8];
	[sflag:s19] =	ssyncset.done $0x0  }
0xa3: {  	[sflag:s19] =	ssyncadd.s32 $0xFFFFD800;
	s30 =	sadd.s32 s28, s30  }
0xa4: {  	[tilespmem:s1], [sflag:$0xA] =	stream.linear.gather [hbm4b:s30+s4], $0x50, $0x38;
	[tilespmem:$0x1E000] =	vst v63  }
0xa5: {  	_ =	swait.ge [sflag:s20], $0x2800  }
0xa6: {  	[sflag:s20] =	ssyncset.done $0x0  }
0xa7: {  	s29 =	sadd.s32 s0, s29;
	s16 =	simm.s32 $0x9;
	[sflag:s20] =	ssyncadd.s32 $0xFFFFD800  }
0xa8: {  	[tilespmem:s11], [sflag:$0xD] =	stream.linear.gather [hbm4b:s29+s4], $0x50, $0x38;
	[tilespmem:$0x1E000] =	vst v63  }
0xa9: {  	_ =	swait.ge [sflag:s16], $0x50  }
0xaa: {  	[sflag:s16] =	ssyncset.done $0x0  }
0xab: {  	[sflag:s16] =	ssyncadd.s32 $0xFFFFFFB0  }
0xac: {  	[tilespmem:s12], [sflag:$0x1] =	stream.indirect.gather [hbm4b:s5+s3], $0x80, s4, s3, $0xb8;
	[tilespmem:$0x1E000] =	vst v63  }
0xad: {  	_ =	swait.ge [sflag:s21], $0x50  }
0xae: {  	[sflag:s21] =	ssyncset.done $0x0  }
0xaf: {  	s11 =	simm.s32 $0x280;
	s12 =	simm.s32 $0x2C00;
	[sflag:s21] =	ssyncadd.s32 $0xFFFFFFB0  }
0xb0: {  	[spmem:s2] =	stream.indirect.scatter.add.f32 [tilespmem:s12], [sflag:$0x6], $0x80, s11, s3, $0xb8;
	[tilespmem:$0x1E000] =	vst v63  }
0xb1: {  	_ =	swait.ge [sflag:s22], $0x2800  }
0xb2: {  	s29 =	rddreg [dreg:$0x6];
	[sflag:s22] =	ssyncset.done $0x0  }
0xb3: {  	s9 =	simm.s32 $0x100;
	[sflag:s22] =	ssyncadd.s32 $0xFFFFD800;
	s29 =	sadd.s32 s28, s29  }
0xb4: {  	[tilespmem:s9], [sflag:$0xB] =	stream.linear.gather [hbm4b:s29+s4], $0x50, $0x38;
	[tilespmem:$0x1E000] =	vst v63  }
0xb5: {  	_ =	swait.ge [sflag:s10], $0x2800  }
0xb6: {  	s29 =	rddreg [dreg:$0x7];
	[sflag:s10] =	ssyncset.done $0x0  }
0xb7: {  	[sflag:s10] =	ssyncadd.s32 $0xFFFFD800;
	s29 =	sadd.s32 s28, s29  }
0xb8: {  	[tilespmem:s11], [sflag:$0xE] =	stream.linear.gather [hbm4b:s29+s4], $0x50, $0x38;
	[tilespmem:$0x1E000] =	vst v63  }
0xb9: {  	_ =	swait.ge [sflag:s14], $0x50  }
0xba: {  	[sflag:s14] =	ssyncset.done $0x0  }
0xbb: {  	[sflag:s14] =	ssyncadd.s32 $0xFFFFFFB0  }
0xbc: {  	[tilespmem:s12], [sflag:$0x2] =	stream.indirect.gather [hbm4b:s5+s3], $0x80, s1, s3, $0xb8;
	[tilespmem:$0x1E000] =	vst v63  }
0xbd: {  	_ =	swait.ge [sflag:s23], $0x50  }
0xbe: {  	[sflag:s23] =	ssyncset.done $0x0  }
0xbf: {  	s11 =	simm.s32 $0x5400;
	s12 =	simm.s32 $0x300;
	[sflag:s23] =	ssyncadd.s32 $0xFFFFFFB0  }
0xc0: {  	[spmem:s2] =	stream.indirect.scatter.add.f32 [tilespmem:s11], [sflag:$0x7], $0x80, s12, s3, $0xb8;
	[tilespmem:$0x1E000] =	vst v63  }
0xc1: {  	_ =	swait.ge [sflag:s24], $0x2800  }
0xc2: {  	s29 =	rddreg [dreg:$0x4];
	[sflag:s24] =	ssyncset.done $0x0  }
0xc3: {  	[sflag:s24] =	ssyncadd.s32 $0xFFFFD800;
	s29 =	sadd.s32 s28, s29  }
0xc4: {  	[tilespmem:s13], [sflag:$0xC] =	stream.linear.gather [hbm4b:s29+s4], $0x50, $0x38;
	[tilespmem:$0x1E000] =	vst v63  }
0xc5: {  	_ =	swait.ge [sflag:s6], $0x2800  }
0xc6: {  	s29 =	rddreg [dreg:$0x5];
	[sflag:s6] =	ssyncset.done $0x0  }
0xc7: {  	[sflag:s6] =	ssyncadd.s32 $0xFFFFD800;
	s28 =	sadd.s32 s28, s29  }
0xc8: {  	[tilespmem:s12], [sflag:$0xF] =	stream.linear.gather [hbm4b:s28+s4], $0x50, $0x38;
	[tilespmem:$0x1E000] =	vst v63  }
0xc9: {  	p0 =	sne.s32 s25, $0x488;
	s25 =	sadd.s32 $0x28, s25;
	_ =	swait.ge [sflag:s17], $0x50  }
0xca: {  	s26 =	sadd.s32 $0x140, s26;
	s8 =	simm.s32 $0x2C00;
	[sflag:s17] =	ssyncset.done $0x0  }
.Ltmp0:
0xcb: {  	s29 =	simm.s32 $0x100;
	[sflag:s17] =	ssyncadd.s32 $0xFFFFFFB0;
	(pc) =	sbr.rel @p0 .LBB2_2-.Ltmp0, $4  }
0xcc: {  	[tilespmem:s11], [sflag:$0x3] =	stream.indirect.gather [hbm4b:s5+s3], $0x80, s29, s3, $0xb8;
	[tilespmem:$0x1E000] =	vst v63  }
0xcd: {  	s30 =	smov.u32 s31;
	s31 =	smov.u32 s0;
	_ =	swait.ge [sflag:s7], $0x50  }
0xce: {  	s16 =	simm.s32 $0x280;
	s9 =	simm.s32 $0x180;
	[sflag:s7] =	ssyncset.done $0x0  }
0xcf: {  	s13 =	simm.s32 $0x300;
	s12 =	simm.s32 $0x5400;
	[sflag:s7] =	ssyncadd.s32 $0xFFFFFFB0  }
0xd0: {  	s25 =	simm.s32 $0x380;
	s26 =	simm.s32 $0x7C00;
	s11 =	simm.s32 $0x1  }
0xd1: {  	[spmem:s2] =	stream.indirect.scatter.add.f32 [tilespmem:s26], [sflag:$0x8], $0x80, s25, s3, $0xb8;
	[tilespmem:$0x1E000] =	vst v63  }
0xd2: {  	_ =	swait.ge [sflag:s11], $0x2800  }
0xd3: {  	[sflag:s11] =	ssyncset.done $0x0  }
0xd4: {  	s14 =	simm.s32 $0x8;
	s0 =	rddreg [dreg:$0x14];
	[sflag:s11] =	ssyncadd.s32 $0xFFFFD800  }
0xd5: {  	[tilespmem:s4], [sflag:$0x9] =	stream.linear.gather [hbm4b:s0+s4], $0x50, $0x38;
	[tilespmem:$0x1E000] =	vst v63  }
0xd6: {  	_ =	swait.ge [sflag:s14], $0x2800  }
0xd7: {  	[sflag:s14] =	ssyncset.done $0x0  }
0xd8: {  	s1 =	rddreg [dreg:$0x15];
	[sflag:s14] =	ssyncadd.s32 $0xFFFFD800  }
0xd9: {  	[tilespmem:s25], [sflag:$0x10] =	stream.linear.gather [hbm4b:s1+s4], $0x50, $0x38;
	[tilespmem:$0x1E000] =	vst v63  }
0xda: {  	_ =	swait.ge [sflag:s15], $0x50  }
0xdb: {  	[sflag:s15] =	ssyncset.done $0x0  }
0xdc: {  	[sflag:s15] =	ssyncadd.s32 $0xFFFFFFB0  }
0xdd: {  	[tilespmem:s26], [sflag:$0x4] =	stream.indirect.gather [hbm4b:s5+s3], $0x80, s9, s3, $0xb8;
	[tilespmem:$0x1E000] =	vst v63  }
0xde: {  	_ =	swait.ge [sflag:s18], $0x50  }
0xdf: {  	[sflag:s18] =	ssyncset.done $0x0  }
0xe0: {  	s1 =	simm.s32 $0x200;
	s9 =	simm.s32 $0x400;
	[sflag:s18] =	ssyncadd.s32 $0xFFFFFFB0  }
0xe1: {  	[spmem:s2] =	stream.indirect.scatter.add.f32 [tilespmem:s9], [sflag:$0x5], $0x80, s1, s3, $0xb8;
	[tilespmem:$0x1E000] =	vst v63  }
0xe2: {  	_ =	swait.ge [sflag:s19], $0x2800  }
0xe3: {  	[sflag:s19] =	ssyncset.done $0x0  }
0xe4: {  	[sflag:s19] =	ssyncadd.s32 $0xFFFFD800  }
0xe5: {  	_ =	swait.ge [sflag:s20], $0x2800  }
0xe6: {  	[sflag:s20] =	ssyncset.done $0x0  }
0xe7: {  	s17 =	rddreg [dreg:$0x16];
	[sflag:s20] =	ssyncadd.s32 $0xFFFFD800  }
0xe8: {  	[tilespmem:s1], [sflag:$0xD] =	stream.linear.gather [hbm4b:s17+s4], $0x50, $0x38;
	[tilespmem:$0x1E000] =	vst v63  }
0xe9: {  	s17 =	simm.s32 $0x9  }
0xea: {  	_ =	swait.ge [sflag:s17], $0x50  }
0xeb: {  	[sflag:s17] =	ssyncset.done $0x0  }
0xec: {  	[sflag:s17] =	ssyncadd.s32 $0xFFFFFFB0  }
0xed: {  	[tilespmem:s9], [sflag:$0x1] =	stream.indirect.gather [hbm4b:s5+s3], $0x80, s4, s3, $0xb8;
	[tilespmem:$0x1E000] =	vst v63  }
0xee: {  	_ =	swait.ge [sflag:s21], $0x50  }
0xef: {  	[sflag:s21] =	ssyncset.done $0x0  }
0xf0: {  	[sflag:s21] =	ssyncadd.s32 $0xFFFFFFB0  }
0xf1: {  	[spmem:s2] =	stream.indirect.scatter.add.f32 [tilespmem:s8], [sflag:$0x6], $0x80, s16, s3, $0xb8;
	[tilespmem:$0x1E000] =	vst v63  }
0xf2: {  	_ =	swait.ge [sflag:s22], $0x2800  }
0xf3: {  	[sflag:s22] =	ssyncset.done $0x0  }
0xf4: {  	[sflag:s22] =	ssyncadd.s32 $0xFFFFD800  }
0xf5: {  	_ =	swait.ge [sflag:s10], $0x2800  }
0xf6: {  	[sflag:s10] =	ssyncset.done $0x0  }
0xf7: {  	[sflag:s10] =	ssyncadd.s32 $0xFFFFD800  }
0xf8: {  	_ =	swait.ge [sflag:s23], $0x50  }
0xf9: {  	[sflag:s23] =	ssyncset.done $0x0  }
0xfa: {  	[sflag:s23] =	ssyncadd.s32 $0xFFFFFFB0  }
0xfb: {  	[spmem:s2] =	stream.indirect.scatter.add.f32 [tilespmem:s12], [sflag:$0x7], $0x80, s13, s3, $0xb8;
	[tilespmem:$0x1E000] =	vst v63  }
0xfc: {  	_ =	swait.ge [sflag:s24], $0x2800  }
0xfd: {  	[sflag:s24] =	ssyncset.done $0x0  }
0xfe: {  	[sflag:s24] =	ssyncadd.s32 $0xFFFFD800  }
0xff: {  	_ =	swait.ge [sflag:s6], $0x2800  }
0x100: {  	[sflag:s6] =	ssyncset.done $0x0  }
0x101: {  	[sflag:s6] =	ssyncadd.s32 $0xFFFFD800  }
0x102: {  	_ =	swait.ge [sflag:s7], $0x50  }
0x103: {  	[sflag:s7] =	ssyncset.done $0x0  }
0x104: {  	[sflag:s7] =	ssyncadd.s32 $0xFFFFFFB0  }
0x105: {  	[spmem:s2] =	stream.indirect.scatter.add.f32 [tilespmem:s26], [sflag:$0x8], $0x80, s25, s3, $0xb8;
	[tilespmem:$0x1E000] =	vst v63  }
0x106: {  	_ =	swait.ge [sflag:s11], $0x2800  }
0x107: {  	[sflag:s11] =	ssyncset.done $0x0  }
0x108: {  	[sflag:s11] =	ssyncadd.s32 $0xFFFFD800  }
0x109: {  	_ =	swait.ge [sflag:s14], $0x2800  }
0x10a: {  	[sflag:s14] =	ssyncset.done $0x0  }
0x10b: {  	[sflag:s14] =	ssyncadd.s32 $0xFFFFD800  }
0x10c: {  	_ =	swait.ge [sflag:s18], $0x50  }
0x10d: {  	[sflag:s18] =	ssyncset.done $0x0  }
0x10e: {  	[sflag:s18] =	ssyncadd.s32 $0xFFFFFFB0  }
0x10f: {  	[spmem:s2] =	stream.indirect.scatter.add.f32 [tilespmem:s9], [sflag:$0x5], $0x80, s1, s3, $0xb8;
	[tilespmem:$0x1E000] =	vst v63  }
0x110: {  	_ =	swait.ge [sflag:s20], $0x2800  }
0x111: {  	[sflag:s20] =	ssyncset.done $0x0  }
0x112: {  	[sflag:s20] =	ssyncadd.s32 $0xFFFFD800  }
0x113: {  	[bflag:$0x0] =	sbarrier.arrive $0xFFFF  }
0x114: {  	s26 =	rddreg [dreg:$0xc]  }
0x115: {  	s14 =	rddreg [dreg:$0x17]  }
0x116: {  	s28 =	simm.s32 $0x11;
	s16 =	rddreg [dreg:$0x1b]  }
0x117: {  	[hbm:s14], [sflag:s26] =	dma.local [spmem:s16], $0x2780  }
0x118: {  	_ =	swait.ge [sflag:s28], $0x2780  }
0x119: {  	s17 =	rddreg [dreg:$0x1a]  }
0x11a: {  	s25 =	rddreg [dreg:$0x18];
	s8 =	sadd.s32 $0x1, s17  }
0x11b: {  	p0 =	sne.s32 s8, s25  }
.Ltmp1:
0x11c: {  	_ = 	snop;
	(pc) =	sbr.rel @p0 .LBB2_1-.Ltmp1, $3  }
0x11d: {  	_ =	sdelay $0x1  }
0x11e: {  	s12 =	simm.s32 $0xA;
	[sflag:s28] =	ssyncset.done $0x0  }
0x11f: {  	s1 =	simm.s32 $0x80;
	s14 =	simm.s32 $0xB;
	[sflag:s28] =	ssyncadd.s32 $0xFFFFD880  }
0x120: {  	_ =	sfence.sel $0x180000  }
0x121: {  	[bflag:$0x0] =	sbarrier.arrive $0xFFFF  }
0x122: {  	_ =	strace $0x9000004A  }
0x123: {  	s0 =	stileid.u32;
	[bflag:$0x2] =	sbarrier.arrive $0xFFFF  }
0x124: {  	p0 =	sne.s32 s0, $0x0;
	s0 =	rddreg [dreg:$0x3]  }
0x125: {  	s0 =	sadd.s32 @!p0 $0x100000, s0  }
0x126: {  	[sflag:s0] =	ssyncadd.tile.s32 @!p0 $0x1;
	_ =	shalt  }
.Lfunc_end2:
_tile_overlayer_lowered:
.L_overlay_start_2:
0x127: {  	(tag) =	ssettag $0x2  }
0x128: {  	s0 =	rddreg [dreg:$0x0];
	s2 =	stileid.u32  }
0x129: {  	s1 =	rddreg [dreg:$0x1];
	p0 =	sne.s32 s2, $0x0  }
0x12a: {  	s3 =	rddreg [dreg:$0x2];
	[bflag:$0x3] =	sbarrier.arrive $0xFFFF;
	s2 =	simm.s32 @!p0 $0x1C11  }
0x12b: {  	[timem:s3], [sflag:s2] =	dma.local @!p0 [hbm:s0], s1  }
0x12c: {  	s0 =	simm.s32 @!p0 $0x11  }
0x12d: {  	_ =	swait.ge @!p0 [sflag:s0], s1  }
0x12e: {  	s1 =	ssub.s32 @!p0 $0x0, s1;
	[sflag:s0] =	ssyncset.done @!p0 $0x0  }
0x12f: {  	[sflag:s0] =	ssyncadd.s32 @!p0 s1  }
0x130: {  	[bflag:$0x3] =	sbarrier.arrive $0xFFFF  }
0x131: {  	_ =	shalt  }

// kernel: kernel.14.cloned.1.call-start
scs
__scs_entry_jumppad:
0x0: {  	(pc) =	sbr.rel $0x88, $3  }
0x1: {  	(tag) =	ssettag $0x0;
	lr =	simm.s32 $0x1  }
0x2: {  	[smem:$0x3F9B] =	sst lr;
	_ =	strace $0xD0000000  }
0x3: {  	_ = 	snop  }
0x4: {  	_ = 	snop  }
0x5: {  	_ = 	snop  }
0x6: {  	_ = 	snop  }
0x7: {  	_ = 	snop  }
__scs_overlays_trampoline_lowered:
0x8: {  	[smem:$0x3FAA] =	sst s0  }
0x9: {  	[smem:$0x3FAB] =	sst s1  }
0xa: {  	[smem:$0x3FAC] =	sst s2  }
0xb: {  	[smem:$0x3FAD] =	sst s3  }
0xc: {  	[smem:$0x3FAE] =	sst s4  }
0xd: {  	[smem:$0x3FAF] =	sst s5  }
0xe: {  	[smem:$0x3FB0] =	sst s6  }
0xf: {  	[smem:$0x3FB1] =	sst s7  }
0x10: {  	[smem:$0x3FB2] =	sst s8  }
0x11: {  	[smem:$0x3FB3] =	sst s9;
	s0 =	simm.s32 @!p0 $0x0  }
0x12: {  	s1 =	sld [smem:$0x3F99];
	s0 =	simm.s32 @p0 $0x1  }
0x13: {  	[smem:$0x3FB4] =	sst s0;
	s0 =	simm.s32 @!p1 $0x0  }
0x14: {  	s2 =	sld [smem:$0x3F98];
	s0 =	simm.s32 @p1 $0x1  }
0x15: {  	[smem:$0x3FB5] =	sst s0;
	s0 =	simm.s32 @!p2 $0x0  }
0x16: {  	s3 =	sld [smem:$0x3FDB];
	s0 =	simm.s32 @p2 $0x1  }
0x17: {  	s4 =	simm.s32 $0x1BF5;
	[smem:$0x3FB7] =	sst s0  }
0x18: {  	s0 =	sld [smem:$0x3F9A];
	_ =	swait.ge [sflag:s4], $0x0  }
0x19: {  	s7 =	sld [smem:$0x3F9B]  }
0x1a: {  	s8 =	sadd.s32 $0xFFFFE003, lr  }
0x1b: {  	s9 =	sadd.s32 $0xFFFFFEF7, lr;
	s5 =	simm.s32 $0xFFFFFFFF;
	p2 =	slt.u32 s8, $0xFFFFF086  }
0x1c: {  	p1 =	slt.u32 s9, $0xF7A;
	s5 =	simm.s32 @!p2 $0x0  }
0x1d: {  	s5 =	simm.s32 @p1 $0x1;
	p0 =	seq.s32 s7, s2  }
0x1e: {  	s7 =	smul.u32 @!p0 $0xF7A, s2;
	p2 =	seq.s32 @!p0 s5, $0x0  }
0x1f: {  	s9 =	smul.u32 $0xF7A, s1;
	s8 =	simm.s32 @!p0 $0x1BF5;
	p2 =	por !p2, p0  }
0x20: {  	[sflag:s8] =	ssyncset.s32 @!p0 $0xFFFFF086;
	s6 =	sadd.s32 @!p0 s3, s7;
	s7 =	simm.s32 @!p0 $0x108  }
0x21: {  	s3 =	sadd.s32 s3, s9;
	s6 =	sadd.s32 @!p0 $0x88, s6;
	s7 =	simm.s32 @p2 $0x1082  }
0x22: {  	[simem:s7], [sflag:s8] =	dma.local @!p0 [hbm:s6], $0xF7A  }
0x23: {  	s9 =	sor.u32 $0xD0000000, s2;
	s6 =	simm.s32 $0x108;
	_ =	swait.ge @!p0 [sflag:s8], $0x0  }
0x24: {  	s3 =	sadd.s32 $0x88, s3;
	s6 =	simm.s32 @!p1 $0x1082;
	[sflag:s4] =	ssyncset.s32 $0xFFFFF086  }
0x25: {  	[simem:s6], [sflag:s4] =	dma.local [hbm:s3], $0xF7A  }
0x26: {  	[smem:$0x3F9B] =	sst s1;
	(tag) =	ssettag s2;
	_ =	strace s9  }
0x27: {  	s1 =	sld [smem:$0x3FAB]  }
0x28: {  	s2 =	sld [smem:$0x3FAC]  }
0x29: {  	s4 =	sld [smem:$0x3FAE]  }
0x2a: {  	p0 =	seq.s32 s5, $0x0;
	s5 =	sld [smem:$0x3FAF]  }
0x2b: {  	s6 =	sld [smem:$0x3FB0]  }
0x2c: {  	s7 =	sld [smem:$0x3FB1]  }
0x2d: {  	s3 =	simm.s32 $0x108;
	s8 =	sld [smem:$0x3FB2]  }
0x2e: {  	s3 =	simm.s32 @!p0 $0x1082;
	s9 =	sld [smem:$0x3FB3]  }
0x2f: {  	lr =	sadd.s32 s0, s3;
	s0 =	sld [smem:$0x3FAA]  }
0x30: {  	s3 =	sld [smem:$0x3FAD]  }
0x31: {  	[smem:$0x3FB6] =	sst s10  }
0x32: {  	s10 =	sld [smem:$0x3FB4];
	_ =	sdelay $0x3  }
0x33: {  	p0 =	seq.s32 s10, $0x1;
	s10 =	sld [smem:$0x3FB6];
	_ =	sdelay $0x3  }
0x34: {  	[smem:$0x3FB6] =	sst s10  }
0x35: {  	s10 =	sld [smem:$0x3FB5];
	_ =	sdelay $0x3  }
0x36: {  	p1 =	seq.s32 s10, $0x1;
	s10 =	sld [smem:$0x3FB6];
	_ =	sdelay $0x3  }
0x37: {  	[smem:$0x3FB6] =	sst s10  }
0x38: {  	s10 =	sld [smem:$0x3FB7]  }
0x39: {  	_ = 	snop;
	(pc) =	sbr.ind lr, $3  }
0x3a: {  	_ = 	snop  }
0x3b: {  	_ = 	snop  }
0x3c: {  	p2 =	seq.s32 s10, $0x1;
	s10 =	sld [smem:$0x3FB6]  }
0x3d: {  	_ =	shalt  }
0x3e: {  	_ =	shalt  }
0x3f: {  	_ =	shalt  }
0x40: {  	_ =	shalt  }
0x41: {  	_ =	shalt  }
0x42: {  	_ =	shalt  }
0x43: {  	_ =	shalt  }
0x44: {  	_ =	shalt  }
0x45: {  	_ =	shalt  }
0x46: {  	_ =	shalt  }
0x47: {  	_ =	shalt  }
0x48: {  	_ =	shalt  }
0x49: {  	_ =	shalt  }
0x4a: {  	_ =	shalt  }
0x4b: {  	_ =	shalt  }
0x4c: {  	_ =	shalt  }
0x4d: {  	_ =	shalt  }
0x4e: {  	_ =	shalt  }
0x4f: {  	_ =	shalt  }
0x50: {  	_ =	shalt  }
0x51: {  	_ =	shalt  }
0x52: {  	_ =	shalt  }
0x53: {  	_ =	shalt  }
0x54: {  	_ =	shalt  }
0x55: {  	_ =	shalt  }
0x56: {  	_ =	shalt  }
0x57: {  	_ =	shalt  }
0x58: {  	_ =	shalt  }
0x59: {  	_ =	shalt  }
0x5a: {  	_ =	shalt  }
0x5b: {  	_ =	shalt  }
0x5c: {  	_ =	shalt  }
0x5d: {  	_ =	shalt  }
0x5e: {  	_ =	shalt  }
0x5f: {  	_ =	shalt  }
0x60: {  	_ =	shalt  }
0x61: {  	_ =	shalt  }
0x62: {  	_ =	shalt  }
0x63: {  	_ =	shalt  }
0x64: {  	_ =	shalt  }
0x65: {  	_ =	shalt  }
0x66: {  	_ =	shalt  }
0x67: {  	_ =	shalt  }
0x68: {  	_ =	shalt  }
0x69: {  	_ =	shalt  }
0x6a: {  	_ =	shalt  }
0x6b: {  	_ =	shalt  }
0x6c: {  	_ =	shalt  }
0x6d: {  	_ =	shalt  }
0x6e: {  	_ =	shalt  }
0x6f: {  	_ =	shalt  }
0x70: {  	_ =	shalt  }
0x71: {  	_ =	shalt  }
0x72: {  	_ =	shalt  }
0x73: {  	_ =	shalt  }
0x74: {  	_ =	shalt  }
0x75: {  	_ =	shalt  }
0x76: {  	_ =	shalt  }
0x77: {  	_ =	shalt  }
0x78: {  	_ =	shalt  }
0x79: {  	_ =	shalt  }
0x7a: {  	_ =	shalt  }
0x7b: {  	_ =	shalt  }
0x7c: {  	_ =	shalt  }
0x7d: {  	_ =	shalt  }
0x7e: {  	_ =	shalt  }
0x7f: {  	_ =	shalt  }
0x80: {  	_ =	shalt  }
0x81: {  	_ =	shalt  }
0x82: {  	_ =	shalt  }
0x83: {  	_ =	shalt  }
0x84: {  	_ =	shalt  }
0x85: {  	_ =	shalt  }
0x86: {  	_ =	shalt  }
0x87: {  	_ =	shalt  }
.Lfunc_end0:
.L_simem_size_0:
called_computation.2_lowered:
.L_overlay_start_0:
0x88: {  	s2 =	sld [smem:$0x3FD9]  }
0x89: {  	s3 =	sld [smem:$0x3FFE];
	_ =	sdelay $0x1  }
0x8a: {  	s1 =	srdreg.scid  }
0x8b: {  	s0 =	sand.u32 $0x1, s1  }
0x8c: {  	s17 =	sshll.u32 s0, $0xA;
	s2 =	sadd.s32 s3, s2  }
0x8d: {  	s2 =	sadd.s32 s2, s17  }
0x8e: {  	[smem:$0x3FC2] =	sst s2  }
0x8f: {  	_ = 	snop  }
0x90: {  	s2 =	sld [smem:$0x3FD0];
	(tm) =	ssettm $0x1  }
0x91: {  	s18 =	sld [smem:$0x3FFB];
	_ =	sdelay $0x3  }
0x92: {  	_ =	strace s18  }
0x93: {  	s3 =	sld [smem:$0x3FFC];
	_ =	sdelay $0x3  }
0x94: {  	_ =	strace s3  }
0x95: {  	s3 =	sld [smem:$0x3FFD];
	_ =	sdelay $0x3  }
0x96: {  	_ =	strace s3  }
0x97: {  	_ =	strace $0x8FFFFFFF  }
0x98: {  	s19 =	sld [smem:$0x3FDB];
	_ =	sdelay $0x1  }
0x99: {  	s4 =	simm.s32 $_scs_section_size  }
0x9a: {  	s5 =	simm.s32 $_size__tile_overlayer_lowered;
	s6 =	simm.s32 $_tile_overlayer_lowered  }
0x9b: {  	s22 =	simm.s32 $0x1BFF;
	s21 =	sshll.u32 s6, $0x1;
	s3 =	sadd.s32 s4, s19  }
0x9c: {  	s7 =	simm.s32 $0x0;
	s20 =	sshll.u32 s5, $0x1;
	s5 =	sadd.s32 s21, s3  }
0x9d: {  	[timem:s7], [sflag:s22] =	dma.local [hbm:s5], s20  }
0x9e: {  	_ =	swait.ge [sflag:s22], s20  }
0x9f: {  	s4 =	ssub.s32 $0x0, s20;
	[sflag:s22] =	ssyncset.done $0x0  }
0xa0: {  	[sflag:s22] =	ssyncadd.s32 s4;
	_ =	sdelay $0x1  }
0xa1: {  	s23 =	simm.s32 $0x1B8B  }
0xa2: {  	_ =	swait.ge [sflag:s23], $0x1  }
0xa3: {  	[sflag:s23] =	ssyncset.done $0x0  }
0xa4: {  	s25 =	simm.s32 $0x1B8E;
	s24 =	sld [smem:$0x3FFE];
	[sflag:s23] =	ssyncadd.s32 $0xFFFFFFFF  }
0xa5: {  	s26 =	simm.s32 $execute0_lowered;
	[smem:$0x3FD2] =	sst s25  }
0xa6: {  	s5 =	sshll.u32 s26, $0x1;
	_ =	strace $0x8000004C;
	[dreg:$0x1] =	wrdreg $0xFFFFFFFF  }
0xa7: {  	s28 =	simm.s32 $_size_execute0_lowered;
	s3 =	sadd.s32 s3, s5;
	[dreg:$0x0] =	wrdreg $0x0  }
0xa8: {  	s5 =	sshll.u32 s28, $0x1;
	[dreg:$0x2] =	wrdreg s3  }
0xa9: {  	[dreg:$0x3] =	wrdreg s5  }
0xaa: {  	[dreg:$0x4] =	wrdreg $0xC0  }
0xab: {  	_ =	task [dreg:s7], $0x5FFFF  }
0xac: {  	[dreg:$0x1] =	wrdreg $0xFFFFFFFF  }
0xad: {  	[dreg:$0x0] =	wrdreg $0x60  }
0xae: {  	[dreg:$0x2] =	wrdreg s2  }
0xaf: {  	[dreg:$0x3] =	wrdreg s24  }
0xb0: {  	[dreg:$0x4] =	wrdreg $0x5DC00  }
0xb1: {  	[dreg:$0x5] =	wrdreg $0x9  }
0xb2: {  	_ =	task.clear_ibuf [dreg:s7], $0x6FFFF;
	_ =	strace $0x9000004C  }
0xb3: {  	s29 =	simm.s32 $0x9;
	_ =	strace $0x8000004E  }
0xb4: {  	_ =	swait.ge [sflag:s29], $0x1  }
0xb5: {  	[sflag:s29] =	ssyncadd.s32 $0xFFFFFFFF  }
0xb6: {  	_ =	strace $0x9000004E  }
0xb7: {  	_ =	sfence  }
0xb8: {  	s30 =	sld [smem:$0x0];
	_ =	sdelay $0x2  }
0xb9: {  	s31 =	sshll.u32 s1, $0xD;
	s1 =	sshrl.u32 s1, $0x2  }
0xba: {  	s3 =	sand.u32 $0x4000, s31;
	s1 =	sadd.s32 s1, s30  }
0xbb: {  	s0 =	sor.u32 s3, s0;
	s1 =	sshll.u32 s1, $0x11  }
0xbc: {  	s0 =	sor.u32 s1, s0  }
0xbd: {  	s0 =	sadd.s32 $0x8F2B, s0  }
0xbe: {  	[sflag:s0] =	ssyncadd.remote.s32 $0x1  }
0xbf: {  	_ =	sfence.sel $0xFFFF  }
0xc0: {  	[dreg:$0x0] =	wrdreg $0xFFFFFFFF;
	(pc) =	sbr.abs _section_cstart, $3  }
0xc1: {  	[dreg:$0x1] =	wrdreg $0xFFFFFFFF  }
0xc2: {  	_ =	task.clear_ibuf [dreg:s7], $0x2FFFF;
	_ =	strace $0x9FFFFFFF  }
0xc3: {  	(tm) =	ssettm $0x7FFFFFFF  }
tec
execute0_lowered:
.L_overlay_start_1:
0x0: {  	(tag) =	ssettag $0x1  }
0x1: {  	s1 =	rddreg [dreg:$0x0]  }
0x2: {  	s0 =	rddreg [dreg:$0x1]  }
0x3: {  	s3 =	rddreg [dreg:$0x2]  }
0x4: {  	s4 =	simm.s32 $0x0;
	s2 =	srdreg.scid;
	s9 =	stileid.u32  }
0x5: {  	s28 =	simm.s32 $0xB;
	s30 =	simm.s32 $0x18;
	[smem:$0x7FF] =	sst s4  }
0x6: {  	s5 =	sand.u32 $0x1, s2;
	s6 =	smul.u32 $0x7680, s9;
	s29 =	sadd.s32 $0x2000, s0  }
0x7: {  	s31 =	sadd.s32 $0xBE00, s0;
	s7 =	sadd.s32 $0x16400, s0;
	s13 =	sadd.s32 $0x16600, s0  }
0x8: {  	s16 =	sshll.u32 s9, $0x6;
	_ =	strace $0x8000004D;
	[dreg:$0xe] =	wrdreg s7  }
0x9: {  	s2 =	smul.u32 $0x76800, s5;
	[dreg:$0xf] =	wrdreg s13;
	s14 =	sshll.u32 s5, $0x4  }
0xa: {  	s8 =	ssub.s32 $0x2, s5;
	s24 =	sor.u32 $0x1C19, s16;
	s5 =	smul.u32 $0x27100, s5  }
0xb: {  	s7 =	sor.u32 s9, s14;
	s9 =	smul.u32 $0x2710, s9;
	[dreg:$0x11] =	wrdreg s24  }
0xc: {  	s2 =	sadd.s32 s6, s2;
	s7 =	smul.u32 $0x2710, s7;
	s6 =	sadd.s32 s6, s3  }
0xd: {  	s15 =	sshrl.u32 s8, $0x1;
	s2 =	sshrl.u32 s2, $0x3;
	[dreg:$0x10] =	wrdreg s6  }
0xe: {  	s5 =	sadd.s32 s9, s5;
	s0 =	sadd.s32 s2, s0;
	s6 =	sshrl.u32 s7, $0x3  }
0xf: {  	s2 =	ssub.s32 s8, s15;
	s7 =	sadd.s32 $0xA, s6;
	s0 =	sadd.s32 $0x17600, s0  }
0x10: {  	s17 =	sadd.s32 $0x14, s6;
	s10 =	sadd.s32 s29, s7;
	[smem:$0x7F7] =	sst s0  }
0x11: {  	s19 =	sadd.s32 $0x1E, s6;
	s18 =	sadd.s32 s29, s17;
	[dreg:$0x12] =	wrdreg s10  }
0x12: {  	s21 =	sadd.s32 $0x370, s5;
	s11 =	sadd.s32 s29, s19;
	[dreg:$0x13] =	wrdreg s18  }
0x13: {  	s26 =	sadd.s32 $0x2D0, s5;
	s7 =	sadd.s32 s31, s7;
	[dreg:$0x14] =	wrdreg s11  }
0x14: {  	s12 =	sadd.s32 $0x280, s5;
	s8 =	sadd.s32 s31, s17;
	[dreg:$0x16] =	wrdreg s7  }
0x15: {  	s9 =	sshrl.u32 s26, $0x3;
	s23 =	sadd.s32 s31, s19;
	[dreg:$0x17] =	wrdreg s8  }
0x16: {  	s14 =	sshrl.u32 s12, $0x3;
	s13 =	sadd.s32 s9, s29;
	[dreg:$0x18] =	wrdreg s23  }
0x17: {  	s22 =	sadd.s32 $0x320, s5;
	s15 =	sadd.s32 s14, s31;
	[dreg:$0x8] =	wrdreg s13  }
0x18: {  	s16 =	sadd.s32 $0x230, s5;
	s17 =	sadd.s32 s14, s29;
	[dreg:$0x9] =	wrdreg s15  }
0x19: {  	s11 =	sadd.s32 $0x28, s6;
	s10 =	sadd.s32 s9, s31;
	[dreg:$0xa] =	wrdreg s17  }
0x1a: {  	s7 =	sshrl.u32 s21, $0x3;
	s17 =	sadd.s32 s29, s6;
	[dreg:$0x7] =	wrdreg s10  }
0x1b: {  	s8 =	sshrl.u32 s22, $0x3;
	s20 =	sadd.s32 s29, s11;
	[smem:$0x7FA] =	sst s17  }
0x1c: {  	s18 =	sshrl.u32 s16, $0x3;
	s7 =	sadd.s32 s7, s29;
	[dreg:$0x15] =	wrdreg s20  }
0x1d: {  	s23 =	sadd.s32 $0x4B0, s6;
	s25 =	sadd.s32 s8, s31;
	[dreg:$0x4] =	wrdreg s7  }
0x1e: {  	s13 =	sadd.s32 $0x4C4, s6;
	s8 =	sadd.s32 s8, s29;
	[dreg:$0x5] =	wrdreg s25  }
0x1f: {  	s19 =	sadd.s32 s18, s31;
	s21 =	sadd.s32 s18, s29;
	[dreg:$0x6] =	wrdreg s8  }
0x20: {  	s26 =	sadd.s32 s31, s11;
	s10 =	sadd.s32 s29, s23;
	[dreg:$0xb] =	wrdreg s19  }
0x21: {  	s11 =	sadd.s32 $0x4BA, s6;
	s12 =	sadd.s32 s31, s23;
	[dreg:$0xc] =	wrdreg s21  }
0x22: {  	s15 =	sadd.s32 s29, s13;
	s16 =	sadd.s32 s31, s13;
	[dreg:$0x19] =	wrdreg s26  }
0x23: {  	s18 =	sadd.s32 $0x4CE, s6;
	s23 =	sadd.s32 $0x1E0, s5;
	[dreg:$0x1a] =	wrdreg s10  }
0x24: {  	s13 =	simm.s32 $0x14;
	s20 =	sadd.s32 $0x190, s5;
	[dreg:$0x1b] =	wrdreg s12  }
0x25: {  	s14 =	sadd.s32 s29, s11;
	s7 =	sadd.s32 s31, s11;
	[dreg:$0x1e] =	wrdreg s15  }
0x26: {  	[dreg:$0x1f] =	wrdreg s16;
	s19 =	sadd.s32 s31, s6;
	s6 =	sadd.s32 $0x4D8, s6  }
0x27: {  	[smem:$0x7F9] =	sst s23;
	s12 =	simm.s32 $0x50;
	s5 =	simm.s32 $0x2  }
0x28: {  	s15 =	simm.s32 $0x8;
	s16 =	simm.s32 $0x15;
	[dreg:$0x1c] =	wrdreg s14  }
0x29: {  	s23 =	simm.s32 $0x6;
	s22 =	sshrl.u32 s20, $0x3;
	[dreg:$0x1d] =	wrdreg s7  }
0x2a: {  	s20 =	sadd.s32 s29, s18;
	s7 =	sadd.s32 s31, s18;
	[smem:$0x7FC] =	sst s19  }
0x2b: {  	s21 =	sadd.s32 s29, s6;
	s6 =	sadd.s32 s31, s6;
	[smem:$0x7F3] =	sst s20  }
0x2c: {  	s26 =	sadd.s32 $0x4A6, s19;
	s14 =	simm.s32 $0x3;
	[smem:$0x7F4] =	sst s7  }
0x2d: {  	s18 =	simm.s32 $0x9;
	s19 =	simm.s32 $0x16;
	[smem:$0x7F5] =	sst s21  }
0x2e: {  	s25 =	sadd.s32 s22, s31;
	[smem:$0x7F6] =	sst s6;
	s22 =	smax.u32 s2, $0x1  }
0x2f: {  	[smem:$0x7FD] =	sst s26;
	s2 =	simm.s32 $0x19;
	s6 =	simm.s32 $0x7  }
0x30: {  	s20 =	simm.s32 $0x5;
	s21 =	simm.s32 $0xA;
	[dreg:$0xd] =	wrdreg s25  }
0x31: {  	s7 =	simm.s32 $0x0;
	[smem:$0x7F8] =	sst s22;
	s25 =	sadd.s32 $0x32, s17  }
0x32: {  	s17 =	simm.s32 $0x4;
	s22 =	simm.s32 $0x17;
	[smem:$0x7FB] =	sst s25  }
.LBB2_1:
0x33: {  	[smem:$0x7F1] =	sst s7  }
0x34: {  	s0 =	rddreg [dreg:$0x10]  }
0x35: {  	s8 =	rddreg [dreg:$0xf];
	s0 =	sshrl.u32 s0, $0x3  }
0x36: {  	[smem:$0x7F2] =	sst s0  }
0x37: {  	[spmem:s0], [sflag:s24] =	dma.local [hbm:s8], $0xED0  }
0x38: {  	_ =	swait.ge [sflag:s2], $0xED0  }
0x39: {  	[sflag:s2] =	ssyncset.done $0x0  }
0x3a: {  	[sflag:s2] =	ssyncadd.s32 $0xFFFFF130  }
0x3b: {  	[bflag:$0x0] =	sbarrier.arrive $0xFFFF  }
0x3c: {  	s9 =	sld [smem:$0x7FA];
	_ =	sdelay $0x1  }
0x3d: {  	s10 =	rddreg [dreg:$0x12]  }
0x3e: {  	[tilespmem:s4], [sflag:$0xD] =	stream.linear.gather [hbm4b:s9+s4], $0x50, $0x38;
	[tilespmem:$0xD440] =	vst v63  }
0x3f: {  	s11 =	rddreg [dreg:$0x13]  }
0x40: {  	[tilespmem:s12], [sflag:$0xE] =	stream.linear.gather [hbm4b:s10+s4], $0x50, $0x38;
	[tilespmem:$0xD440] =	vst v63  }
0x41: {  	s24 =	simm.s32 $0xA0;
	s25 =	rddreg [dreg:$0x14]  }
0x42: {  	[tilespmem:s24], [sflag:$0xF] =	stream.linear.gather [hbm4b:s11+s4], $0x50, $0x38;
	[tilespmem:$0xD440] =	vst v63  }
0x43: {  	s26 =	simm.s32 $0xF0;
	s7 =	rddreg [dreg:$0x15]  }
0x44: {  	[tilespmem:s26], [sflag:$0x10] =	stream.linear.gather [hbm4b:s25+s4], $0x50, $0x38;
	[tilespmem:$0xD440] =	vst v63  }
0x45: {  	s8 =	simm.s32 $0x140;
	s9 =	sld [smem:$0x7FB]  }
0x46: {  	[tilespmem:s8], [sflag:$0x11] =	stream.linear.gather [hbm4b:s7+s4], $0x50, $0x38;
	[tilespmem:$0xD440] =	vst v63  }
0x47: {  	s10 =	simm.s32 $0x190;
	s24 =	sld [smem:$0x7FC]  }
0x48: {  	[tilespmem:s10], [sflag:$0x12] =	stream.linear.gather [hbm4b:s9+s4], $0x50, $0x38;
	[tilespmem:$0xD440] =	vst v63  }
0x49: {  	s25 =	simm.s32 $0x1E0  }
0x4a: {  	[tilespmem:s25], [sflag:$0x13] =	stream.linear.gather [hbm4b:s24+s4], $0x50, $0x38;
	[tilespmem:$0xD440] =	vst v63  }
0x4b: {  	s9 =	rddreg [dreg:$0x16];
	s10 =	simm.s32 $0x230  }
0x4c: {  	[tilespmem:s10], [sflag:$0x14] =	stream.linear.gather [hbm4b:s9+s4], $0x50, $0x38;
	[tilespmem:$0xD440] =	vst v63  }
0x4d: {  	s24 =	rddreg [dreg:$0x17];
	s25 =	simm.s32 $0x280  }
0x4e: {  	[tilespmem:s25], [sflag:$0x15] =	stream.linear.gather [hbm4b:s24+s4], $0x50, $0x38;
	[tilespmem:$0xD440] =	vst v63  }
0x4f: {  	s9 =	rddreg [dreg:$0x18];
	s10 =	simm.s32 $0x2D0  }
0x50: {  	[tilespmem:s10], [sflag:$0x16] =	stream.linear.gather [hbm4b:s9+s4], $0x50, $0x38;
	[tilespmem:$0xD440] =	vst v63  }
0x51: {  	s24 =	rddreg [dreg:$0x19];
	s25 =	simm.s32 $0x320  }
0x52: {  	[tilespmem:s25], [sflag:$0x17] =	stream.linear.gather [hbm4b:s24+s4], $0x50, $0x38;
	[tilespmem:$0xD440] =	vst v63  }
0x53: {  	s7 =	rddreg [dreg:$0xe];
	s9 =	simm.s32 $0x370  }
0x54: {  	[tilespmem:s9], [sflag:$0x19] =	stream.linear.gather [hbm4b:s7+s4], $0x50, $0x38;
	[tilespmem:$0xD440] =	vst v63  }
0x55: {  	_ =	swait.ge [sflag:s2], $0x50  }
0x56: {  	[sflag:s2] =	ssyncset.done $0x0  }
0x57: {  	s10 =	simm.s32 $0x4EC0;
	s7 =	simm.s32 $0xD;
	[sflag:s2] =	ssyncadd.s32 $0xFFFFFFB0  }
0x58: {  	[spmem:s3] =	stream.indirect.scatter.add.f32 [tilespmem:s10], [sflag:$0xC], $0x30, s9, s12, $0xb8;
	[tilespmem:$0xD440] =	vst v63  }
0x59: {  	_ =	swait.ge [sflag:s7], $0x50  }
0x5a: {  	[sflag:s7] =	ssyncset.done $0x0  }
0x5b: {  	s25 =	simm.s32 $0x3C0;
	s10 =	simm.s32 $0xE;
	[sflag:s7] =	ssyncadd.s32 $0xFFFFFFB0  }
0x5c: {  	[tilespmem:s25], [sflag:$0x1] =	stream.indirect.gather [hbm4b:s1+s12], $0x30, s4, s12, $0xb8;
	[tilespmem:$0xD440] =	vst v63  }
0x5d: {  	_ =	swait.ge [sflag:s10], $0x50  }
0x5e: {  	[sflag:s10] =	ssyncset.done $0x0  }
0x5f: {  	s24 =	simm.s32 $0x12C0;
	[sflag:s10] =	ssyncadd.s32 $0xFFFFFFB0  }
0x60: {  	[tilespmem:s24], [sflag:$0x2] =	stream.indirect.gather [hbm4b:s1+s12], $0x30, s12, s12, $0xb8;
	[tilespmem:$0xD440] =	vst v63  }
0x61: {  	s24 =	simm.s32 $0xF  }
0x62: {  	_ =	swait.ge [sflag:s24], $0x50  }
0x63: {  	[sflag:s24] =	ssyncset.done $0x0  }
0x64: {  	s11 =	simm.s32 $0xA0;
	s2 =	simm.s32 $0x21C0;
	[sflag:s24] =	ssyncadd.s32 $0xFFFFFFB0  }
0x65: {  	[tilespmem:s2], [sflag:$0x3] =	stream.indirect.gather [hbm4b:s1+s12], $0x30, s11, s12, $0xb8;
	[tilespmem:$0xD440] =	vst v63  }
0x66: {  	s11 =	simm.s32 $0x10  }
0x67: {  	_ =	swait.ge [sflag:s11], $0x50  }
0x68: {  	[sflag:s11] =	ssyncset.done $0x0  }
0x69: {  	s26 =	simm.s32 $0xF0;
	s2 =	simm.s32 $0x30C0;
	[sflag:s11] =	ssyncadd.s32 $0xFFFFFFB0  }
0x6a: {  	[tilespmem:s2], [sflag:$0x4] =	stream.indirect.gather [hbm4b:s1+s12], $0x30, s26, s12, $0xb8;
	[tilespmem:$0xD440] =	vst v63  }
0x6b: {  	s26 =	simm.s32 $0x11  }
0x6c: {  	_ =	swait.ge [sflag:s26], $0x50  }
0x6d: {  	[sflag:s26] =	ssyncset.done $0x0  }
0x6e: {  	s8 =	simm.s32 $0x140;
	s2 =	simm.s32 $0x3FC0;
	[sflag:s26] =	ssyncadd.s32 $0xFFFFFFB0  }
0x6f: {  	[tilespmem:s2], [sflag:$0x5] =	stream.indirect.gather [hbm4b:s1+s12], $0x30, s8, s12, $0xb8;
	[tilespmem:$0xD440] =	vst v63  }
0x70: {  	s8 =	simm.s32 $0x1  }
0x71: {  	_ =	swait.ge [sflag:s8], $0xF00  }
0x72: {  	s2 =	sld [smem:$0x7F9];
	_ =	sdelay $0x2  }
0x73: {  	[sflag:s8] =	ssyncset.done $0x0;
	s2 =	sshrl.u32 s2, $0x3  }
0x74: {  	[sflag:s8] =	ssyncadd.s32 $0xFFFFF100;
	s0 =	sadd.s32 s29, s2  }
0x75: {  	[tilespmem:s4], [sflag:$0xD] =	stream.linear.gather [hbm4b:s0+s4], $0x50, $0x38;
	[tilespmem:$0xD440] =	vst v63  }
0x76: {  	s0 =	simm.s32 $0xC  }
0x77: {  	_ =	swait.ge [sflag:s0], $0xF00  }
0x78: {  	s8 =	rddreg [dreg:$0xd];
	[sflag:s0] =	ssyncset.done $0x0  }
0x79: {  	[sflag:s0] =	ssyncadd.s32 $0xFFFFF100;
	s8 =	sadd.s32 $0x0, s8  }
0x7a: {  	[tilespmem:s9], [sflag:$0x18] =	stream.linear.gather [hbm4b:s8+s4], $0x50, $0x38;
	[tilespmem:$0xD440] =	vst v63  }
0x7b: {  	s9 =	simm.s32 $0x12  }
0x7c: {  	_ =	swait.ge [sflag:s9], $0x50  }
0x7d: {  	[sflag:s9] =	ssyncset.done $0x0  }
0x7e: {  	s8 =	simm.s32 $0x190;
	[sflag:s9] =	ssyncadd.s32 $0xFFFFFFB0;
	s9 =	simm.s32 $0x4EC0  }
0x7f: {  	[tilespmem:s9], [sflag:$0x6] =	stream.indirect.gather [hbm4b:s1+s12], $0x30, s8, s12, $0xb8;
	[tilespmem:$0xD440] =	vst v63  }
0x80: {  	s9 =	simm.s32 $0x13  }
0x81: {  	_ =	swait.ge [sflag:s9], $0x50  }
0x82: {  	[sflag:s9] =	ssyncset.done $0x0  }
0x83: {  	[sflag:s9] =	ssyncadd.s32 $0xFFFFFFB0;
	s9 =	simm.s32 $0x1E0  }
0x84: {  	[spmem:s3] =	stream.indirect.scatter.add.f32 [tilespmem:s25], [sflag:$0x7], $0x30, s9, s12, $0xb8;
	[tilespmem:$0xD440] =	vst v63  }
0x85: {  	_ =	swait.ge [sflag:s5], $0xF00  }
0x86: {  	s0 =	rddreg [dreg:$0xc];
	[sflag:s5] =	ssyncset.done $0x0  }
0x87: {  	[sflag:s5] =	ssyncadd.s32 $0xFFFFF100;
	s8 =	sadd.s32 $0x0, s0  }
0x88: {  	[tilespmem:s12], [sflag:$0xE] =	stream.linear.gather [hbm4b:s8+s4], $0x50, $0x38;
	[tilespmem:$0xD440] =	vst v63  }
0x89: {  	_ =	swait.ge [sflag:s6], $0xF00  }
0x8a: {  	[sflag:s6] =	ssyncset.done $0x0  }
0x8b: {  	s2 =	sadd.s32 s31, s2;
	[sflag:s6] =	ssyncadd.s32 $0xFFFFF100  }
0x8c: {  	[tilespmem:s9], [sflag:$0x13] =	stream.linear.gather [hbm4b:s2+s4], $0x50, $0x38;
	[tilespmem:$0xD440] =	vst v63  }
0x8d: {  	_ =	swait.ge [sflag:s7], $0x50  }
0x8e: {  	[sflag:s7] =	ssyncset.done $0x0  }
0x8f: {  	[sflag:s7] =	ssyncadd.s32 $0xFFFFFFB0  }
0x90: {  	[tilespmem:s25], [sflag:$0x1] =	stream.indirect.gather [hbm4b:s1+s12], $0x30, s4, s12, $0xb8;
	[tilespmem:$0xD440] =	vst v63  }
0x91: {  	_ =	swait.ge [sflag:s13], $0x50  }
0x92: {  	[sflag:s13] =	ssyncset.done $0x0  }
0x93: {  	s8 =	simm.s32 $0x230;
	s25 =	simm.s32 $0x12C0;
	[sflag:s13] =	ssyncadd.s32 $0xFFFFFFB0  }
0x94: {  	[spmem:s3] =	stream.indirect.scatter.add.f32 [tilespmem:s25], [sflag:$0x8], $0x30, s8, s12, $0xb8;
	[tilespmem:$0xD440] =	vst v63  }
0x95: {  	_ =	swait.ge [sflag:s14], $0xF00  }
0x96: {  	s7 =	rddreg [dreg:$0xa];
	[sflag:s14] =	ssyncset.done $0x0  }
0x97: {  	[sflag:s14] =	ssyncadd.s32 $0xFFFFF100;
	s0 =	sadd.s32 $0x0, s7;
	s7 =	simm.s32 $0xA0  }
0x98: {  	[tilespmem:s7], [sflag:$0xF] =	stream.linear.gather [hbm4b:s0+s4], $0x50, $0x38;
	[tilespmem:$0xD440] =	vst v63  }
0x99: {  	_ =	swait.ge [sflag:s15], $0xF00  }
0x9a: {  	s9 =	rddreg [dreg:$0xb];
	[sflag:s15] =	ssyncset.done $0x0  }
0x9b: {  	[sflag:s15] =	ssyncadd.s32 $0xFFFFF100;
	s0 =	sadd.s32 $0x0, s9  }
0x9c: {  	[tilespmem:s8], [sflag:$0x14] =	stream.linear.gather [hbm4b:s0+s4], $0x50, $0x38;
	[tilespmem:$0xD440] =	vst v63  }
0x9d: {  	_ =	swait.ge [sflag:s10], $0x50  }
0x9e: {  	[sflag:s10] =	ssyncset.done $0x0  }
0x9f: {  	[sflag:s10] =	ssyncadd.s32 $0xFFFFFFB0  }
0xa0: {  	[tilespmem:s25], [sflag:$0x2] =	stream.indirect.gather [hbm4b:s1+s12], $0x30, s12, s12, $0xb8;
	[tilespmem:$0xD440] =	vst v63  }
0xa1: {  	_ =	swait.ge [sflag:s16], $0x50  }
0xa2: {  	[sflag:s16] =	ssyncset.done $0x0  }
0xa3: {  	s2 =	simm.s32 $0x280;
	s9 =	simm.s32 $0x21C0;
	[sflag:s16] =	ssyncadd.s32 $0xFFFFFFB0  }
0xa4: {  	[spmem:s3] =	stream.indirect.scatter.add.f32 [tilespmem:s9], [sflag:$0x9], $0x30, s2, s12, $0xb8;
	[tilespmem:$0xD440] =	vst v63  }
0xa5: {  	_ =	swait.ge [sflag:s17], $0xF00  }
0xa6: {  	s10 =	rddreg [dreg:$0x8];
	[sflag:s17] =	ssyncset.done $0x0  }
0xa7: {  	s8 =	simm.s32 $0xF0;
	[sflag:s17] =	ssyncadd.s32 $0xFFFFF100;
	s0 =	sadd.s32 $0x0, s10  }
0xa8: {  	[tilespmem:s8], [sflag:$0x10] =	stream.linear.gather [hbm4b:s0+s4], $0x50, $0x38;
	[tilespmem:$0xD440] =	vst v63  }
0xa9: {  	_ =	swait.ge [sflag:s18], $0xF00  }
0xaa: {  	s25 =	rddreg [dreg:$0x9];
	[sflag:s18] =	ssyncset.done $0x0  }
0xab: {  	[sflag:s18] =	ssyncadd.s32 $0xFFFFF100;
	s0 =	sadd.s32 $0x0, s25  }
0xac: {  	[tilespmem:s2], [sflag:$0x15] =	stream.linear.gather [hbm4b:s0+s4], $0x50, $0x38;
	[tilespmem:$0xD440] =	vst v63  }
0xad: {  	_ =	swait.ge [sflag:s24], $0x50  }
0xae: {  	[sflag:s24] =	ssyncset.done $0x0  }
0xaf: {  	[sflag:s24] =	ssyncadd.s32 $0xFFFFFFB0  }
0xb0: {  	[tilespmem:s9], [sflag:$0x3] =	stream.indirect.gather [hbm4b:s1+s12], $0x30, s7, s12, $0xb8;
	[tilespmem:$0xD440] =	vst v63  }
0xb1: {  	_ =	swait.ge [sflag:s19], $0x50  }
0xb2: {  	[sflag:s19] =	ssyncset.done $0x0  }
0xb3: {  	s10 =	simm.s32 $0x30C0;
	s9 =	simm.s32 $0x2D0;
	[sflag:s19] =	ssyncadd.s32 $0xFFFFFFB0  }
0xb4: {  	[spmem:s3] =	stream.indirect.scatter.add.f32 [tilespmem:s10], [sflag:$0xA], $0x30, s9, s12, $0xb8;
	[tilespmem:$0xD440] =	vst v63  }
0xb5: {  	_ =	swait.ge [sflag:s20], $0xF00  }
0xb6: {  	s24 =	rddreg [dreg:$0x6];
	[sflag:s20] =	ssyncset.done $0x0  }
0xb7: {  	s2 =	simm.s32 $0x140;
	[sflag:s20] =	ssyncadd.s32 $0xFFFFF100;
	s0 =	sadd.s32 $0x0, s24  }
0xb8: {  	[tilespmem:s2], [sflag:$0x11] =	stream.linear.gather [hbm4b:s0+s4], $0x50, $0x38;
	[tilespmem:$0xD440] =	vst v63  }
0xb9: {  	_ =	swait.ge [sflag:s21], $0xF00  }
0xba: {  	s25 =	rddreg [dreg:$0x7];
	[sflag:s21] =	ssyncset.done $0x0  }
0xbb: {  	[sflag:s21] =	ssyncadd.s32 $0xFFFFF100;
	s0 =	sadd.s32 $0x0, s25  }
0xbc: {  	[tilespmem:s9], [sflag:$0x16] =	stream.linear.gather [hbm4b:s0+s4], $0x50, $0x38;
	[tilespmem:$0xD440] =	vst v63  }
0xbd: {  	_ =	swait.ge [sflag:s11], $0x50  }
0xbe: {  	[sflag:s11] =	ssyncset.done $0x0  }
0xbf: {  	[sflag:s11] =	ssyncadd.s32 $0xFFFFFFB0  }
0xc0: {  	[tilespmem:s10], [sflag:$0x4] =	stream.indirect.gather [hbm4b:s1+s12], $0x30, s8, s12, $0xb8;
	[tilespmem:$0xD440] =	vst v63  }
0xc1: {  	_ =	swait.ge [sflag:s22], $0x50  }
0xc2: {  	[sflag:s22] =	ssyncset.done $0x0  }
0xc3: {  	s8 =	simm.s32 $0x320;
	s10 =	simm.s32 $0x3FC0;
	[sflag:s22] =	ssyncadd.s32 $0xFFFFFFB0  }
0xc4: {  	[spmem:s3] =	stream.indirect.scatter.add.f32 [tilespmem:s10], [sflag:$0xB], $0x30, s8, s12, $0xb8;
	[tilespmem:$0xD440] =	vst v63  }
0xc5: {  	_ =	swait.ge [sflag:s23], $0xF00  }
0xc6: {  	s11 =	rddreg [dreg:$0x4];
	[sflag:s23] =	ssyncset.done $0x0  }
0xc7: {  	s24 =	simm.s32 $0x190;
	[sflag:s23] =	ssyncadd.s32 $0xFFFFF100;
	s0 =	sadd.s32 $0x0, s11  }
0xc8: {  	[tilespmem:s24], [sflag:$0x12] =	stream.linear.gather [hbm4b:s0+s4], $0x50, $0x38;
	[tilespmem:$0xD440] =	vst v63  }
0xc9: {  	_ =	swait.ge [sflag:s28], $0xF00  }
0xca: {  	s25 =	rddreg [dreg:$0x5];
	[sflag:s28] =	ssyncset.done $0x0  }
0xcb: {  	[sflag:s28] =	ssyncadd.s32 $0xFFFFF100;
	s0 =	sadd.s32 $0x0, s25  }
0xcc: {  	[tilespmem:s8], [sflag:$0x17] =	stream.linear.gather [hbm4b:s0+s4], $0x50, $0x38;
	[tilespmem:$0xD440] =	vst v63  }
0xcd: {  	_ =	swait.ge [sflag:s26], $0x50  }
0xce: {  	[sflag:s26] =	ssyncset.done $0x0  }
0xcf: {  	[sflag:s26] =	ssyncadd.s32 $0xFFFFFFB0  }
0xd0: {  	[tilespmem:s10], [sflag:$0x5] =	stream.indirect.gather [hbm4b:s1+s12], $0x30, s2, s12, $0xb8;
	[tilespmem:$0xD440] =	vst v63  }
0xd1: {  	_ =	swait.ge [sflag:s30], $0x50  }
0xd2: {  	s26 =	sld [smem:$0x7F9];
	_ =	sdelay $0x1  }
0xd3: {  	[sflag:s30] =	ssyncset.done $0x0  }
0xd4: {  	s0 =	simm.s32 $0x3C;
	[sflag:s30] =	ssyncadd.s32 $0xFFFFFFB0;
	s8 =	sadd.s32 $0x1E0, s26  }
.LBB2_2:
0xd5: {  	s9 =	simm.s32 $0x370;
	s10 =	simm.s32 $0x4EC0;
	s2 =	simm.s32 $0x1  }
0xd6: {  	[spmem:s3] =	stream.indirect.scatter.add.f32 [tilespmem:s10], [sflag:$0xC], $0x30, s9, s12, $0xb8;
	[tilespmem:$0xD440] =	vst v63  }
0xd7: {  	_ =	swait.ge [sflag:s2], $0xF00  }
0xd8: {  	[sflag:s2] =	ssyncset.done $0x0  }
0xd9: {  	s24 =	sshrl.u32 s8, $0x3;
	s7 =	simm.s32 $0xC;
	[sflag:s2] =	ssyncadd.s32 $0xFFFFF100  }
0xda: {  	s2 =	smov.u32 s31;
	s31 =	smov.u32 s29;
	s29 =	sadd.s32 s29, s24  }
0xdb: {  	[tilespmem:s4], [sflag:$0xD] =	stream.linear.gather [hbm4b:s29+s4], $0x50, $0x38;
	[tilespmem:$0xD440] =	vst v63  }
0xdc: {  	_ =	swait.ge [sflag:s7], $0xF00  }
0xdd: {  	s25 =	smov.u32 s0;
	s29 =	rddreg [dreg:$0xd];
	[sflag:s7] =	ssyncset.done $0x0  }
0xde: {  	s26 =	simm.s32 $0x12;
	[sflag:s7] =	ssyncadd.s32 $0xFFFFF100;
	s29 =	sadd.s32 s25, s29  }
0xdf: {  	[tilespmem:s9], [sflag:$0x18] =	stream.linear.gather [hbm4b:s29+s4], $0x50, $0x38;
	[tilespmem:$0xD440] =	vst v63  }
0xe0: {  	_ =	swait.ge [sflag:s26], $0x50  }
0xe1: {  	[sflag:s26] =	ssyncset.done $0x0  }
0xe2: {  	s9 =	simm.s32 $0x13;
	[sflag:s26] =	ssyncadd.s32 $0xFFFFFFB0;
	s26 =	simm.s32 $0x190  }
0xe3: {  	[tilespmem:s10], [sflag:$0x6] =	stream.indirect.gather [hbm4b:s1+s12], $0x30, s26, s12, $0xb8;
	[tilespmem:$0xD440] =	vst v63  }
0xe4: {  	_ =	swait.ge [sflag:s9], $0x50  }
0xe5: {  	[sflag:s9] =	ssyncset.done $0x0  }
0xe6: {  	s11 =	simm.s32 $0x3C0;
	s10 =	simm.s32 $0x1E0;
	[sflag:s9] =	ssyncadd.s32 $0xFFFFFFB0  }
0xe7: {  	[spmem:s3] =	stream.indirect.scatter.add.f32 [tilespmem:s11], [sflag:$0x7], $0x30, s10, s12, $0xb8;
	[tilespmem:$0xD440] =	vst v63  }
0xe8: {  	_ =	swait.ge [sflag:s5], $0xF00  }
0xe9: {  	s29 =	rddreg [dreg:$0xc];
	[sflag:s5] =	ssyncset.done $0x0  }
0xea: {  	[sflag:s5] =	ssyncadd.s32 $0xFFFFF100;
	s29 =	sadd.s32 s25, s29  }
0xeb: {  	[tilespmem:s12], [sflag:$0xE] =	stream.linear.gather [hbm4b:s29+s4], $0x50, $0x38;
	[tilespmem:$0xD440] =	vst v63  }
0xec: {  	_ =	swait.ge [sflag:s6], $0xF00  }
0xed: {  	[sflag:s6] =	ssyncset.done $0x0  }
0xee: {  	s24 =	sadd.s32 s2, s24;
	[sflag:s6] =	ssyncadd.s32 $0xFFFFF100  }
0xef: {  	[tilespmem:s10], [sflag:$0x13] =	stream.linear.gather [hbm4b:s24+s4], $0x50, $0x38;
	[tilespmem:$0xD440] =	vst v63  }
0xf0: {  	s24 =	simm.s32 $0xD  }
0xf1: {  	_ =	swait.ge [sflag:s24], $0x50  }
0xf2: {  	[sflag:s24] =	ssyncset.done $0x0  }
0xf3: {  	[sflag:s24] =	ssyncadd.s32 $0xFFFFFFB0  }
0xf4: {  	[tilespmem:s11], [sflag:$0x1] =	stream.indirect.gather [hbm4b:s1+s12], $0x30, s4, s12, $0xb8;
	[tilespmem:$0xD440] =	vst v63  }
0xf5: {  	_ =	swait.ge [sflag:s13], $0x50  }
0xf6: {  	[sflag:s13] =	ssyncset.done $0x0  }
0xf7: {  	s9 =	simm.s32 $0x230;
	s10 =	simm.s32 $0x12C0;
	[sflag:s13] =	ssyncadd.s32 $0xFFFFFFB0  }
0xf8: {  	[spmem:s3] =	stream.indirect.scatter.add.f32 [tilespmem:s10], [sflag:$0x8], $0x30, s9, s12, $0xb8;
	[tilespmem:$0xD440] =	vst v63  }
0xf9: {  	s29 =	smov.u32 s31;
	_ =	swait.ge [sflag:s14], $0xF00  }
0xfa: {  	s31 =	smov.u32 s2;
	s7 =	rddreg [dreg:$0xa];
	[sflag:s14] =	ssyncset.done $0x0  }
0xfb: {  	s2 =	simm.s32 $0xA0;
	[sflag:s14] =	ssyncadd.s32 $0xFFFFF100;
	s24 =	sadd.s32 s25, s7  }
0xfc: {  	[tilespmem:s2], [sflag:$0xF] =	stream.linear.gather [hbm4b:s24+s4], $0x50, $0x38;
	[tilespmem:$0xD440] =	vst v63  }
0xfd: {  	_ =	swait.ge [sflag:s15], $0xF00  }
0xfe: {  	s11 =	rddreg [dreg:$0xb];
	[sflag:s15] =	ssyncset.done $0x0  }
0xff: {  	s7 =	simm.s32 $0xE;
	[sflag:s15] =	ssyncadd.s32 $0xFFFFF100;
	s24 =	sadd.s32 s25, s11  }
0x100: {  	[tilespmem:s9], [sflag:$0x14] =	stream.linear.gather [hbm4b:s24+s4], $0x50, $0x38;
	[tilespmem:$0xD440] =	vst v63  }
0x101: {  	_ =	swait.ge [sflag:s7], $0x50  }
0x102: {  	[sflag:s7] =	ssyncset.done $0x0  }
0x103: {  	[sflag:s7] =	ssyncadd.s32 $0xFFFFFFB0  }
0x104: {  	[tilespmem:s10], [sflag:$0x2] =	stream.indirect.gather [hbm4b:s1+s12], $0x30, s12, s12, $0xb8;
	[tilespmem:$0xD440] =	vst v63  }
0x105: {  	_ =	swait.ge [sflag:s16], $0x50  }
0x106: {  	[sflag:s16] =	ssyncset.done $0x0  }
0x107: {  	s7 =	simm.s32 $0x21C0;
	s10 =	simm.s32 $0x280;
	[sflag:s16] =	ssyncadd.s32 $0xFFFFFFB0  }
0x108: {  	[spmem:s3] =	stream.indirect.scatter.add.f32 [tilespmem:s7], [sflag:$0x9], $0x30, s10, s12, $0xb8;
	[tilespmem:$0xD440] =	vst v63  }
0x109: {  	_ =	swait.ge [sflag:s17], $0xF00  }
0x10a: {  	s9 =	rddreg [dreg:$0x8];
	[sflag:s17] =	ssyncset.done $0x0  }
0x10b: {  	[sflag:s17] =	ssyncadd.s32 $0xFFFFF100;
	s24 =	sadd.s32 s25, s9;
	s9 =	simm.s32 $0xF0  }
0x10c: {  	[tilespmem:s9], [sflag:$0x10] =	stream.linear.gather [hbm4b:s24+s4], $0x50, $0x38;
	[tilespmem:$0xD440] =	vst v63  }
0x10d: {  	_ =	swait.ge [sflag:s18], $0xF00  }
0x10e: {  	s11 =	rddreg [dreg:$0x9];
	[sflag:s18] =	ssyncset.done $0x0  }
0x10f: {  	[sflag:s18] =	ssyncadd.s32 $0xFFFFF100;
	s24 =	sadd.s32 s25, s11  }
0x110: {  	[tilespmem:s10], [sflag:$0x15] =	stream.linear.gather [hbm4b:s24+s4], $0x50, $0x38;
	[tilespmem:$0xD440] =	vst v63  }
0x111: {  	s24 =	simm.s32 $0xF  }
0x112: {  	_ =	swait.ge [sflag:s24], $0x50  }
0x113: {  	[sflag:s24] =	ssyncset.done $0x0  }
0x114: {  	[sflag:s24] =	ssyncadd.s32 $0xFFFFFFB0  }
0x115: {  	[tilespmem:s7], [sflag:$0x3] =	stream.indirect.gather [hbm4b:s1+s12], $0x30, s2, s12, $0xb8;
	[tilespmem:$0xD440] =	vst v63  }
0x116: {  	_ =	swait.ge [sflag:s19], $0x50  }
0x117: {  	[sflag:s19] =	ssyncset.done $0x0  }
0x118: {  	s11 =	simm.s32 $0x30C0;
	s10 =	simm.s32 $0x2D0;
	[sflag:s19] =	ssyncadd.s32 $0xFFFFFFB0  }
0x119: {  	[spmem:s3] =	stream.indirect.scatter.add.f32 [tilespmem:s11], [sflag:$0xA], $0x30, s10, s12, $0xb8;
	[tilespmem:$0xD440] =	vst v63  }
0x11a: {  	_ =	swait.ge [sflag:s20], $0xF00  }
0x11b: {  	s2 =	rddreg [dreg:$0x6];
	[sflag:s20] =	ssyncset.done $0x0  }
0x11c: {  	[sflag:s20] =	ssyncadd.s32 $0xFFFFF100;
	s24 =	sadd.s32 s25, s2;
	s2 =	simm.s32 $0x140  }
0x11d: {  	[tilespmem:s2], [sflag:$0x11] =	stream.linear.gather [hbm4b:s24+s4], $0x50, $0x38;
	[tilespmem:$0xD440] =	vst v63  }
0x11e: {  	_ =	swait.ge [sflag:s21], $0xF00  }
0x11f: {  	s7 =	rddreg [dreg:$0x7];
	[sflag:s21] =	ssyncset.done $0x0  }
0x120: {  	[sflag:s21] =	ssyncadd.s32 $0xFFFFF100;
	s24 =	sadd.s32 s25, s7  }
0x121: {  	[tilespmem:s10], [sflag:$0x16] =	stream.linear.gather [hbm4b:s24+s4], $0x50, $0x38;
	[tilespmem:$0xD440] =	vst v63  }
0x122: {  	s24 =	simm.s32 $0x10  }
0x123: {  	_ =	swait.ge [sflag:s24], $0x50  }
0x124: {  	[sflag:s24] =	ssyncset.done $0x0  }
0x125: {  	[sflag:s24] =	ssyncadd.s32 $0xFFFFFFB0  }
0x126: {  	[tilespmem:s11], [sflag:$0x4] =	stream.indirect.gather [hbm4b:s1+s12], $0x30, s9, s12, $0xb8;
	[tilespmem:$0xD440] =	vst v63  }
0x127: {  	_ =	swait.ge [sflag:s22], $0x50  }
0x128: {  	[sflag:s22] =	ssyncset.done $0x0  }
0x129: {  	s10 =	simm.s32 $0x320;
	s11 =	simm.s32 $0x3FC0;
	[sflag:s22] =	ssyncadd.s32 $0xFFFFFFB0  }
0x12a: {  	[spmem:s3] =	stream.indirect.scatter.add.f32 [tilespmem:s11], [sflag:$0xB], $0x30, s10, s12, $0xb8;
	[tilespmem:$0xD440] =	vst v63  }
0x12b: {  	_ =	swait.ge [sflag:s23], $0xF00  }
0x12c: {  	s9 =	rddreg [dreg:$0x4];
	[sflag:s23] =	ssyncset.done $0x0  }
0x12d: {  	[sflag:s23] =	ssyncadd.s32 $0xFFFFF100;
	s24 =	sadd.s32 s25, s9  }
0x12e: {  	[tilespmem:s26], [sflag:$0x12] =	stream.linear.gather [hbm4b:s24+s4], $0x50, $0x38;
	[tilespmem:$0xD440] =	vst v63  }
0x12f: {  	_ =	swait.ge [sflag:s28], $0xF00  }
0x130: {  	s7 =	rddreg [dreg:$0x5];
	[sflag:s28] =	ssyncset.done $0x0  }
0x131: {  	s26 =	simm.s32 $0x11;
	[sflag:s28] =	ssyncadd.s32 $0xFFFFF100;
	s24 =	sadd.s32 s25, s7  }
0x132: {  	[tilespmem:s10], [sflag:$0x17] =	stream.linear.gather [hbm4b:s24+s4], $0x50, $0x38;
	[tilespmem:$0xD440] =	vst v63  }
0x133: {  	_ =	swait.ge [sflag:s26], $0x50  }
0x134: {  	p0 =	sne.s32 s0, $0x438;
	[sflag:s26] =	ssyncset.done $0x0  }
.Ltmp0:
0x135: {  	[sflag:s26] =	ssyncadd.s32 $0xFFFFFFB0;
	(pc) =	sbr.rel @p0 .LBB2_2-.Ltmp0, $4  }
0x136: {  	[tilespmem:s11], [sflag:$0x5] =	stream.indirect.gather [hbm4b:s1+s12], $0x30, s2, s12, $0xb8;
	[tilespmem:$0xD440] =	vst v63  }
0x137: {  	_ =	swait.ge [sflag:s30], $0x50  }
0x138: {  	s0 =	sadd.s32 $0x3C, s0;
	[sflag:s30] =	ssyncset.done $0x0  }
0x139: {  	s8 =	sadd.s32 $0x1E0, s8;
	s9 =	simm.s32 $0x190;
	[sflag:s30] =	ssyncadd.s32 $0xFFFFFFB0  }
0x13a: {  	s2 =	simm.s32 $0x370;
	s0 =	simm.s32 $0x4EC0;
	s11 =	simm.s32 $0x1  }
0x13b: {  	[spmem:s3] =	stream.indirect.scatter.add.f32 [tilespmem:s0], [sflag:$0xC], $0x30, s2, s12, $0xb8;
	[tilespmem:$0xD440] =	vst v63  }
0x13c: {  	_ =	swait.ge [sflag:s11], $0xF00  }
0x13d: {  	[sflag:s11] =	ssyncset.done $0x0  }
0x13e: {  	s10 =	simm.s32 $0xC;
	s25 =	rddreg [dreg:$0x1a];
	[sflag:s11] =	ssyncadd.s32 $0xFFFFF100  }
0x13f: {  	[tilespmem:s4], [sflag:$0xD] =	stream.linear.gather [hbm4b:s25+s4], $0x50, $0x38;
	[tilespmem:$0xD440] =	vst v63  }
0x140: {  	_ =	swait.ge [sflag:s10], $0xF00  }
0x141: {  	s26 =	sld [smem:$0x7FD]  }
0x142: {  	[sflag:s10] =	ssyncset.done $0x0  }
0x143: {  	s8 =	simm.s32 $0x12;
	[sflag:s10] =	ssyncadd.s32 $0xFFFFF100  }
0x144: {  	[tilespmem:s2], [sflag:$0x18] =	stream.linear.gather [hbm4b:s26+s4], $0x50, $0x38;
	[tilespmem:$0xD440] =	vst v63  }
0x145: {  	_ =	swait.ge [sflag:s8], $0x50  }
0x146: {  	[sflag:s8] =	ssyncset.done $0x0  }
0x147: {  	s7 =	simm.s32 $0x4EC0;
	[sflag:s8] =	ssyncadd.s32 $0xFFFFFFB0  }
0x148: {  	[tilespmem:s7], [sflag:$0x6] =	stream.indirect.gather [hbm4b:s1+s12], $0x30, s9, s12, $0xb8;
	[tilespmem:$0xD440] =	vst v63  }
0x149: {  	s7 =	simm.s32 $0x13  }
0x14a: {  	_ =	swait.ge [sflag:s7], $0x50  }
0x14b: {  	[sflag:s7] =	ssyncset.done $0x0  }
0x14c: {  	s24 =	simm.s32 $0x3C0;
	s9 =	simm.s32 $0x1E0;
	[sflag:s7] =	ssyncadd.s32 $0xFFFFFFB0  }
0x14d: {  	[spmem:s3] =	stream.indirect.scatter.add.f32 [tilespmem:s24], [sflag:$0x7], $0x30, s9, s12, $0xb8;
	[tilespmem:$0xD440] =	vst v63  }
0x14e: {  	_ =	swait.ge [sflag:s5], $0xF00  }
0x14f: {  	[sflag:s5] =	ssyncset.done $0x0  }
0x150: {  	s25 =	rddreg [dreg:$0x1c];
	[sflag:s5] =	ssyncadd.s32 $0xFFFFF100  }
0x151: {  	[tilespmem:s12], [sflag:$0xE] =	stream.linear.gather [hbm4b:s25+s4], $0x50, $0x38;
	[tilespmem:$0xD440] =	vst v63  }
0x152: {  	_ =	swait.ge [sflag:s6], $0xF00  }
0x153: {  	[sflag:s6] =	ssyncset.done $0x0  }
0x154: {  	s26 =	rddreg [dreg:$0x1b];
	[sflag:s6] =	ssyncadd.s32 $0xFFFFF100  }
0x155: {  	[tilespmem:s9], [sflag:$0x13] =	stream.linear.gather [hbm4b:s26+s4], $0x50, $0x38;
	[tilespmem:$0xD440] =	vst v63  }
0x156: {  	s9 =	simm.s32 $0xD  }
0x157: {  	_ =	swait.ge [sflag:s9], $0x50  }
0x158: {  	[sflag:s9] =	ssyncset.done $0x0  }
0x159: {  	s8 =	simm.s32 $0x3C0;
	[sflag:s9] =	ssyncadd.s32 $0xFFFFFFB0  }
0x15a: {  	[tilespmem:s8], [sflag:$0x1] =	stream.indirect.gather [hbm4b:s1+s12], $0x30, s4, s12, $0xb8;
	[tilespmem:$0xD440] =	vst v63  }
0x15b: {  	_ =	swait.ge [sflag:s13], $0x50  }
0x15c: {  	[sflag:s13] =	ssyncset.done $0x0  }
0x15d: {  	s24 =	simm.s32 $0x12C0;
	s8 =	simm.s32 $0x230;
	[sflag:s13] =	ssyncadd.s32 $0xFFFFFFB0  }
0x15e: {  	[spmem:s3] =	stream.indirect.scatter.add.f32 [tilespmem:s24], [sflag:$0x8], $0x30, s8, s12, $0xb8;
	[tilespmem:$0xD440] =	vst v63  }
0x15f: {  	_ =	swait.ge [sflag:s14], $0xF00  }
0x160: {  	[sflag:s14] =	ssyncset.done $0x0  }
0x161: {  	s2 =	simm.s32 $0xA0;
	s25 =	rddreg [dreg:$0x1e];
	[sflag:s14] =	ssyncadd.s32 $0xFFFFF100  }
0x162: {  	[tilespmem:s2], [sflag:$0xF] =	stream.linear.gather [hbm4b:s25+s4], $0x50, $0x38;
	[tilespmem:$0xD440] =	vst v63  }
0x163: {  	_ =	swait.ge [sflag:s15], $0xF00  }
0x164: {  	[sflag:s15] =	ssyncset.done $0x0  }
0x165: {  	s24 =	simm.s32 $0xE;
	s26 =	rddreg [dreg:$0x1d];
	[sflag:s15] =	ssyncadd.s32 $0xFFFFF100  }
0x166: {  	[tilespmem:s8], [sflag:$0x14] =	stream.linear.gather [hbm4b:s26+s4], $0x50, $0x38;
	[tilespmem:$0xD440] =	vst v63  }
0x167: {  	_ =	swait.ge [sflag:s24], $0x50  }
0x168: {  	[sflag:s24] =	ssyncset.done $0x0  }
0x169: {  	s9 =	simm.s32 $0x12C0;
	[sflag:s24] =	ssyncadd.s32 $0xFFFFFFB0  }
0x16a: {  	[tilespmem:s9], [sflag:$0x2] =	stream.indirect.gather [hbm4b:s1+s12], $0x30, s12, s12, $0xb8;
	[tilespmem:$0xD440] =	vst v63  }
0x16b: {  	_ =	swait.ge [sflag:s16], $0x50  }
0x16c: {  	[sflag:s16] =	ssyncset.done $0x0  }
0x16d: {  	s26 =	simm.s32 $0x21C0;
	s9 =	simm.s32 $0x280;
	[sflag:s16] =	ssyncadd.s32 $0xFFFFFFB0  }
0x16e: {  	[spmem:s3] =	stream.indirect.scatter.add.f32 [tilespmem:s26], [sflag:$0x9], $0x30, s9, s12, $0xb8;
	[tilespmem:$0xD440] =	vst v63  }
0x16f: {  	_ =	swait.ge [sflag:s17], $0xF00  }
0x170: {  	s25 =	sld [smem:$0x7F3]  }
0x171: {  	[sflag:s17] =	ssyncset.done $0x0  }
0x172: {  	s8 =	simm.s32 $0xF0;
	[sflag:s17] =	ssyncadd.s32 $0xFFFFF100  }
0x173: {  	[tilespmem:s8], [sflag:$0x10] =	stream.linear.gather [hbm4b:s25+s4], $0x50, $0x38;
	[tilespmem:$0xD440] =	vst v63  }
0x174: {  	_ =	swait.ge [sflag:s18], $0xF00  }
0x175: {  	[sflag:s18] =	ssyncset.done $0x0  }
0x176: {  	s25 =	simm.s32 $0xF;
	s24 =	rddreg [dreg:$0x1f];
	[sflag:s18] =	ssyncadd.s32 $0xFFFFF100  }
0x177: {  	[tilespmem:s9], [sflag:$0x15] =	stream.linear.gather [hbm4b:s24+s4], $0x50, $0x38;
	[tilespmem:$0xD440] =	vst v63  }
0x178: {  	_ =	swait.ge [sflag:s25], $0x50  }
0x179: {  	[sflag:s25] =	ssyncset.done $0x0  }
0x17a: {  	[sflag:s25] =	ssyncadd.s32 $0xFFFFFFB0  }
0x17b: {  	[tilespmem:s26], [sflag:$0x3] =	stream.indirect.gather [hbm4b:s1+s12], $0x30, s2, s12, $0xb8;
	[tilespmem:$0xD440] =	vst v63  }
0x17c: {  	_ =	swait.ge [sflag:s19], $0x50  }
0x17d: {  	[sflag:s19] =	ssyncset.done $0x0  }
0x17e: {  	s24 =	simm.s32 $0x30C0;
	s25 =	simm.s32 $0x2D0;
	[sflag:s19] =	ssyncadd.s32 $0xFFFFFFB0  }
0x17f: {  	[spmem:s3] =	stream.indirect.scatter.add.f32 [tilespmem:s24], [sflag:$0xA], $0x30, s25, s12, $0xb8;
	[tilespmem:$0xD440] =	vst v63  }
0x180: {  	_ =	swait.ge [sflag:s20], $0xF00  }
0x181: {  	s9 =	sld [smem:$0x7F5]  }
0x182: {  	[sflag:s20] =	ssyncset.done $0x0  }
0x183: {  	s2 =	simm.s32 $0x140;
	[sflag:s20] =	ssyncadd.s32 $0xFFFFF100  }
0x184: {  	[tilespmem:s2], [sflag:$0x11] =	stream.linear.gather [hbm4b:s9+s4], $0x50, $0x38;
	[tilespmem:$0xD440] =	vst v63  }
0x185: {  	_ =	swait.ge [sflag:s21], $0xF00  }
0x186: {  	s9 =	sld [smem:$0x7F4]  }
0x187: {  	[sflag:s21] =	ssyncset.done $0x0  }
0x188: {  	[sflag:s21] =	ssyncadd.s32 $0xFFFFF100  }
0x189: {  	[tilespmem:s25], [sflag:$0x16] =	stream.linear.gather [hbm4b:s9+s4], $0x50, $0x38;
	[tilespmem:$0xD440] =	vst v63  }
0x18a: {  	s9 =	simm.s32 $0x10  }
0x18b: {  	_ =	swait.ge [sflag:s9], $0x50  }
0x18c: {  	[sflag:s9] =	ssyncset.done $0x0  }
0x18d: {  	[sflag:s9] =	ssyncadd.s32 $0xFFFFFFB0  }
0x18e: {  	[tilespmem:s24], [sflag:$0x4] =	stream.indirect.gather [hbm4b:s1+s12], $0x30, s8, s12, $0xb8;
	[tilespmem:$0xD440] =	vst v63  }
0x18f: {  	_ =	swait.ge [sflag:s22], $0x50  }
0x190: {  	[sflag:s22] =	ssyncset.done $0x0  }
0x191: {  	s9 =	simm.s32 $0x320;
	s8 =	simm.s32 $0x3FC0;
	[sflag:s22] =	ssyncadd.s32 $0xFFFFFFB0  }
0x192: {  	[spmem:s3] =	stream.indirect.scatter.add.f32 [tilespmem:s8], [sflag:$0xB], $0x30, s9, s12, $0xb8;
	[tilespmem:$0xD440] =	vst v63  }
0x193: {  	_ =	swait.ge [sflag:s23], $0xF00  }
0x194: {  	[sflag:s23] =	ssyncset.done $0x0  }
0x195: {  	[sflag:s23] =	ssyncadd.s32 $0xFFFFF100  }
0x196: {  	_ =	swait.ge [sflag:s28], $0xF00  }
0x197: {  	s0 =	sld [smem:$0x7F6]  }
0x198: {  	[sflag:s28] =	ssyncset.done $0x0  }
0x199: {  	[sflag:s28] =	ssyncadd.s32 $0xFFFFF100  }
0x19a: {  	[tilespmem:s9], [sflag:$0x17] =	stream.linear.gather [hbm4b:s0+s4], $0x50, $0x38;
	[tilespmem:$0xD440] =	vst v63  }
0x19b: {  	s0 =	simm.s32 $0x11  }
0x19c: {  	_ =	swait.ge [sflag:s0], $0x50  }
0x19d: {  	[sflag:s0] =	ssyncset.done $0x0  }
0x19e: {  	[sflag:s0] =	ssyncadd.s32 $0xFFFFFFB0  }
0x19f: {  	[tilespmem:s8], [sflag:$0x5] =	stream.indirect.gather [hbm4b:s1+s12], $0x30, s2, s12, $0xb8;
	[tilespmem:$0xD440] =	vst v63  }
0x1a0: {  	_ =	swait.ge [sflag:s30], $0x50  }
0x1a1: {  	[sflag:s30] =	ssyncset.done $0x0  }
0x1a2: {  	s0 =	simm.s32 $0x370;
	s2 =	simm.s32 $0x4EC0;
	[sflag:s30] =	ssyncadd.s32 $0xFFFFFFB0  }
0x1a3: {  	[spmem:s3] =	stream.indirect.scatter.add.f32 [tilespmem:s2], [sflag:$0xC], $0x30, s0, s12, $0xb8;
	[tilespmem:$0xD440] =	vst v63  }
0x1a4: {  	_ =	swait.ge [sflag:s11], $0xF00  }
0x1a5: {  	[sflag:s11] =	ssyncset.done $0x0  }
0x1a6: {  	[sflag:s11] =	ssyncadd.s32 $0xFFFFF100  }
0x1a7: {  	_ =	swait.ge [sflag:s10], $0xF00  }
0x1a8: {  	[sflag:s10] =	ssyncset.done $0x0  }
0x1a9: {  	[sflag:s10] =	ssyncadd.s32 $0xFFFFF100  }
0x1aa: {  	_ =	swait.ge [sflag:s7], $0x50  }
0x1ab: {  	[sflag:s7] =	ssyncset.done $0x0  }
0x1ac: {  	s2 =	simm.s32 $0x1E0;
	[sflag:s7] =	ssyncadd.s32 $0xFFFFFFB0;
	s7 =	simm.s32 $0x3C0  }
0x1ad: {  	[spmem:s3] =	stream.indirect.scatter.add.f32 [tilespmem:s7], [sflag:$0x7], $0x30, s2, s12, $0xb8;
	[tilespmem:$0xD440] =	vst v63  }
0x1ae: {  	_ =	swait.ge [sflag:s5], $0xF00  }
0x1af: {  	[sflag:s5] =	ssyncset.done $0x0  }
0x1b0: {  	[sflag:s5] =	ssyncadd.s32 $0xFFFFF100  }
0x1b1: {  	_ =	swait.ge [sflag:s6], $0xF00  }
0x1b2: {  	[sflag:s6] =	ssyncset.done $0x0  }
0x1b3: {  	[sflag:s6] =	ssyncadd.s32 $0xFFFFF100  }
0x1b4: {  	_ =	swait.ge [sflag:s13], $0x50  }
0x1b5: {  	[sflag:s13] =	ssyncset.done $0x0  }
0x1b6: {  	s11 =	simm.s32 $0x12C0;
	s10 =	simm.s32 $0x230;
	[sflag:s13] =	ssyncadd.s32 $0xFFFFFFB0  }
0x1b7: {  	[spmem:s3] =	stream.indirect.scatter.add.f32 [tilespmem:s11], [sflag:$0x8], $0x30, s10, s12, $0xb8;
	[tilespmem:$0xD440] =	vst v63  }
0x1b8: {  	_ =	swait.ge [sflag:s14], $0xF00  }
0x1b9: {  	[sflag:s14] =	ssyncset.done $0x0  }
0x1ba: {  	[sflag:s14] =	ssyncadd.s32 $0xFFFFF100  }
0x1bb: {  	_ =	swait.ge [sflag:s15], $0xF00  }
0x1bc: {  	[sflag:s15] =	ssyncset.done $0x0  }
0x1bd: {  	[sflag:s15] =	ssyncadd.s32 $0xFFFFF100  }
0x1be: {  	_ =	swait.ge [sflag:s16], $0x50  }
0x1bf: {  	[sflag:s16] =	ssyncset.done $0x0  }
0x1c0: {  	s7 =	simm.s32 $0x280;
	[sflag:s16] =	ssyncadd.s32 $0xFFFFFFB0  }
0x1c1: {  	[spmem:s3] =	stream.indirect.scatter.add.f32 [tilespmem:s26], [sflag:$0x9], $0x30, s7, s12, $0xb8;
	[tilespmem:$0xD440] =	vst v63  }
0x1c2: {  	_ =	swait.ge [sflag:s17], $0xF00  }
0x1c3: {  	[sflag:s17] =	ssyncset.done $0x0  }
0x1c4: {  	[sflag:s17] =	ssyncadd.s32 $0xFFFFF100  }
0x1c5: {  	_ =	swait.ge [sflag:s18], $0xF00  }
0x1c6: {  	[sflag:s18] =	ssyncset.done $0x0  }
0x1c7: {  	[sflag:s18] =	ssyncadd.s32 $0xFFFFF100  }
0x1c8: {  	_ =	swait.ge [sflag:s19], $0x50  }
0x1c9: {  	[sflag:s19] =	ssyncset.done $0x0  }
0x1ca: {  	[sflag:s19] =	ssyncadd.s32 $0xFFFFFFB0  }
0x1cb: {  	[spmem:s3] =	stream.indirect.scatter.add.f32 [tilespmem:s24], [sflag:$0xA], $0x30, s25, s12, $0xb8;
	[tilespmem:$0xD440] =	vst v63  }
0x1cc: {  	_ =	swait.ge [sflag:s20], $0xF00  }
0x1cd: {  	[sflag:s20] =	ssyncset.done $0x0  }
0x1ce: {  	[sflag:s20] =	ssyncadd.s32 $0xFFFFF100  }
0x1cf: {  	_ =	swait.ge [sflag:s21], $0xF00  }
0x1d0: {  	[sflag:s21] =	ssyncset.done $0x0  }
0x1d1: {  	[sflag:s21] =	ssyncadd.s32 $0xFFFFF100  }
0x1d2: {  	_ =	swait.ge [sflag:s22], $0x50  }
0x1d3: {  	[sflag:s22] =	ssyncset.done $0x0  }
0x1d4: {  	[sflag:s22] =	ssyncadd.s32 $0xFFFFFFB0  }
0x1d5: {  	[spmem:s3] =	stream.indirect.scatter.add.f32 [tilespmem:s8], [sflag:$0xB], $0x30, s9, s12, $0xb8;
	[tilespmem:$0xD440] =	vst v63  }
0x1d6: {  	_ =	swait.ge [sflag:s28], $0xF00  }
0x1d7: {  	[sflag:s28] =	ssyncset.done $0x0  }
0x1d8: {  	[sflag:s28] =	ssyncadd.s32 $0xFFFFF100  }
0x1d9: {  	[bflag:$0x0] =	sbarrier.arrive $0xFFFF  }
0x1da: {  	s10 =	sld [smem:$0x7F7]  }
0x1db: {  	s11 =	sld [smem:$0x7F2];
	_ =	sdelay $0x1  }
0x1dc: {  	s2 =	simm.s32 $0x19;
	s24 =	rddreg [dreg:$0x11]  }
0x1dd: {  	[hbm:s10], [sflag:s24] =	dma.local [spmem:s11], $0xED0  }
0x1de: {  	_ =	swait.ge [sflag:s2], $0xED0  }
0x1df: {  	s25 =	sld [smem:$0x7F1]  }
0x1e0: {  	s26 =	sld [smem:$0x7F8];
	_ =	sdelay $0x1  }
0x1e1: {  	s7 =	sadd.s32 $0x1, s25  }
0x1e2: {  	p0 =	sne.s32 s7, s26  }
.Ltmp1:
0x1e3: {  	_ = 	snop;
	(pc) =	sbr.rel @p0 .LBB2_1-.Ltmp1, $3  }
0x1e4: {  	_ =	sdelay $0x1  }
0x1e5: {  	[sflag:s2] =	ssyncset.done $0x0  }
0x1e6: {  	[sflag:s2] =	ssyncadd.s32 $0xFFFFF130  }
0x1e7: {  	_ =	sfence.sel $0x180000  }
0x1e8: {  	[bflag:$0x0] =	sbarrier.arrive $0xFFFF  }
0x1e9: {  	_ =	strace $0x9000004D  }
0x1ea: {  	s0 =	stileid.u32;
	[bflag:$0x2] =	sbarrier.arrive $0xFFFF  }
0x1eb: {  	p0 =	sne.s32 s0, $0x0;
	s0 =	rddreg [dreg:$0x3]  }
0x1ec: {  	s0 =	sadd.s32 @!p0 $0x100000, s0  }
0x1ed: {  	[sflag:s0] =	ssyncadd.tile.s32 @!p0 $0x1;
	_ =	shalt  }
.Lfunc_end2:
_tile_overlayer_lowered:
.L_overlay_start_2:
0x1ee: {  	(tag) =	ssettag $0x2  }
0x1ef: {  	s0 =	rddreg [dreg:$0x0];
	s2 =	stileid.u32  }
0x1f0: {  	s1 =	rddreg [dreg:$0x1];
	p0 =	sne.s32 s2, $0x0  }
0x1f1: {  	s3 =	rddreg [dreg:$0x2];
	[bflag:$0x3] =	sbarrier.arrive $0xFFFF;
	s2 =	simm.s32 @!p0 $0x1C19  }
0x1f2: {  	[timem:s3], [sflag:s2] =	dma.local @!p0 [hbm:s0], s1  }
0x1f3: {  	s0 =	simm.s32 @!p0 $0x19  }
0x1f4: {  	_ =	swait.ge @!p0 [sflag:s0], s1  }
0x1f5: {  	s1 =	ssub.s32 @!p0 $0x0, s1;
	[sflag:s0] =	ssyncset.done @!p0 $0x0  }
0x1f6: {  	[sflag:s0] =	ssyncadd.s32 @!p0 s1  }
0x1f7: {  	[bflag:$0x3] =	sbarrier.arrive $0xFFFF  }
0x1f8: {  	_ =	shalt  }

// kernel: kernel.8.cloned.1.call-start
scs
__scs_entry_jumppad:
0x0: {  	(pc) =	sbr.rel $0x88, $3  }
0x1: {  	(tag) =	ssettag $0x0;
	lr =	simm.s32 $0x1  }
0x2: {  	[smem:$0x3F9B] =	sst lr;
	_ =	strace $0xD0000000  }
0x3: {  	_ = 	snop  }
0x4: {  	_ = 	snop  }
0x5: {  	_ = 	snop  }
0x6: {  	_ = 	snop  }
0x7: {  	_ = 	snop  }
__scs_overlays_trampoline_lowered:
0x8: {  	[smem:$0x3FAA] =	sst s0  }
0x9: {  	[smem:$0x3FAB] =	sst s1  }
0xa: {  	[smem:$0x3FAC] =	sst s2  }
0xb: {  	[smem:$0x3FAD] =	sst s3  }
0xc: {  	[smem:$0x3FAE] =	sst s4  }
0xd: {  	[smem:$0x3FAF] =	sst s5  }
0xe: {  	[smem:$0x3FB0] =	sst s6  }
0xf: {  	[smem:$0x3FB1] =	sst s7  }
0x10: {  	[smem:$0x3FB2] =	sst s8  }
0x11: {  	[smem:$0x3FB3] =	sst s9;
	s0 =	simm.s32 @!p0 $0x0  }
0x12: {  	s1 =	sld [smem:$0x3F99];
	s0 =	simm.s32 @p0 $0x1  }
0x13: {  	[smem:$0x3FB4] =	sst s0;
	s0 =	simm.s32 @!p1 $0x0  }
0x14: {  	s2 =	sld [smem:$0x3F98];
	s0 =	simm.s32 @p1 $0x1  }
0x15: {  	[smem:$0x3FB5] =	sst s0;
	s0 =	simm.s32 @!p2 $0x0  }
0x16: {  	s3 =	sld [smem:$0x3FDB];
	s0 =	simm.s32 @p2 $0x1  }
0x17: {  	s4 =	simm.s32 $0x1BF5;
	[smem:$0x3FB7] =	sst s0  }
0x18: {  	s0 =	sld [smem:$0x3F9A];
	_ =	swait.ge [sflag:s4], $0x0  }
0x19: {  	s7 =	sld [smem:$0x3F9B]  }
0x1a: {  	s8 =	sadd.s32 $0xFFFFE003, lr  }
0x1b: {  	s9 =	sadd.s32 $0xFFFFFEF7, lr;
	s5 =	simm.s32 $0xFFFFFFFF;
	p2 =	slt.u32 s8, $0xFFFFF086  }
0x1c: {  	p1 =	slt.u32 s9, $0xF7A;
	s5 =	simm.s32 @!p2 $0x0  }
0x1d: {  	s5 =	simm.s32 @p1 $0x1;
	p0 =	seq.s32 s7, s2  }
0x1e: {  	s7 =	smul.u32 @!p0 $0xF7A, s2;
	p2 =	seq.s32 @!p0 s5, $0x0  }
0x1f: {  	s9 =	smul.u32 $0xF7A, s1;
	s8 =	simm.s32 @!p0 $0x1BF5;
	p2 =	por !p2, p0  }
0x20: {  	[sflag:s8] =	ssyncset.s32 @!p0 $0xFFFFF086;
	s6 =	sadd.s32 @!p0 s3, s7;
	s7 =	simm.s32 @!p0 $0x108  }
0x21: {  	s3 =	sadd.s32 s3, s9;
	s6 =	sadd.s32 @!p0 $0x88, s6;
	s7 =	simm.s32 @p2 $0x1082  }
0x22: {  	[simem:s7], [sflag:s8] =	dma.local @!p0 [hbm:s6], $0xF7A  }
0x23: {  	s9 =	sor.u32 $0xD0000000, s2;
	s6 =	simm.s32 $0x108;
	_ =	swait.ge @!p0 [sflag:s8], $0x0  }
0x24: {  	s3 =	sadd.s32 $0x88, s3;
	s6 =	simm.s32 @!p1 $0x1082;
	[sflag:s4] =	ssyncset.s32 $0xFFFFF086  }
0x25: {  	[simem:s6], [sflag:s4] =	dma.local [hbm:s3], $0xF7A  }
0x26: {  	[smem:$0x3F9B] =	sst s1;
	(tag) =	ssettag s2;
	_ =	strace s9  }
0x27: {  	s1 =	sld [smem:$0x3FAB]  }
0x28: {  	s2 =	sld [smem:$0x3FAC]  }
0x29: {  	s4 =	sld [smem:$0x3FAE]  }
0x2a: {  	p0 =	seq.s32 s5, $0x0;
	s5 =	sld [smem:$0x3FAF]  }
0x2b: {  	s6 =	sld [smem:$0x3FB0]  }
0x2c: {  	s7 =	sld [smem:$0x3FB1]  }
0x2d: {  	s3 =	simm.s32 $0x108;
	s8 =	sld [smem:$0x3FB2]  }
0x2e: {  	s3 =	simm.s32 @!p0 $0x1082;
	s9 =	sld [smem:$0x3FB3]  }
0x2f: {  	lr =	sadd.s32 s0, s3;
	s0 =	sld [smem:$0x3FAA]  }
0x30: {  	s3 =	sld [smem:$0x3FAD]  }
0x31: {  	[smem:$0x3FB6] =	sst s10  }
0x32: {  	s10 =	sld [smem:$0x3FB4];
	_ =	sdelay $0x3  }
0x33: {  	p0 =	seq.s32 s10, $0x1;
	s10 =	sld [smem:$0x3FB6];
	_ =	sdelay $0x3  }
0x34: {  	[smem:$0x3FB6] =	sst s10  }
0x35: {  	s10 =	sld [smem:$0x3FB5];
	_ =	sdelay $0x3  }
0x36: {  	p1 =	seq.s32 s10, $0x1;
	s10 =	sld [smem:$0x3FB6];
	_ =	sdelay $0x3  }
0x37: {  	[smem:$0x3FB6] =	sst s10  }
0x38: {  	s10 =	sld [smem:$0x3FB7]  }
0x39: {  	_ = 	snop;
	(pc) =	sbr.ind lr, $3  }
0x3a: {  	_ = 	snop  }
0x3b: {  	_ = 	snop  }
0x3c: {  	p2 =	seq.s32 s10, $0x1;
	s10 =	sld [smem:$0x3FB6]  }
0x3d: {  	_ =	shalt  }
0x3e: {  	_ =	shalt  }
0x3f: {  	_ =	shalt  }
0x40: {  	_ =	shalt  }
0x41: {  	_ =	shalt  }
0x42: {  	_ =	shalt  }
0x43: {  	_ =	shalt  }
0x44: {  	_ =	shalt  }
0x45: {  	_ =	shalt  }
0x46: {  	_ =	shalt  }
0x47: {  	_ =	shalt  }
0x48: {  	_ =	shalt  }
0x49: {  	_ =	shalt  }
0x4a: {  	_ =	shalt  }
0x4b: {  	_ =	shalt  }
0x4c: {  	_ =	shalt  }
0x4d: {  	_ =	shalt  }
0x4e: {  	_ =	shalt  }
0x4f: {  	_ =	shalt  }
0x50: {  	_ =	shalt  }
0x51: {  	_ =	shalt  }
0x52: {  	_ =	shalt  }
0x53: {  	_ =	shalt  }
0x54: {  	_ =	shalt  }
0x55: {  	_ =	shalt  }
0x56: {  	_ =	shalt  }
0x57: {  	_ =	shalt  }
0x58: {  	_ =	shalt  }
0x59: {  	_ =	shalt  }
0x5a: {  	_ =	shalt  }
0x5b: {  	_ =	shalt  }
0x5c: {  	_ =	shalt  }
0x5d: {  	_ =	shalt  }
0x5e: {  	_ =	shalt  }
0x5f: {  	_ =	shalt  }
0x60: {  	_ =	shalt  }
0x61: {  	_ =	shalt  }
0x62: {  	_ =	shalt  }
0x63: {  	_ =	shalt  }
0x64: {  	_ =	shalt  }
0x65: {  	_ =	shalt  }
0x66: {  	_ =	shalt  }
0x67: {  	_ =	shalt  }
0x68: {  	_ =	shalt  }
0x69: {  	_ =	shalt  }
0x6a: {  	_ =	shalt  }
0x6b: {  	_ =	shalt  }
0x6c: {  	_ =	shalt  }
0x6d: {  	_ =	shalt  }
0x6e: {  	_ =	shalt  }
0x6f: {  	_ =	shalt  }
0x70: {  	_ =	shalt  }
0x71: {  	_ =	shalt  }
0x72: {  	_ =	shalt  }
0x73: {  	_ =	shalt  }
0x74: {  	_ =	shalt  }
0x75: {  	_ =	shalt  }
0x76: {  	_ =	shalt  }
0x77: {  	_ =	shalt  }
0x78: {  	_ =	shalt  }
0x79: {  	_ =	shalt  }
0x7a: {  	_ =	shalt  }
0x7b: {  	_ =	shalt  }
0x7c: {  	_ =	shalt  }
0x7d: {  	_ =	shalt  }
0x7e: {  	_ =	shalt  }
0x7f: {  	_ =	shalt  }
0x80: {  	_ =	shalt  }
0x81: {  	_ =	shalt  }
0x82: {  	_ =	shalt  }
0x83: {  	_ =	shalt  }
0x84: {  	_ =	shalt  }
0x85: {  	_ =	shalt  }
0x86: {  	_ =	shalt  }
0x87: {  	_ =	shalt  }
.Lfunc_end0:
.L_simem_size_0:
called_computation_lowered:
.L_overlay_start_0:
0x88: {  	s2 =	sld [smem:$0x3FD9]  }
0x89: {  	s3 =	sld [smem:$0x3FFE];
	_ =	sdelay $0x1  }
0x8a: {  	s1 =	srdreg.scid  }
0x8b: {  	s0 =	sand.u32 $0x1, s1  }
0x8c: {  	s17 =	sshll.u32 s0, $0xA;
	s2 =	sadd.s32 s3, s2  }
0x8d: {  	s2 =	sadd.s32 s2, s17  }
0x8e: {  	[smem:$0x3FC2] =	sst s2  }
0x8f: {  	_ = 	snop  }
0x90: {  	s2 =	sld [smem:$0x3FD0];
	(tm) =	ssettm $0x1  }
0x91: {  	s18 =	sld [smem:$0x3FFB];
	_ =	sdelay $0x3  }
0x92: {  	_ =	strace s18  }
0x93: {  	s3 =	sld [smem:$0x3FFC];
	_ =	sdelay $0x3  }
0x94: {  	_ =	strace s3  }
0x95: {  	s3 =	sld [smem:$0x3FFD];
	_ =	sdelay $0x3  }
0x96: {  	_ =	strace s3  }
0x97: {  	_ =	strace $0x8FFFFFFF  }
0x98: {  	s19 =	sld [smem:$0x3FDB];
	_ =	sdelay $0x1  }
0x99: {  	s4 =	simm.s32 $_scs_section_size  }
0x9a: {  	s5 =	simm.s32 $_size__tile_overlayer_lowered;
	s6 =	simm.s32 $_tile_overlayer_lowered  }
0x9b: {  	s22 =	simm.s32 $0x1BFF;
	s21 =	sshll.u32 s6, $0x1;
	s3 =	sadd.s32 s4, s19  }
0x9c: {  	s7 =	simm.s32 $0x0;
	s20 =	sshll.u32 s5, $0x1;
	s5 =	sadd.s32 s21, s3  }
0x9d: {  	[timem:s7], [sflag:s22] =	dma.local [hbm:s5], s20  }
0x9e: {  	_ =	swait.ge [sflag:s22], s20  }
0x9f: {  	s4 =	ssub.s32 $0x0, s20;
	[sflag:s22] =	ssyncset.done $0x0  }
0xa0: {  	[sflag:s22] =	ssyncadd.s32 s4;
	_ =	sdelay $0x1  }
0xa1: {  	s23 =	simm.s32 $0x1B8B  }
0xa2: {  	_ =	swait.ge [sflag:s23], $0x1  }
0xa3: {  	[sflag:s23] =	ssyncset.done $0x0  }
0xa4: {  	s25 =	simm.s32 $0x1B8E;
	s24 =	sld [smem:$0x3FFE];
	[sflag:s23] =	ssyncadd.s32 $0xFFFFFFFF  }
0xa5: {  	s26 =	simm.s32 $execute0_lowered;
	[smem:$0x3FD2] =	sst s25  }
0xa6: {  	s5 =	sshll.u32 s26, $0x1;
	_ =	strace $0x80000046;
	[dreg:$0x1] =	wrdreg $0xFFFFFFFF  }
0xa7: {  	s28 =	simm.s32 $_size_execute0_lowered;
	s3 =	sadd.s32 s3, s5;
	[dreg:$0x0] =	wrdreg $0x0  }
0xa8: {  	s5 =	sshll.u32 s28, $0x1;
	[dreg:$0x2] =	wrdreg s3  }
0xa9: {  	[dreg:$0x3] =	wrdreg s5  }
0xaa: {  	[dreg:$0x4] =	wrdreg $0xC0  }
0xab: {  	_ =	task [dreg:s7], $0x5FFFF  }
0xac: {  	[dreg:$0x1] =	wrdreg $0xFFFFFFFF  }
0xad: {  	[dreg:$0x0] =	wrdreg $0x60  }
0xae: {  	[dreg:$0x2] =	wrdreg s24  }
0xaf: {  	[dreg:$0x3] =	wrdreg s2  }
0xb0: {  	[dreg:$0x4] =	wrdreg $0x2C100  }
0xb1: {  	[dreg:$0x5] =	wrdreg $0x9  }
0xb2: {  	_ =	task.clear_ibuf [dreg:s7], $0x6FFFF;
	_ =	strace $0x90000046  }
0xb3: {  	s29 =	simm.s32 $0x9;
	_ =	strace $0x80000048  }
0xb4: {  	_ =	swait.ge [sflag:s29], $0x1  }
0xb5: {  	[sflag:s29] =	ssyncadd.s32 $0xFFFFFFFF  }
0xb6: {  	_ =	strace $0x90000048  }
0xb7: {  	_ =	sfence  }
0xb8: {  	s30 =	sld [smem:$0x0];
	_ =	sdelay $0x2  }
0xb9: {  	s31 =	sshll.u32 s1, $0xD;
	s1 =	sshrl.u32 s1, $0x2  }
0xba: {  	s3 =	sand.u32 $0x4000, s31;
	s1 =	sadd.s32 s1, s30  }
0xbb: {  	s0 =	sor.u32 s3, s0;
	s1 =	sshll.u32 s1, $0x11  }
0xbc: {  	s0 =	sor.u32 s1, s0  }
0xbd: {  	s0 =	sadd.s32 $0x8F2B, s0  }
0xbe: {  	[sflag:s0] =	ssyncadd.remote.s32 $0x1  }
0xbf: {  	_ =	sfence.sel $0xFFFF  }
0xc0: {  	[dreg:$0x0] =	wrdreg $0xFFFFFFFF;
	(pc) =	sbr.abs _section_cstart, $3  }
0xc1: {  	[dreg:$0x1] =	wrdreg $0xFFFFFFFF  }
0xc2: {  	_ =	task.clear_ibuf [dreg:s7], $0x2FFFF;
	_ =	strace $0x9FFFFFFF  }
0xc3: {  	(tm) =	ssettm $0x7FFFFFFF  }
tec
execute0_lowered:
.L_overlay_start_1:
0x0: {  	(tag) =	ssettag $0x1  }
0x1: {  	s5 =	rddreg [dreg:$0x0]  }
0x2: {  	s7 =	rddreg [dreg:$0x1]  }
0x3: {  	s0 =	srdreg.scid;
	s2 =	rddreg [dreg:$0x2]  }
0x4: {  	s3 =	simm.s32 $0x0;
	s13 =	simm.s32 $0x50;
	s14 =	simm.s32 $0x1  }
0x5: {  	s15 =	simm.s32 $0x2;
	s16 =	simm.s32 $0x26C0;
	s17 =	simm.s32 $0x0  }
0x6: {  	s4 =	sand.u32 $0x1, s0;
	s0 =	stileid.u32;
	[smem:$0x7FF] =	sst s3  }
0x7: {  	s1 =	sshll.u32 s4, $0x4;
	s8 =	smul.u32 $0x2780, s0;
	s9 =	ssub.s32 $0x2, s4  }
0x8: {  	s10 =	smul.u32 $0x27800, s4;
	s4 =	sadd.s32 $0x16200, s5;
	s31 =	sshll.u32 s0, $0x6  }
0x9: {  	s6 =	sor.u32 s0, s1;
	s1 =	rddreg [dreg:$0x3];
	s11 =	sshrl.u32 s9, $0x1  }
0xa: {  	_ =	strace $0x80000047;
	s6 =	smul.u32 $0x4E2, s6;
	s9 =	ssub.s32 s9, s11  }
0xb: {  	s10 =	sadd.s32 s8, s10;
	s12 =	sadd.s32 s8, s2;
	s11 =	sor.u32 $0x1C03, s31  }
0xc: {  	s30 =	sshrl.u32 s10, $0x3;
	s8 =	smax.u32 s9, $0x1;
	s9 =	simm.s32 $0x3  }
0xd: {  	s10 =	simm.s32 $0x2710;
	s12 =	sshrl.u32 s12, $0x3;
	s6 =	sadd.s32 s6, s5  }
0xe: {  	s5 =	sadd.s32 $0x15C00, s5;
	s7 =	sadd.s32 s7, s30;
	s6 =	sadd.s32 $0xBE00, s6  }
.LBB2_1:
0xf: {  	[tilespmem:s3], [sflag:$0x3] =	stream.linear.gather [hbm4b:s6+s3], $0x2710, $0x38;
	[tilespmem:$0x5390] =	vst v63  }
0x10: {  	_ =	swait.ge [sflag:s9], $0x2710  }
0x11: {  	[sflag:s9] =	ssyncset.done $0x0  }
0x12: {  	[sflag:s9] =	ssyncadd.s32 $0xFFFFD8F0  }
0x13: {  	[tilespmem:s10], [sflag:$0x3] =	stream.linear.gather [hbm4b:s4+s3], $0x500, $0x38;
	[tilespmem:$0x5390] =	vst v63  }
0x14: {  	_ =	swait.ge [sflag:s9], $0x500  }
0x15: {  	[sflag:s9] =	ssyncset.done $0x0  }
0x16: {  	[sflag:s9] =	ssyncadd.s32 $0xFFFFFB00  }
0x17: {  	[spmem:s12], [sflag:s11] =	dma.local [hbm:s5], $0x4F0  }
0x18: {  	_ =	swait.ge [sflag:s9], $0x4F0  }
0x19: {  	[sflag:s9] =	ssyncset.done $0x0  }
0x1a: {  	[sflag:s9] =	ssyncadd.s32 $0xFFFFFB10  }
0x1b: {  	[bflag:$0x0] =	sbarrier.arrive $0xFFFF  }
0x1c: {  	[spmem:s2] =	stream.indirect.scatter.add.f32 [tilespmem:s10], [sflag:$0x1], $0x10, s3, s13, $0xb8;
	[tilespmem:$0x5390] =	vst v63  }
0x1d: {  	_ = 	snop  }
0x1e: {  	[spmem:s2] =	stream.indirect.scatter.add.f32 [tilespmem:s10], [sflag:$0x2], $0x10, s13, s13, $0xb8;
	[tilespmem:$0x5390] =	vst v63  }
0x1f: {  	_ =	swait.ge [sflag:s14], $0x500  }
0x20: {  	[sflag:s14] =	ssyncset.done $0x0  }
0x21: {  	s18 =	simm.s32 $0xA0;
	[sflag:s14] =	ssyncadd.s32 $0xFFFFFB00  }
0x22: {  	[spmem:s2] =	stream.indirect.scatter.add.f32 [tilespmem:s10], [sflag:$0x1], $0x10, s18, s13, $0xb8;
	[tilespmem:$0x5390] =	vst v63  }
0x23: {  	_ =	swait.ge [sflag:s15], $0x500  }
0x24: {  	[sflag:s15] =	ssyncset.done $0x0  }
0x25: {  	s19 =	simm.s32 $0xF0;
	s18 =	simm.s32 $0xFFFF6A00;
	[sflag:s15] =	ssyncadd.s32 $0xFFFFFB00  }
.LBB2_2:
0x26: {  	[spmem:s2] =	stream.indirect.scatter.add.f32 [tilespmem:s10], [sflag:$0x2], $0x10, s19, s13, $0xb8;
	[tilespmem:$0x5390] =	vst v63  }
0x27: {  	s19 =	smov.u32 s18  }
0x28: {  	p0 =	sne.s32 s18, $0xFFFFFD80;
	s18 =	sadd.s32 $0x280, s18;
	_ =	swait.ge [sflag:s14], $0x500  }
0x29: {  	s19 =	sshra.s32 s19, $0x2;
	[sflag:s14] =	ssyncset.done $0x0  }
.Ltmp0:
0x2a: {  	s20 =	sadd.s32 $0x26C0, s19;
	[sflag:s14] =	ssyncadd.s32 $0xFFFFFB00;
	(pc) =	sbr.rel @p0 .LBB2_2-.Ltmp0, $4  }
0x2b: {  	[spmem:s2] =	stream.indirect.scatter.add.f32 [tilespmem:s10], [sflag:$0x1], $0x10, s20, s13, $0xb8;
	[tilespmem:$0x5390] =	vst v63  }
0x2c: {  	_ =	swait.ge [sflag:s15], $0x500  }
0x2d: {  	[sflag:s15] =	ssyncset.done $0x0  }
0x2e: {  	s19 =	sadd.s32 $0x2710, s19;
	[sflag:s15] =	ssyncadd.s32 $0xFFFFFB00  }
0x2f: {  	[spmem:s2] =	stream.indirect.scatter.add.f32 [tilespmem:s10], [sflag:$0x2], $0x10, s19, s13, $0xb8;
	[tilespmem:$0x5390] =	vst v63  }
0x30: {  	_ =	swait.ge [sflag:s14], $0x500  }
0x31: {  	[sflag:s14] =	ssyncset.done $0x0  }
0x32: {  	[sflag:s14] =	ssyncadd.s32 $0xFFFFFB00  }
0x33: {  	[spmem:s2] =	stream.indirect.scatter.add.f32 [tilespmem:s10], [sflag:$0x1], $0x10, s16, s13, $0xb8;
	[tilespmem:$0x5390] =	vst v63  }
0x34: {  	_ =	swait.ge [sflag:s14], $0x500  }
0x35: {  	[sflag:s14] =	ssyncset.done $0x0  }
0x36: {  	[sflag:s14] =	ssyncadd.s32 $0xFFFFFB00  }
0x37: {  	_ =	swait.ge [sflag:s15], $0x500  }
0x38: {  	s17 =	sadd.s32 $0x1, s17;
	[sflag:s15] =	ssyncset.done $0x0  }
0x39: {  	p0 =	sne.s32 s17, s8;
	[sflag:s15] =	ssyncadd.s32 $0xFFFFFB00  }
.Ltmp1:
0x3a: {  	[bflag:$0x0] =	sbarrier.arrive $0xFFFF;
	(pc) =	sbr.rel @p0 .LBB2_1-.Ltmp1, $4  }
0x3b: {  	[hbm:s7], [sflag:s11] =	dma.local [spmem:s12], $0x4F0  }
0x3c: {  	_ =	swait.ge [sflag:s9], $0x4F0  }
0x3d: {  	[sflag:s9] =	ssyncset.done $0x0  }
0x3e: {  	[sflag:s9] =	ssyncadd.s32 $0xFFFFFB10  }
0x3f: {  	_ =	sfence.sel $0x180000  }
0x40: {  	[bflag:$0x0] =	sbarrier.arrive $0xFFFF  }
0x41: {  	p0 =	sne.s32 s0, $0x0;
	_ =	strace $0x90000047  }
0x42: {  	s0 =	sadd.s32 @!p0 $0x100000, s1;
	[bflag:$0x2] =	sbarrier.arrive $0xFFFF  }
0x43: {  	[sflag:s0] =	ssyncadd.tile.s32 @!p0 $0x1;
	_ =	shalt  }
.Lfunc_end2:
_tile_overlayer_lowered:
.L_overlay_start_2:
0x44: {  	(tag) =	ssettag $0x2  }
0x45: {  	s0 =	rddreg [dreg:$0x0];
	s2 =	stileid.u32  }
0x46: {  	s1 =	rddreg [dreg:$0x1];
	p0 =	sne.s32 s2, $0x0  }
0x47: {  	s3 =	rddreg [dreg:$0x2];
	[bflag:$0x3] =	sbarrier.arrive $0xFFFF;
	s2 =	simm.s32 @!p0 $0x1C03  }
0x48: {  	[timem:s3], [sflag:s2] =	dma.local @!p0 [hbm:s0], s1  }
0x49: {  	s0 =	simm.s32 @!p0 $0x3  }
0x4a: {  	_ =	swait.ge @!p0 [sflag:s0], s1  }
0x4b: {  	s1 =	ssub.s32 @!p0 $0x0, s1;
	[sflag:s0] =	ssyncset.done @!p0 $0x0  }
0x4c: {  	[sflag:s0] =	ssyncadd.s32 @!p0 s1  }
0x4d: {  	[bflag:$0x3] =	sbarrier.arrive $0xFFFF  }
0x4e: {  	_ =	shalt  }

</sc_bundles>
